<compile_context>
chip_gen: v7x
topology: tpu7x:2x2x1
jax: 0.10.2.dev20260603
libtpu: 0.0.44.dev20260713+nightly
codegen_flags: <defaults>
</compile_context>

<pallas_src>
import dataclasses
import functools

import jax
import jax.numpy as jnp
from jax import lax
from jax.experimental import pallas as pl
from jax.experimental.pallas import tpu as pltpu
from jax.experimental.pallas import tpu_sc as plsc

_NUM_SC = 2
_NUM_SUBCORES = 16
_NW = _NUM_SC * _NUM_SUBCORES
_ACC = 144
_LANES = 16


def _sc_edge_pass(XL, XR, XE, src, dst, att, zacc, bsize):
    N, C = XL.shape
    E = src.shape[0]
    has_edge = XE is not None
    _B = bsize
    epw = E // _NW
    steps = epw // _B
    cchunk = 50
    nchunk = steps // cchunk
    src2 = src.reshape(E // _B, _B)
    dst2 = dst.reshape(E // _B, _B)
    nps = (N // _NUM_SUBCORES) // 8 * 8
    tail0 = nps * _NUM_SUBCORES
    ntail = N - tail0
    nchunks = C // _LANES

    mesh = plsc.VectorSubcoreMesh(core_axis_name="c", subcore_axis_name="s")
    slot_types = [
        pltpu.VMEM((_B, C), jnp.float32),
        pltpu.VMEM((_B, C), jnp.float32),
    ]
    if has_edge:
        slot_types.append(pltpu.VMEM((_B, C), jnp.float32))
    scratch = (
        [pltpu.VMEM_SHARED((N, _ACC), jnp.float32)]
        + slot_types + slot_types
        + [pltpu.VMEM((cchunk, _B), jnp.int32),
           pltpu.VMEM((cchunk, _B), jnp.int32),
           pltpu.VMEM((_B, _ACC), jnp.float32),
           pltpu.VMEM((C,), jnp.float32),
           pltpu.SemaphoreType.DMA,
           pltpu.SemaphoreType.DMA]
    )

    cp = pltpu.CompilerParams()
    if "needs_layout_passes" in pltpu.CompilerParams.__dataclass_fields__:
        cp = dataclasses.replace(cp, needs_layout_passes=False)
    if "use_tc_tiling_on_sc" in pltpu.CompilerParams.__dataclass_fields__:
        cp = dataclasses.replace(cp, use_tc_tiling_on_sc=False)

    @functools.partial(
        pl.kernel,
        out_type=jax.ShapeDtypeStruct((_NUM_SC, N, _ACC), jnp.float32),
        mesh=mesh,
        scratch_types=scratch,
        compiler_params=cp,
    )
    def edge_pass(*refs):
        nslot = 3 if has_edge else 2
        if has_edge:
            (xl_h, xr_h, xe_h, src_h, dst_h, att_h, z_h, out_h) = refs[:8]
        else:
            (xl_h, xr_h, src_h, dst_h, att_h, z_h, out_h) = refs[:7]
            xe_h = None
        rest = refs[8 if has_edge else 7:]
        acc_sh = rest[0]
        slot0 = rest[1:1 + nslot]
        slot1 = rest[1 + nslot:1 + 2 * nslot]
        srcc, dstc, sclv, attv, sem0, sem1 = rest[1 + 2 * nslot:]
        slots = (slot0, slot1)
        sems = (sem0, sem1)
        c = lax.axis_index("c")
        s = lax.axis_index("s")
        wid = c * _NUM_SUBCORES + s
        row0 = s * nps

        pltpu.sync_copy(z_h.at[pl.ds(row0, nps)], acc_sh.at[pl.ds(row0, nps)])
        if ntail:
            @pl.when(s == 0)
            def _():
                pltpu.sync_copy(z_h.at[pl.ds(tail0, ntail)],
                                acc_sh.at[pl.ds(tail0, ntail)])
        pltpu.sync_copy(att_h, attv)
        plsc.subcore_barrier()

        att_chunks = [attv[pl.ds(_LANES * k, _LANES)] for k in range(nchunks)]

        def compute_scatter(si, b):
            sl = slots[si]
            xlv, xrv = sl[0], sl[1]
            xev = sl[2] if has_edge else None

            def one_edge(e):
                acc = jnp.zeros((_LANES,), jnp.float32)
                xls = []
                for k in range(nchunks):
                    ck = pl.ds(_LANES * k, _LANES)
                    xlk = xlv[e, ck]
                    m = xlk + xlv[e, ck]
                    if has_edge:
                        m = m + xev[e, ck]
                    m = jnp.maximum(m, 0.2 * m)
                    acc = acc + att_chunks[k] * m
                    xls.append(xlk)
                exv = jnp.exp(jnp.full((_LANES,), jnp.sum(acc), jnp.float32))
                sclv[e, pl.ds(C, _LANES)] = exv
                for k in range(nchunks):
                    sclv[e, pl.ds(_LANES * k, _LANES)] = xls[k] * exv

            @pl.loop(0, _B, step=2)
            def _edge(e):
                one_edge(e)
                one_edge(e + 1)

            pltpu.sync_copy(sclv, acc_sh.at[dstc.at[b]], add=True)

        @pl.loop(0, nchunk)
        def _chunk(ch):
            rowbase = wid * steps + ch * cchunk
            pltpu.sync_copy(src_h.at[pl.ds(rowbase, cchunk)], srcc)
            pltpu.sync_copy(dst_h.at[pl.ds(rowbase, cchunk)], dstc)
            ebase = rowbase * _B

            def fire(si, b):
                sl = slots[si]
                pltpu.async_copy(xl_h.at[srcc.at[b]], sl[0], sems[si])
                if has_edge:
                    pltpu.async_copy(xe_h.at[pl.ds(ebase + b * _B, _B)],
                                     sl[2], sems[si])

            def drain(si, b):
                sl = slots[si]
                pltpu.make_async_copy(xl_h.at[srcc.at[b]], sl[0],
                                      sems[si]).wait()
                if has_edge:
                    pltpu.make_async_copy(xe_h.at[pl.ds(0, _B)], sl[2],
                                          sems[si]).wait()

            fire(0, 0)

            @pl.loop(0, cchunk // 2)
            def _pair(i):
                b0 = 2 * i
                fire(1, b0 + 1)
                drain(0, b0)
                compute_scatter(0, b0)

                @pl.when(i + 1 < cchunk // 2)
                def _():
                    fire(0, b0 + 2)

                drain(1, b0 + 1)
                compute_scatter(1, b0 + 1)

        plsc.subcore_barrier()
        pltpu.sync_copy(acc_sh.at[pl.ds(row0, nps)],
                        out_h.at[c, pl.ds(row0, nps)])
        if ntail:
            @pl.when(s == 0)
            def _():
                pltpu.sync_copy(acc_sh.at[pl.ds(tail0, ntail)],
                                out_h.at[c, pl.ds(tail0, ntail)])

    args = (XL, XR) + ((XE,) if has_edge else ()) + (src2, dst2, att, zacc)
    return edge_pass(*args)


def _mm2_body(x_ref, wl_ref, wr_ref, xl_ref, xr_ref):
    xb = x_ref[...]
    xl_ref[...] = jnp.dot(xb, wl_ref[...], preferred_element_type=jnp.float32)
    xr_ref[...] = jnp.dot(xb, wr_ref[...], preferred_element_type=jnp.float32)


def _mme_body(ea_ref, we_ref, xe_ref):
    xe_ref[...] = jnp.dot(ea_ref[...], we_ref[...],
                          preferred_element_type=jnp.float32)


def _fin1_body(acc_ref, b_ref, wl_ref, wr_ref, xl_ref, xr_ref):
    a = acc_ref[...]
    ssum = a[0] + a[1]
    num = ssum[:, :128]
    den = ssum[:, 128:129]
    h = num / (den + 1e-16) + b_ref[...]
    h = jnp.where(h > 0, h, jnp.exp(h) - 1.0)
    xl_ref[...] = jnp.dot(h, wl_ref[...], preferred_element_type=jnp.float32)
    xr_ref[...] = jnp.dot(h, wr_ref[...], preferred_element_type=jnp.float32)


def _fin2_body(acc_ref, b_ref, out_ref):
    a = acc_ref[...]
    ssum = a[0] + a[1]
    out_ref[...] = ssum[:, :128] / (ssum[:, 128:129] + 1e-16) + b_ref[...]


def kernel(x, edge_index, edge_attr, W1l, W1r, W1e, att1, b1, W2l, W2r,
           att2, b2):
    N, D = x.shape
    E = edge_index.shape[1]
    C = W1l.shape[1]
    DE = edge_attr.shape[1]
    src = edge_index[0]
    dst = edge_index[1]
    zacc = jnp.zeros((N, _ACC), jnp.float32)
    b1r = b1.reshape(1, C)
    b2r = b2.reshape(1, C)

    rb = 1000
    grid_n = N // rb
    eb = 4000
    grid_e = E // eb

    XL1, XR1 = pl.pallas_call(
        _mm2_body,
        grid=(grid_n,),
        in_specs=[pl.BlockSpec((rb, D), lambda i: (i, 0)),
                  pl.BlockSpec((D, C), lambda i: (0, 0)),
                  pl.BlockSpec((D, C), lambda i: (0, 0))],
        out_specs=[pl.BlockSpec((rb, C), lambda i: (i, 0)),
                   pl.BlockSpec((rb, C), lambda i: (i, 0))],
        out_shape=[jax.ShapeDtypeStruct((N, C), jnp.float32)] * 2,
    )(x, W1l, W1r)

    XE = pl.pallas_call(
        _mme_body,
        grid=(grid_e,),
        in_specs=[pl.BlockSpec((eb, DE), lambda i: (i, 0)),
                  pl.BlockSpec((DE, C), lambda i: (0, 0))],
        out_specs=pl.BlockSpec((eb, C), lambda i: (i, 0)),
        out_shape=jax.ShapeDtypeStruct((E, C), jnp.float32),
    )(edge_attr, W1e)

    acc1 = _sc_edge_pass(XL1, XR1, XE, src, dst, att1.reshape(C), zacc, 40)

    XL2, XR2 = pl.pallas_call(
        _fin1_body,
        grid=(grid_n,),
        in_specs=[pl.BlockSpec((_NUM_SC, rb, _ACC), lambda i: (0, i, 0)),
                  pl.BlockSpec((1, C), lambda i: (0, 0)),
                  pl.BlockSpec((C, C), lambda i: (0, 0)),
                  pl.BlockSpec((C, C), lambda i: (0, 0))],
        out_specs=[pl.BlockSpec((rb, C), lambda i: (i, 0)),
                   pl.BlockSpec((rb, C), lambda i: (i, 0))],
        out_shape=[jax.ShapeDtypeStruct((N, C), jnp.float32)] * 2,
    )(acc1, b1r, W2l, W2r)

    acc2 = _sc_edge_pass(XL2, XR2, None, src, dst, att2.reshape(C), zacc, 40)

    out = pl.pallas_call(
        _fin2_body,
        grid=(grid_n,),
        in_specs=[pl.BlockSpec((_NUM_SC, rb, _ACC), lambda i: (0, i, 0)),
                  pl.BlockSpec((1, C), lambda i: (0, 0))],
        out_specs=pl.BlockSpec((rb, C), lambda i: (i, 0)),
        out_shape=jax.ShapeDtypeStruct((N, C), jnp.float32),
    )(acc2, b2r)

    return out

# --- scband reference (transcript-rebuilt; emitter-appended) ---
"""Pipeline reference for scband-gatv2-32427003084907 (READ-ONLY COPY).

The authoritative reference and input builder live on the scoring server;
editing this copy changes nothing except your own understanding.
"""

import jax, jax.numpy as jnp
import numpy as np

N = 10000
E = 320000
D = 128
D_EDGE = 16
H = 1
C = 128


def setup_inputs(seed: int = 0) -> dict:
    key = jax.random.key(seed)
    ks = jax.random.split(key, 12)
    x = jax.random.normal(ks[0], (N, D), dtype=jnp.float32)
    edge_index = jax.random.randint(ks[1], (2, E), 0, N, dtype=jnp.int32)
    edge_attr = jax.random.normal(ks[2], (E, D_EDGE), dtype=jnp.float32)
    s = 0.1
    W1l = jax.random.normal(ks[3], (D, H * C), dtype=jnp.float32) * s
    W1r = jax.random.normal(ks[4], (D, H * C), dtype=jnp.float32) * s
    W1e = jax.random.normal(ks[5], (D_EDGE, H * C), dtype=jnp.float32) * s
    att1 = jax.random.normal(ks[6], (H, C), dtype=jnp.float32) * s
    b1 = jnp.zeros((H * C,), dtype=jnp.float32)
    W2l = jax.random.normal(ks[7], (H * C, H * C), dtype=jnp.float32) * s
    W2r = jax.random.normal(ks[8], (H * C, H * C), dtype=jnp.float32) * s
    att2 = jax.random.normal(ks[9], (H, C), dtype=jnp.float32) * s
    b2 = jnp.zeros((C,), dtype=jnp.float32)
    return {"x": x, "edge_index": edge_index, "edge_attr": edge_attr,
            "W1l": W1l, "W1r": W1r, "W1e": W1e, "att1": att1, "b1": b1,
            "W2l": W2l, "W2r": W2r, "att2": att2, "b2": b2}


def gatv2_layer(x, edge_index, Wl, Wr, att, b, edge_attr=None, We=None, concat=True):
    src = edge_index[0]
    dst = edge_index[1]
    n = x.shape[0]
    xl = (x @ Wl).reshape(n, H, C)
    xr = (x @ Wr).reshape(n, H, C)
    m = xl[src] + xr[dst]
    if edge_attr is not None:
        m = m + (edge_attr @ We).reshape(-1, H, C)
    e = jax.nn.leaky_relu(m, negative_slope=0.2)
    alpha = jnp.sum(e * att[None, :, :], axis=-1)  # [E, H]
    amax = jax.ops.segment_max(alpha, dst, num_segments=n)
    amax = jnp.where(jnp.isfinite(amax), amax, 0.0)
    ex = jnp.exp(alpha - amax[dst])
    denom = jax.ops.segment_sum(ex, dst, num_segments=n)
    w = ex / (denom[dst] + 1e-16)
    out = jax.ops.segment_sum(xl[src] * w[:, :, None], dst, num_segments=n)
    if concat:
        out = out.reshape(n, H * C)
    else:
        out = out.mean(axis=1)
    return out + b


def reference(x, edge_index, edge_attr, W1l, W1r, W1e, att1, b1, W2l, W2r, att2, b2):
    # dropout is a no-op in eval mode
    h = gatv2_layer(x, edge_index, W1l, W1r, att1, b1, edge_attr=edge_attr, We=W1e, concat=True)
    h = jax.nn.elu(h)
    out = gatv2_layer(h, edge_index, W2l, W2r, att2, b2, edge_attr=None, We=None, concat=False)
    return out

if __name__ == "__main__":
    import jax
    _d = setup_inputs()
    print(jax.jit(kernel)(*tuple(_d.values())))

</pallas_src>

<mosaic_0001>
#map = affine_map<(d0, d1) -> (0, 0)>
#map1 = affine_map<(d0, d1) -> (0)>
#map2 = affine_map<(d0, d1) -> (0, 0, 0)>
module attributes {stable_mosaic.version = 14 : i64} {
  func.func @edge_pass(%arg0: i32, %arg1: i32, %arg2: memref<10000x128xf32, #tpu.memory_space<hbm>>, %arg3: memref<10000x128xf32, #tpu.memory_space<hbm>>, %arg4: memref<320000x128xf32, #tpu.memory_space<hbm>>, %arg5: memref<8000x40xi32, #tpu.memory_space<hbm>>, %arg6: memref<8000x40xi32, #tpu.memory_space<hbm>>, %arg7: memref<128xf32, #tpu.memory_space<hbm>>, %arg8: memref<10000x144xf32, #tpu.memory_space<hbm>>, %arg9: memref<2x10000x144xf32, #tpu.memory_space<hbm>>, %arg10: memref<10000x144xf32, #tpu.memory_space<vmem_shared>>, %arg11: memref<40x128xf32, #tpu.memory_space<vmem>>, %arg12: memref<40x128xf32, #tpu.memory_space<vmem>>, %arg13: memref<40x128xf32, #tpu.memory_space<vmem>>, %arg14: memref<40x128xf32, #tpu.memory_space<vmem>>, %arg15: memref<40x128xf32, #tpu.memory_space<vmem>>, %arg16: memref<40x128xf32, #tpu.memory_space<vmem>>, %arg17: memref<50x40xi32, #tpu.memory_space<vmem>>, %arg18: memref<50x40xi32, #tpu.memory_space<vmem>>, %arg19: memref<40x144xf32, #tpu.memory_space<vmem>>, %arg20: memref<128xf32, #tpu.memory_space<vmem>>, %arg21: memref<!tpu.dma_semaphore, #tpu.memory_space<semaphore_mem>>, %arg22: memref<!tpu.dma_semaphore, #tpu.memory_space<semaphore_mem>>) attributes {dimension_semantics = [#tpu.dimension_semantics<core_parallel>, #tpu.dimension_semantics<subcore_parallel>], iteration_bounds = array<i64: 2, 16>, scalar_prefetch = 0 : i64, scratch_operands = 13 : i64, tpu.core_type = #tpu.core_type<sc_vector_subcore>, window_params = [{transform_indices = #map}, {transform_indices = #map}, {transform_indices = #map}, {transform_indices = #map}, {transform_indices = #map}, {transform_indices = #map1}, {transform_indices = #map}, {transform_indices = #map2}]} {
    %mul3A = arith.constant 16 : i32
    %mul3A_0 = arith.muli %arg0, %mul3A : i32
    %add3A = arith.addi %mul3A_0, %arg1 : i32
    %mul3A_1 = arith.constant 624 : i32
    %mul3A_2 = arith.muli %arg1, %mul3A_1 : i32
    "tpu.region"() ({
      %run_scoped3A = tpu.sem_alloc : memref<!tpu.dma_semaphore, #tpu.memory_space<semaphore_mem>>
      %dma_start3A = arith.constant 0 : i32
      %dma_start3A_30 = tpu.memref_slice %arg10[%mul3A_2, %dma_start3A] : memref<10000x144xf32, #tpu.memory_space<vmem_shared>> -> memref<624x144xf32, #tpu.memory_space<vmem_shared>>
      %dma_start3A_31 = arith.constant 0 : i32
      %dma_start3A_32 = tpu.memref_slice %arg8[%mul3A_2, %dma_start3A_31] : memref<10000x144xf32, #tpu.memory_space<hbm>> -> memref<624x144xf32, #tpu.memory_space<hbm>>
      tpu.enqueue_dma source(%dma_start3A_32 : memref<624x144xf32, #tpu.memory_space<hbm>>) target(%dma_start3A_30 : memref<624x144xf32, #tpu.memory_space<vmem_shared>>) target_semaphore(%run_scoped3A : memref<!tpu.dma_semaphore, #tpu.memory_space<semaphore_mem>>)
      %dma_wait3A = arith.constant 0 : i32
      %dma_wait3A_33 = tpu.memref_slice %arg10[%mul3A_2, %dma_wait3A] : memref<10000x144xf32, #tpu.memory_space<vmem_shared>> -> memref<624x144xf32, #tpu.memory_space<vmem_shared>>
      %dma_wait3A_34 = arith.constant 0 : i32
      %dma_wait3A_35 = tpu.memref_slice %arg8[%mul3A_2, %dma_wait3A_34] : memref<10000x144xf32, #tpu.memory_space<hbm>> -> memref<624x144xf32, #tpu.memory_space<hbm>>
      tpu.wait_dma2 semaphore(%run_scoped3A : memref<!tpu.dma_semaphore, #tpu.memory_space<semaphore_mem>>) src(%dma_wait3A_35 : memref<624x144xf32, #tpu.memory_space<hbm>>) dst(%dma_wait3A_33 : memref<624x144xf32, #tpu.memory_space<vmem_shared>>)
      tpu.yield
    }) : () -> ()
    %eq3A = arith.constant 0 : i32
    %eq3A_3 = arith.cmpi eq, %arg1, %eq3A : i32
    %convert_element_type3A = arith.extui %eq3A_3 : i1 to i32
    %cond3A = arith.constant 0 : i32
    %cond3A_4 = arith.cmpi ne, %convert_element_type3A, %cond3A : i32
    scf.if %cond3A_4 {
      "tpu.region"() ({
        %run_scoped3A = tpu.sem_alloc : memref<!tpu.dma_semaphore, #tpu.memory_space<semaphore_mem>>
        %dma_start3A = arith.constant 9984 : i32
        %dma_start3A_30 = arith.constant 0 : i32
        %dma_start3A_31 = tpu.memref_slice %arg10[%dma_start3A, %dma_start3A_30] : memref<10000x144xf32, #tpu.memory_space<vmem_shared>> -> memref<16x144xf32, #tpu.memory_space<vmem_shared>>
        %dma_start3A_32 = arith.constant 9984 : i32
        %dma_start3A_33 = arith.constant 0 : i32
        %dma_start3A_34 = tpu.memref_slice %arg8[%dma_start3A_32, %dma_start3A_33] : memref<10000x144xf32, #tpu.memory_space<hbm>> -> memref<16x144xf32, #tpu.memory_space<hbm>>
        tpu.enqueue_dma source(%dma_start3A_34 : memref<16x144xf32, #tpu.memory_space<hbm>>) target(%dma_start3A_31 : memref<16x144xf32, #tpu.memory_space<vmem_shared>>) target_semaphore(%run_scoped3A : memref<!tpu.dma_semaphore, #tpu.memory_space<semaphore_mem>>)
        %dma_wait3A = arith.constant 9984 : i32
        %dma_wait3A_35 = arith.constant 0 : i32
        %dma_wait3A_36 = tpu.memref_slice %arg10[%dma_wait3A, %dma_wait3A_35] : memref<10000x144xf32, #tpu.memory_space<vmem_shared>> -> memref<16x144xf32, #tpu.memory_space<vmem_shared>>
        %dma_wait3A_37 = arith.constant 9984 : i32
        %dma_wait3A_38 = arith.constant 0 : i32
        %dma_wait3A_39 = tpu.memref_slice %arg8[%dma_wait3A_37, %dma_wait3A_38] : memref<10000x144xf32, #tpu.memory_space<hbm>> -> memref<16x144xf32, #tpu.memory_space<hbm>>
        tpu.wait_dma2 semaphore(%run_scoped3A : memref<!tpu.dma_semaphore, #tpu.memory_space<semaphore_mem>>) src(%dma_wait3A_39 : memref<16x144xf32, #tpu.memory_space<hbm>>) dst(%dma_wait3A_36 : memref<16x144xf32, #tpu.memory_space<vmem_shared>>)
        tpu.yield
      }) : () -> ()
    } else {
    }
    "tpu.region"() ({
      %run_scoped3A = tpu.sem_alloc : memref<!tpu.dma_semaphore, #tpu.memory_space<semaphore_mem>>
      tpu.enqueue_dma source(%arg7 : memref<128xf32, #tpu.memory_space<hbm>>) target(%arg20 : memref<128xf32, #tpu.memory_space<vmem>>) target_semaphore(%run_scoped3A : memref<!tpu.dma_semaphore, #tpu.memory_space<semaphore_mem>>)
      tpu.wait_dma2 semaphore(%run_scoped3A : memref<!tpu.dma_semaphore, #tpu.memory_space<semaphore_mem>>) src(%arg7 : memref<128xf32, #tpu.memory_space<hbm>>) dst(%arg20 : memref<128xf32, #tpu.memory_space<vmem>>)
      tpu.yield
    }) : () -> ()
    %barrier3A = arith.constant 0 : index
    tpu.barrier barrier_id(%barrier3A)
    %get3A = arith.constant 0 : index
    %get3A_5 = tpu.vector_load %arg20[%get3A] {strides = array<i32>} : memref<128xf32, #tpu.memory_space<vmem>>, vector<16xf32>,
    %get3A_6 = arith.constant 16 : index
    %get3A_7 = tpu.vector_load %arg20[%get3A_6] {strides = array<i32>} : memref<128xf32, #tpu.memory_space<vmem>>, vector<16xf32>,
    %get3A_8 = arith.constant 32 : index
    %get3A_9 = tpu.vector_load %arg20[%get3A_8] {strides = array<i32>} : memref<128xf32, #tpu.memory_space<vmem>>, vector<16xf32>,
    %get3A_10 = arith.constant 48 : index
    %get3A_11 = tpu.vector_load %arg20[%get3A_10] {strides = array<i32>} : memref<128xf32, #tpu.memory_space<vmem>>, vector<16xf32>,
    %get3A_12 = arith.constant 64 : index
    %get3A_13 = tpu.vector_load %arg20[%get3A_12] {strides = array<i32>} : memref<128xf32, #tpu.memory_space<vmem>>, vector<16xf32>,
    %get3A_14 = arith.constant 80 : index
    %get3A_15 = tpu.vector_load %arg20[%get3A_14] {strides = array<i32>} : memref<128xf32, #tpu.memory_space<vmem>>, vector<16xf32>,
    %get3A_16 = arith.constant 96 : index
    %get3A_17 = tpu.vector_load %arg20[%get3A_16] {strides = array<i32>} : memref<128xf32, #tpu.memory_space<vmem>>, vector<16xf32>,
    %get3A_18 = arith.constant 112 : index
    %get3A_19 = tpu.vector_load %arg20[%get3A_18] {strides = array<i32>} : memref<128xf32, #tpu.memory_space<vmem>>, vector<16xf32>,
    %scan3A = arith.constant 0 : i32
    %scan3A_20 = arith.constant 5 : i32
    %scan3A_21 = arith.addi %scan3A, %scan3A_20 : i32
    %scan3A_22 = arith.constant 1 : i32
    scf.for %scan3A_30 = %scan3A to %scan3A_21 step %scan3A_22  : i32 {
      %mul3A_31 = arith.constant 1 : i32
      %mul3A_32 = arith.muli %scan3A_30, %mul3A_31 : i32
      %add3A_33 = arith.constant 0 : i32
      %add3A_34 = arith.addi %add3A_33, %mul3A_32 : i32
      %mul3A_35 = arith.constant 250 : i32
      %mul3A_36 = arith.muli %add3A, %mul3A_35 : i32
      %mul3A_37 = arith.constant 50 : i32
      %mul3A_38 = arith.muli %add3A_34, %mul3A_37 : i32
      %add3A_39 = arith.addi %mul3A_36, %mul3A_38 : i32
      "tpu.region"() ({
        %run_scoped3A = tpu.sem_alloc : memref<!tpu.dma_semaphore, #tpu.memory_space<semaphore_mem>>
        %dma_start3A_59 = arith.constant 0 : i32
        %dma_start3A_60 = tpu.memref_slice %arg5[%add3A_39, %dma_start3A_59] : memref<8000x40xi32, #tpu.memory_space<hbm>> -> memref<50x40xi32, #tpu.memory_space<hbm>>
        %dma_start3A_61 = arith.constant 0 : i32
        %dma_start3A_62 = tpu.memref_slice %arg5[%add3A_39, %dma_start3A_61] : memref<8000x40xi32, #tpu.memory_space<hbm>> -> memref<50x40xi32, #tpu.memory_space<hbm>>
        tpu.enqueue_dma source(%dma_start3A_62 : memref<50x40xi32, #tpu.memory_space<hbm>>) target(%arg17 : memref<50x40xi32, #tpu.memory_space<vmem>>) target_semaphore(%run_scoped3A : memref<!tpu.dma_semaphore, #tpu.memory_space<semaphore_mem>>)
        %dma_wait3A = arith.constant 0 : i32
        %dma_wait3A_63 = tpu.memref_slice %arg5[%add3A_39, %dma_wait3A] : memref<8000x40xi32, #tpu.memory_space<hbm>> -> memref<50x40xi32, #tpu.memory_space<hbm>>
        %dma_wait3A_64 = arith.constant 0 : i32
        %dma_wait3A_65 = tpu.memref_slice %arg5[%add3A_39, %dma_wait3A_64] : memref<8000x40xi32, #tpu.memory_space<hbm>> -> memref<50x40xi32, #tpu.memory_space<hbm>>
        tpu.wait_dma2 semaphore(%run_scoped3A : memref<!tpu.dma_semaphore, #tpu.memory_space<semaphore_mem>>) src(%dma_wait3A_65 : memref<50x40xi32, #tpu.memory_space<hbm>>) dst(%arg17 : memref<50x40xi32, #tpu.memory_space<vmem>>)
        tpu.yield
      }) : () -> ()
      "tpu.region"() ({
        %run_scoped3A = tpu.sem_alloc : memref<!tpu.dma_semaphore, #tpu.memory_space<semaphore_mem>>
        %dma_start3A_59 = arith.constant 0 : i32
        %dma_start3A_60 = tpu.memref_slice %arg6[%add3A_39, %dma_start3A_59] : memref<8000x40xi32, #tpu.memory_space<hbm>> -> memref<50x40xi32, #tpu.memory_space<hbm>>
        %dma_start3A_61 = arith.constant 0 : i32
        %dma_start3A_62 = tpu.memref_slice %arg6[%add3A_39, %dma_start3A_61] : memref<8000x40xi32, #tpu.memory_space<hbm>> -> memref<50x40xi32, #tpu.memory_space<hbm>>
        tpu.enqueue_dma source(%dma_start3A_62 : memref<50x40xi32, #tpu.memory_space<hbm>>) target(%arg18 : memref<50x40xi32, #tpu.memory_space<vmem>>) target_semaphore(%run_scoped3A : memref<!tpu.dma_semaphore, #tpu.memory_space<semaphore_mem>>)
        %dma_wait3A = arith.constant 0 : i32
        %dma_wait3A_63 = tpu.memref_slice %arg6[%add3A_39, %dma_wait3A] : memref<8000x40xi32, #tpu.memory_space<hbm>> -> memref<50x40xi32, #tpu.memory_space<hbm>>
        %dma_wait3A_64 = arith.constant 0 : i32
        %dma_wait3A_65 = tpu.memref_slice %arg6[%add3A_39, %dma_wait3A_64] : memref<8000x40xi32, #tpu.memory_space<hbm>> -> memref<50x40xi32, #tpu.memory_space<hbm>>
        tpu.wait_dma2 semaphore(%run_scoped3A : memref<!tpu.dma_semaphore, #tpu.memory_space<semaphore_mem>>) src(%dma_wait3A_65 : memref<50x40xi32, #tpu.memory_space<hbm>>) dst(%arg18 : memref<50x40xi32, #tpu.memory_space<vmem>>)
        tpu.yield
      }) : () -> ()
      %mul3A_40 = arith.constant 40 : i32
      %mul3A_41 = arith.muli %add3A_39, %mul3A_40 : i32
      %dma_start3A = arith.constant 0 : i32
      %dma_start3A_42 = arith.constant 0 : i32
      %dma_start3A_43 = tpu.memref_slice %arg17[%dma_start3A, %dma_start3A_42] : memref<50x40xi32, #tpu.memory_space<vmem>> -> memref<1x40xi32, #tpu.memory_space<vmem>>
      %dma_start3A_44 = tpu.memref_squeeze %dma_start3A_43 : memref<1x40xi32, #tpu.memory_space<vmem>> -> memref<40xi32, #tpu.memory_space<vmem>>
      %dma_start3A_45 = arith.constant 0 : i32
      %dma_start3A_46 = arith.constant 0 : i32
      %dma_start3A_47 = tpu.memref_slice %arg2[%dma_start3A_45, %dma_start3A_46] : memref<10000x128xf32, #tpu.memory_space<hbm>> -> memref<10000x128xf32, #tpu.memory_space<hbm>>
      tpu.enqueue_indirect_dma source(%dma_start3A_47 : memref<10000x128xf32, #tpu.memory_space<hbm>>) target(%arg11 : memref<40x128xf32, #tpu.memory_space<vmem>>) offsets(%dma_start3A_44 : memref<40xi32, #tpu.memory_space<vmem>>) semaphore(%arg21 : memref<!tpu.dma_semaphore, #tpu.memory_space<semaphore_mem>>)
      %add3A_48 = arith.constant 0 : i32
      %add3A_49 = arith.addi %mul3A_41, %add3A_48 : i32
      %dma_start3A_50 = arith.constant 0 : i32
      %dma_start3A_51 = tpu.memref_slice %arg4[%add3A_49, %dma_start3A_50] : memref<320000x128xf32, #tpu.memory_space<hbm>> -> memref<40x128xf32, #tpu.memory_space<hbm>>
      %dma_start3A_52 = arith.constant 0 : i32
      %dma_start3A_53 = tpu.memref_slice %arg4[%add3A_49, %dma_start3A_52] : memref<320000x128xf32, #tpu.memory_space<hbm>> -> memref<40x128xf32, #tpu.memory_space<hbm>>
      tpu.enqueue_dma source(%dma_start3A_53 : memref<40x128xf32, #tpu.memory_space<hbm>>) target(%arg13 : memref<40x128xf32, #tpu.memory_space<vmem>>) target_semaphore(%arg21 : memref<!tpu.dma_semaphore, #tpu.memory_space<semaphore_mem>>)
      %scan3A_54 = arith.constant 0 : i32
      %scan3A_55 = arith.constant 25 : i32
      %scan3A_56 = arith.addi %scan3A_54, %scan3A_55 : i32
      %scan3A_57 = arith.constant 1 : i32
      scf.for %scan3A_59 = %scan3A_54 to %scan3A_56 step %scan3A_57  : i32 {
        %mul3A_60 = arith.constant 1 : i32
        %mul3A_61 = arith.muli %scan3A_59, %mul3A_60 : i32
        %add3A_62 = arith.constant 0 : i32
        %add3A_63 = arith.addi %add3A_62, %mul3A_61 : i32
        %mul3A_64 = arith.constant 2 : i32
        %mul3A_65 = arith.muli %mul3A_64, %add3A_63 : i32
        %add3A_66 = arith.constant 1 : i32
        %add3A_67 = arith.addi %mul3A_65, %add3A_66 : i32
        %dma_start3A_68 = arith.constant 0 : i32
        %dma_start3A_69 = tpu.memref_slice %arg17[%add3A_67, %dma_start3A_68] : memref<50x40xi32, #tpu.memory_space<vmem>> -> memref<1x40xi32, #tpu.memory_space<vmem>>
        %dma_start3A_70 = tpu.memref_squeeze %dma_start3A_69 : memref<1x40xi32, #tpu.memory_space<vmem>> -> memref<40xi32, #tpu.memory_space<vmem>>
        %dma_start3A_71 = arith.constant 0 : i32
        %dma_start3A_72 = arith.constant 0 : i32
        %dma_start3A_73 = tpu.memref_slice %arg2[%dma_start3A_71, %dma_start3A_72] : memref<10000x128xf32, #tpu.memory_space<hbm>> -> memref<10000x128xf32, #tpu.memory_space<hbm>>
        tpu.enqueue_indirect_dma source(%dma_start3A_73 : memref<10000x128xf32, #tpu.memory_space<hbm>>) target(%arg14 : memref<40x128xf32, #tpu.memory_space<vmem>>) offsets(%dma_start3A_70 : memref<40xi32, #tpu.memory_space<vmem>>) semaphore(%arg22 : memref<!tpu.dma_semaphore, #tpu.memory_space<semaphore_mem>>)
        %mul3A_74 = arith.constant 40 : i32
        %mul3A_75 = arith.muli %add3A_67, %mul3A_74 : i32
        %add3A_76 = arith.addi %mul3A_41, %mul3A_75 : i32
        %dma_start3A_77 = arith.constant 0 : i32
        %dma_start3A_78 = tpu.memref_slice %arg4[%add3A_76, %dma_start3A_77] : memref<320000x128xf32, #tpu.memory_space<hbm>> -> memref<40x128xf32, #tpu.memory_space<hbm>>
        %dma_start3A_79 = arith.constant 0 : i32
        %dma_start3A_80 = tpu.memref_slice %arg4[%add3A_76, %dma_start3A_79] : memref<320000x128xf32, #tpu.memory_space<hbm>> -> memref<40x128xf32, #tpu.memory_space<hbm>>
        tpu.enqueue_dma source(%dma_start3A_80 : memref<40x128xf32, #tpu.memory_space<hbm>>) target(%arg16 : memref<40x128xf32, #tpu.memory_space<vmem>>) target_semaphore(%arg22 : memref<!tpu.dma_semaphore, #tpu.memory_space<semaphore_mem>>)
        %dma_wait3A = arith.constant 0 : i32
        %dma_wait3A_81 = tpu.memref_slice %arg17[%mul3A_65, %dma_wait3A] : memref<50x40xi32, #tpu.memory_space<vmem>> -> memref<1x40xi32, #tpu.memory_space<vmem>>
        %dma_wait3A_82 = tpu.memref_squeeze %dma_wait3A_81 : memref<1x40xi32, #tpu.memory_space<vmem>> -> memref<40xi32, #tpu.memory_space<vmem>>
        %dma_wait3A_83 = arith.constant 0 : i32
        %dma_wait3A_84 = arith.constant 0 : i32
        %dma_wait3A_85 = tpu.memref_slice %arg2[%dma_wait3A_83, %dma_wait3A_84] : memref<10000x128xf32, #tpu.memory_space<hbm>> -> memref<10000x128xf32, #tpu.memory_space<hbm>>
        tpu.wait_indirect_dma semaphore(%arg21 : memref<!tpu.dma_semaphore, #tpu.memory_space<semaphore_mem>>) src(%dma_wait3A_85 : memref<10000x128xf32, #tpu.memory_space<hbm>>) dst(%arg11 : memref<40x128xf32, #tpu.memory_space<vmem>>)
        %dma_wait3A_86 = arith.constant 0 : i32
        %dma_wait3A_87 = arith.constant 0 : i32
        %dma_wait3A_88 = tpu.memref_slice %arg4[%dma_wait3A_86, %dma_wait3A_87] : memref<320000x128xf32, #tpu.memory_space<hbm>> -> memref<40x128xf32, #tpu.memory_space<hbm>>
        %dma_wait3A_89 = arith.constant 0 : i32
        %dma_wait3A_90 = arith.constant 0 : i32
        %dma_wait3A_91 = tpu.memref_slice %arg4[%dma_wait3A_89, %dma_wait3A_90] : memref<320000x128xf32, #tpu.memory_space<hbm>> -> memref<40x128xf32, #tpu.memory_space<hbm>>
        tpu.wait_dma2 semaphore(%arg21 : memref<!tpu.dma_semaphore, #tpu.memory_space<semaphore_mem>>) src(%dma_wait3A_91 : memref<40x128xf32, #tpu.memory_space<hbm>>) dst(%arg13 : memref<40x128xf32, #tpu.memory_space<vmem>>)
        %scan3A_92 = arith.constant 0 : i32
        %scan3A_93 = arith.constant 20 : i32
        %scan3A_94 = arith.addi %scan3A_92, %scan3A_93 : i32
        %scan3A_95 = arith.constant 1 : i32
        scf.for %scan3A_124 = %scan3A_92 to %scan3A_94 step %scan3A_95  : i32 {
          %mul3A_125 = arith.constant 2 : i32
          %mul3A_126 = arith.muli %scan3A_124, %mul3A_125 : i32
          %add3A_127 = arith.constant 0 : i32
          %add3A_128 = arith.addi %add3A_127, %mul3A_126 : i32
          %broadcast_in_dim3A = arith.constant 0.000000e+00 : f32
          %broadcast_in_dim3A_129 = vector.broadcast %broadcast_in_dim3A : f32 to vector<16xf32>
          %get3A_130 = arith.index_cast %add3A_128 : i32 to index
          %get3A_131 = arith.constant 0 : index
          %get3A_132 = tpu.vector_load %arg11[%get3A_130, %get3A_131] {strides = array<i32>} : memref<40x128xf32, #tpu.memory_space<vmem>>, vector<16xf32>,
          %get3A_133 = arith.index_cast %add3A_128 : i32 to index
          %get3A_134 = arith.constant 0 : index
          %get3A_135 = tpu.vector_load %arg11[%get3A_133, %get3A_134] {strides = array<i32>} : memref<40x128xf32, #tpu.memory_space<vmem>>, vector<16xf32>,
          %add3A_136 = arith.addf %get3A_132, %get3A_135 : vector<16xf32>
          %get3A_137 = arith.index_cast %add3A_128 : i32 to index
          %get3A_138 = arith.constant 0 : index
          %get3A_139 = tpu.vector_load %arg13[%get3A_137, %get3A_138] {strides = array<i32>} : memref<40x128xf32, #tpu.memory_space<vmem>>, vector<16xf32>,
          %add3A_140 = arith.addf %add3A_136, %get3A_139 : vector<16xf32>
          %mul3A_141 = arith.constant 2.000000e-01 : f32
          %mul3A_142 = vector.broadcast %mul3A_141 : f32 to vector<16xf32>
          %mul3A_143 = arith.mulf %mul3A_142, %add3A_140 : vector<16xf32>
          %max3A = arith.maximumf %add3A_140, %mul3A_143 : vector<16xf32>
          %mul3A_144 = arith.mulf %get3A_5, %max3A : vector<16xf32>
          %add3A_145 = arith.addf %broadcast_in_dim3A_129, %mul3A_144 : vector<16xf32>
          %get3A_146 = arith.index_cast %add3A_128 : i32 to index
          %get3A_147 = arith.constant 16 : index
          %get3A_148 = tpu.vector_load %arg11[%get3A_146, %get3A_147] {strides = array<i32>} : memref<40x128xf32, #tpu.memory_space<vmem>>, vector<16xf32>,
          %get3A_149 = arith.index_cast %add3A_128 : i32 to index
          %get3A_150 = arith.constant 16 : index
          %get3A_151 = tpu.vector_load %arg11[%get3A_149, %get3A_150] {strides = array<i32>} : memref<40x128xf32, #tpu.memory_space<vmem>>, vector<16xf32>,
          %add3A_152 = arith.addf %get3A_148, %get3A_151 : vector<16xf32>
          %get3A_153 = arith.index_cast %add3A_128 : i32 to index
          %get3A_154 = arith.constant 16 : index
          %get3A_155 = tpu.vector_load %arg13[%get3A_153, %get3A_154] {strides = array<i32>} : memref<40x128xf32, #tpu.memory_space<vmem>>, vector<16xf32>,
          %add3A_156 = arith.addf %add3A_152, %get3A_155 : vector<16xf32>
          %mul3A_157 = arith.constant 2.000000e-01 : f32
          %mul3A_158 = vector.broadcast %mul3A_157 : f32 to vector<16xf32>
          %mul3A_159 = arith.mulf %mul3A_158, %add3A_156 : vector<16xf32>
          %max3A_160 = arith.maximumf %add3A_156, %mul3A_159 : vector<16xf32>
          %mul3A_161 = arith.mulf %get3A_7, %max3A_160 : vector<16xf32>
          %add3A_162 = arith.addf %add3A_145, %mul3A_161 : vector<16xf32>
          %get3A_163 = arith.index_cast %add3A_128 : i32 to index
          %get3A_164 = arith.constant 32 : index
          %get3A_165 = tpu.vector_load %arg11[%get3A_163, %get3A_164] {strides = array<i32>} : memref<40x128xf32, #tpu.memory_space<vmem>>, vector<16xf32>,
          %get3A_166 = arith.index_cast %add3A_128 : i32 to index
          %get3A_167 = arith.constant 32 : index
          %get3A_168 = tpu.vector_load %arg11[%get3A_166, %get3A_167] {strides = array<i32>} : memref<40x128xf32, #tpu.memory_space<vmem>>, vector<16xf32>,
          %add3A_169 = arith.addf %get3A_165, %get3A_168 : vector<16xf32>
          %get3A_170 = arith.index_cast %add3A_128 : i32 to index
          %get3A_171 = arith.constant 32 : index
          %get3A_172 = tpu.vector_load %arg13[%get3A_170, %get3A_171] {strides = array<i32>} : memref<40x128xf32, #tpu.memory_space<vmem>>, vector<16xf32>,
          %add3A_173 = arith.addf %add3A_169, %get3A_172 : vector<16xf32>
          %mul3A_174 = arith.constant 2.000000e-01 : f32
          %mul3A_175 = vector.broadcast %mul3A_174 : f32 to vector<16xf32>
          %mul3A_176 = arith.mulf %mul3A_175, %add3A_173 : vector<16xf32>
          %max3A_177 = arith.maximumf %add3A_173, %mul3A_176 : vector<16xf32>
          %mul3A_178 = arith.mulf %get3A_9, %max3A_177 : vector<16xf32>
          %add3A_179 = arith.addf %add3A_162, %mul3A_178 : vector<16xf32>
          %get3A_180 = arith.index_cast %add3A_128 : i32 to index
          %get3A_181 = arith.constant 48 : index
          %get3A_182 = tpu.vector_load %arg11[%get3A_180, %get3A_181] {strides = array<i32>} : memref<40x128xf32, #tpu.memory_space<vmem>>, vector<16xf32>,
          %get3A_183 = arith.index_cast %add3A_128 : i32 to index
          %get3A_184 = arith.constant 48 : index
          %get3A_185 = tpu.vector_load %arg11[%get3A_183, %get3A_184] {strides = array<i32>} : memref<40x128xf32, #tpu.memory_space<vmem>>, vector<16xf32>,
          %add3A_186 = arith.addf %get3A_182, %get3A_185 : vector<16xf32>
          %get3A_187 = arith.index_cast %add3A_128 : i32 to index
          %get3A_188 = arith.constant 48 : index
          %get3A_189 = tpu.vector_load %arg13[%get3A_187, %get3A_188] {strides = array<i32>} : memref<40x128xf32, #tpu.memory_space<vmem>>, vector<16xf32>,
          %add3A_190 = arith.addf %add3A_186, %get3A_189 : vector<16xf32>
          %mul3A_191 = arith.constant 2.000000e-01 : f32
          %mul3A_192 = vector.broadcast %mul3A_191 : f32 to vector<16xf32>
          %mul3A_193 = arith.mulf %mul3A_192, %add3A_190 : vector<16xf32>
          %max3A_194 = arith.maximumf %add3A_190, %mul3A_193 : vector<16xf32>
          %mul3A_195 = arith.mulf %get3A_11, %max3A_194 : vector<16xf32>
          %add3A_196 = arith.addf %add3A_179, %mul3A_195 : vector<16xf32>
          %get3A_197 = arith.index_cast %add3A_128 : i32 to index
          %get3A_198 = arith.constant 64 : index
          %get3A_199 = tpu.vector_load %arg11[%get3A_197, %get3A_198] {strides = array<i32>} : memref<40x128xf32, #tpu.memory_space<vmem>>, vector<16xf32>,
          %get3A_200 = arith.index_cast %add3A_128 : i32 to index
          %get3A_201 = arith.constant 64 : index
          %get3A_202 = tpu.vector_load %arg11[%get3A_200, %get3A_201] {strides = array<i32>} : memref<40x128xf32, #tpu.memory_space<vmem>>, vector<16xf32>,
          %add3A_203 = arith.addf %get3A_199, %get3A_202 : vector<16xf32>
          %get3A_204 = arith.index_cast %add3A_128 : i32 to index
          %get3A_205 = arith.constant 64 : index
          %get3A_206 = tpu.vector_load %arg13[%get3A_204, %get3A_205] {strides = array<i32>} : memref<40x128xf32, #tpu.memory_space<vmem>>, vector<16xf32>,
          %add3A_207 = arith.addf %add3A_203, %get3A_206 : vector<16xf32>
          %mul3A_208 = arith.constant 2.000000e-01 : f32
          %mul3A_209 = vector.broadcast %mul3A_208 : f32 to vector<16xf32>
          %mul3A_210 = arith.mulf %mul3A_209, %add3A_207 : vector<16xf32>
          %max3A_211 = arith.maximumf %add3A_207, %mul3A_210 : vector<16xf32>
          %mul3A_212 = arith.mulf %get3A_13, %max3A_211 : vector<16xf32>
          %add3A_213 = arith.addf %add3A_196, %mul3A_212 : vector<16xf32>
          %get3A_214 = arith.index_cast %add3A_128 : i32 to index
          %get3A_215 = arith.constant 80 : index
          %get3A_216 = tpu.vector_load %arg11[%get3A_214, %get3A_215] {strides = array<i32>} : memref<40x128xf32, #tpu.memory_space<vmem>>, vector<16xf32>,
          %get3A_217 = arith.index_cast %add3A_128 : i32 to index
          %get3A_218 = arith.constant 80 : index
          %get3A_219 = tpu.vector_load %arg11[%get3A_217, %get3A_218] {strides = array<i32>} : memref<40x128xf32, #tpu.memory_space<vmem>>, vector<16xf32>,
          %add3A_220 = arith.addf %get3A_216, %get3A_219 : vector<16xf32>
          %get3A_221 = arith.index_cast %add3A_128 : i32 to index
          %get3A_222 = arith.constant 80 : index
          %get3A_223 = tpu.vector_load %arg13[%get3A_221, %get3A_222] {strides = array<i32>} : memref<40x128xf32, #tpu.memory_space<vmem>>, vector<16xf32>,
          %add3A_224 = arith.addf %add3A_220, %get3A_223 : vector<16xf32>
          %mul3A_225 = arith.constant 2.000000e-01 : f32
          %mul3A_226 = vector.broadcast %mul3A_225 : f32 to vector<16xf32>
          %mul3A_227 = arith.mulf %mul3A_226, %add3A_224 : vector<16xf32>
          %max3A_228 = arith.maximumf %add3A_224, %mul3A_227 : vector<16xf32>
          %mul3A_229 = arith.mulf %get3A_15, %max3A_228 : vector<16xf32>
          %add3A_230 = arith.addf %add3A_213, %mul3A_229 : vector<16xf32>
          %get3A_231 = arith.index_cast %add3A_128 : i32 to index
          %get3A_232 = arith.constant 96 : index
          %get3A_233 = tpu.vector_load %arg11[%get3A_231, %get3A_232] {strides = array<i32>} : memref<40x128xf32, #tpu.memory_space<vmem>>, vector<16xf32>,
          %get3A_234 = arith.index_cast %add3A_128 : i32 to index
          %get3A_235 = arith.constant 96 : index
          %get3A_236 = tpu.vector_load %arg11[%get3A_234, %get3A_235] {strides = array<i32>} : memref<40x128xf32, #tpu.memory_space<vmem>>, vector<16xf32>,
          %add3A_237 = arith.addf %get3A_233, %get3A_236 : vector<16xf32>
          %get3A_238 = arith.index_cast %add3A_128 : i32 to index
          %get3A_239 = arith.constant 96 : index
          %get3A_240 = tpu.vector_load %arg13[%get3A_238, %get3A_239] {strides = array<i32>} : memref<40x128xf32, #tpu.memory_space<vmem>>, vector<16xf32>,
          %add3A_241 = arith.addf %add3A_237, %get3A_240 : vector<16xf32>
          %mul3A_242 = arith.constant 2.000000e-01 : f32
          %mul3A_243 = vector.broadcast %mul3A_242 : f32 to vector<16xf32>
          %mul3A_244 = arith.mulf %mul3A_243, %add3A_241 : vector<16xf32>
          %max3A_245 = arith.maximumf %add3A_241, %mul3A_244 : vector<16xf32>
          %mul3A_246 = arith.mulf %get3A_17, %max3A_245 : vector<16xf32>
          %add3A_247 = arith.addf %add3A_230, %mul3A_246 : vector<16xf32>
          %get3A_248 = arith.index_cast %add3A_128 : i32 to index
          %get3A_249 = arith.constant 112 : index
          %get3A_250 = tpu.vector_load %arg11[%get3A_248, %get3A_249] {strides = array<i32>} : memref<40x128xf32, #tpu.memory_space<vmem>>, vector<16xf32>,
          %get3A_251 = arith.index_cast %add3A_128 : i32 to index
          %get3A_252 = arith.constant 112 : index
          %get3A_253 = tpu.vector_load %arg11[%get3A_251, %get3A_252] {strides = array<i32>} : memref<40x128xf32, #tpu.memory_space<vmem>>, vector<16xf32>,
          %add3A_254 = arith.addf %get3A_250, %get3A_253 : vector<16xf32>
          %get3A_255 = arith.index_cast %add3A_128 : i32 to index
          %get3A_256 = arith.constant 112 : index
          %get3A_257 = tpu.vector_load %arg13[%get3A_255, %get3A_256] {strides = array<i32>} : memref<40x128xf32, #tpu.memory_space<vmem>>, vector<16xf32>,
          %add3A_258 = arith.addf %add3A_254, %get3A_257 : vector<16xf32>
          %mul3A_259 = arith.constant 2.000000e-01 : f32
          %mul3A_260 = vector.broadcast %mul3A_259 : f32 to vector<16xf32>
          %mul3A_261 = arith.mulf %mul3A_260, %add3A_258 : vector<16xf32>
          %max3A_262 = arith.maximumf %add3A_258, %mul3A_261 : vector<16xf32>
          %mul3A_263 = arith.mulf %get3A_19, %max3A_262 : vector<16xf32>
          %add3A_264 = arith.addf %add3A_247, %mul3A_263 : vector<16xf32>
          %reduce_sum3A = arith.constant true
          %reduce_sum3A_265 = vector.broadcast %reduce_sum3A : i1 to vector<16xi1>
          %reduce_sum3A_266 = tpu.scan <sum>, %add3A_264 masked %reduce_sum3A_265 : vector<16xf32>, vector<16xi1> -> vector<16xf32>
          %reduce_sum3A_267 = vector.extract %reduce_sum3A_266[15] : f32 from vector<16xf32>
          %broadcast_in_dim3A_268 = vector.broadcast %reduce_sum3A_267 : f32 to vector<16xf32>
          %exp3A = math.exp %broadcast_in_dim3A_268 : vector<16xf32>
          %swap3A = arith.index_cast %add3A_128 : i32 to index
          %swap3A_269 = arith.constant 128 : index
          %swap3A_270 = tpu.vector_load %arg19[%swap3A, %swap3A_269] {strides = array<i32>} : memref<40x144xf32, #tpu.memory_space<vmem>>, vector<16xf32>,
          tpu.vector_store %arg19[%swap3A, %swap3A_269], %exp3A {strides = array<i32>} : memref<40x144xf32, #tpu.memory_space<vmem>>, vector<16xf32>,
          %mul3A_271 = arith.mulf %get3A_132, %exp3A : vector<16xf32>
          %swap3A_272 = arith.index_cast %add3A_128 : i32 to index
          %swap3A_273 = arith.constant 0 : index
          %swap3A_274 = tpu.vector_load %arg19[%swap3A_272, %swap3A_273] {strides = array<i32>} : memref<40x144xf32, #tpu.memory_space<vmem>>, vector<16xf32>,
          tpu.vector_store %arg19[%swap3A_272, %swap3A_273], %mul3A_271 {strides = array<i32>} : memref<40x144xf32, #tpu.memory_space<vmem>>, vector<16xf32>,
          %mul3A_275 = arith.mulf %get3A_148, %exp3A : vector<16xf32>
          %swap3A_276 = arith.index_cast %add3A_128 : i32 to index
          %swap3A_277 = arith.constant 16 : index
          %swap3A_278 = tpu.vector_load %arg19[%swap3A_276, %swap3A_277] {strides = array<i32>} : memref<40x144xf32, #tpu.memory_space<vmem>>, vector<16xf32>,
          tpu.vector_store %arg19[%swap3A_276, %swap3A_277], %mul3A_275 {strides = array<i32>} : memref<40x144xf32, #tpu.memory_space<vmem>>, vector<16xf32>,
          %mul3A_279 = arith.mulf %get3A_165, %exp3A : vector<16xf32>
          %swap3A_280 = arith.index_cast %add3A_128 : i32 to index
          %swap3A_281 = arith.constant 32 : index
          %swap3A_282 = tpu.vector_load %arg19[%swap3A_280, %swap3A_281] {strides = array<i32>} : memref<40x144xf32, #tpu.memory_space<vmem>>, vector<16xf32>,
          tpu.vector_store %arg19[%swap3A_280, %swap3A_281], %mul3A_279 {strides = array<i32>} : memref<40x144xf32, #tpu.memory_space<vmem>>, vector<16xf32>,
          %mul3A_283 = arith.mulf %get3A_182, %exp3A : vector<16xf32>
          %swap3A_284 = arith.index_cast %add3A_128 : i32 to index
          %swap3A_285 = arith.constant 48 : index
          %swap3A_286 = tpu.vector_load %arg19[%swap3A_284, %swap3A_285] {strides = array<i32>} : memref<40x144xf32, #tpu.memory_space<vmem>>, vector<16xf32>,
          tpu.vector_store %arg19[%swap3A_284, %swap3A_285], %mul3A_283 {strides = array<i32>} : memref<40x144xf32, #tpu.memory_space<vmem>>, vector<16xf32>,
          %mul3A_287 = arith.mulf %get3A_199, %exp3A : vector<16xf32>
          %swap3A_288 = arith.index_cast %add3A_128 : i32 to index
          %swap3A_289 = arith.constant 64 : index
          %swap3A_290 = tpu.vector_load %arg19[%swap3A_288, %swap3A_289] {strides = array<i32>} : memref<40x144xf32, #tpu.memory_space<vmem>>, vector<16xf32>,
          tpu.vector_store %arg19[%swap3A_288, %swap3A_289], %mul3A_287 {strides = array<i32>} : memref<40x144xf32, #tpu.memory_space<vmem>>, vector<16xf32>,
          %mul3A_291 = arith.mulf %get3A_216, %exp3A : vector<16xf32>
          %swap3A_292 = arith.index_cast %add3A_128 : i32 to index
          %swap3A_293 = arith.constant 80 : index
          %swap3A_294 = tpu.vector_load %arg19[%swap3A_292, %swap3A_293] {strides = array<i32>} : memref<40x144xf32, #tpu.memory_space<vmem>>, vector<16xf32>,
          tpu.vector_store %arg19[%swap3A_292, %swap3A_293], %mul3A_291 {strides = array<i32>} : memref<40x144xf32, #tpu.memory_space<vmem>>, vector<16xf32>,
          %mul3A_295 = arith.mulf %get3A_233, %exp3A : vector<16xf32>
          %swap3A_296 = arith.index_cast %add3A_128 : i32 to index
          %swap3A_297 = arith.constant 96 : index
          %swap3A_298 = tpu.vector_load %arg19[%swap3A_296, %swap3A_297] {strides = array<i32>} : memref<40x144xf32, #tpu.memory_space<vmem>>, vector<16xf32>,
          tpu.vector_store %arg19[%swap3A_296, %swap3A_297], %mul3A_295 {strides = array<i32>} : memref<40x144xf32, #tpu.memory_space<vmem>>, vector<16xf32>,
          %mul3A_299 = arith.mulf %get3A_250, %exp3A : vector<16xf32>
          %swap3A_300 = arith.index_cast %add3A_128 : i32 to index
          %swap3A_301 = arith.constant 112 : index
          %swap3A_302 = tpu.vector_load %arg19[%swap3A_300, %swap3A_301] {strides = array<i32>} : memref<40x144xf32, #tpu.memory_space<vmem>>, vector<16xf32>,
          tpu.vector_store %arg19[%swap3A_300, %swap3A_301], %mul3A_299 {strides = array<i32>} : memref<40x144xf32, #tpu.memory_space<vmem>>, vector<16xf32>,
          %add3A_303 = arith.constant 1 : i32
          %add3A_304 = arith.addi %add3A_128, %add3A_303 : i32
          %broadcast_in_dim3A_305 = arith.constant 0.000000e+00 : f32
          %broadcast_in_dim3A_306 = vector.broadcast %broadcast_in_dim3A_305 : f32 to vector<16xf32>
          %get3A_307 = arith.index_cast %add3A_304 : i32 to index
          %get3A_308 = arith.constant 0 : index
          %get3A_309 = tpu.vector_load %arg11[%get3A_307, %get3A_308] {strides = array<i32>} : memref<40x128xf32, #tpu.memory_space<vmem>>, vector<16xf32>,
          %get3A_310 = arith.index_cast %add3A_304 : i32 to index
          %get3A_311 = arith.constant 0 : index
          %get3A_312 = tpu.vector_load %arg11[%get3A_310, %get3A_311] {strides = array<i32>} : memref<40x128xf32, #tpu.memory_space<vmem>>, vector<16xf32>,
          %add3A_313 = arith.addf %get3A_309, %get3A_312 : vector<16xf32>
          %get3A_314 = arith.index_cast %add3A_304 : i32 to index
          %get3A_315 = arith.constant 0 : index
          %get3A_316 = tpu.vector_load %arg13[%get3A_314, %get3A_315] {strides = array<i32>} : memref<40x128xf32, #tpu.memory_space<vmem>>, vector<16xf32>,
          %add3A_317 = arith.addf %add3A_313, %get3A_316 : vector<16xf32>
          %mul3A_318 = arith.constant 2.000000e-01 : f32
          %mul3A_319 = vector.broadcast %mul3A_318 : f32 to vector<16xf32>
          %mul3A_320 = arith.mulf %mul3A_319, %add3A_317 : vector<16xf32>
          %max3A_321 = arith.maximumf %add3A_317, %mul3A_320 : vector<16xf32>
          %mul3A_322 = arith.mulf %get3A_5, %max3A_321 : vector<16xf32>
          %add3A_323 = arith.addf %broadcast_in_dim3A_306, %mul3A_322 : vector<16xf32>
          %get3A_324 = arith.index_cast %add3A_304 : i32 to index
          %get3A_325 = arith.constant 16 : index
          %get3A_326 = tpu.vector_load %arg11[%get3A_324, %get3A_325] {strides = array<i32>} : memref<40x128xf32, #tpu.memory_space<vmem>>, vector<16xf32>,
          %get3A_327 = arith.index_cast %add3A_304 : i32 to index
          %get3A_328 = arith.constant 16 : index
          %get3A_329 = tpu.vector_load %arg11[%get3A_327, %get3A_328] {strides = array<i32>} : memref<40x128xf32, #tpu.memory_space<vmem>>, vector<16xf32>,
          %add3A_330 = arith.addf %get3A_326, %get3A_329 : vector<16xf32>
          %get3A_331 = arith.index_cast %add3A_304 : i32 to index
          %get3A_332 = arith.constant 16 : index
          %get3A_333 = tpu.vector_load %arg13[%get3A_331, %get3A_332] {strides = array<i32>} : memref<40x128xf32, #tpu.memory_space<vmem>>, vector<16xf32>,
          %add3A_334 = arith.addf %add3A_330, %get3A_333 : vector<16xf32>
          %mul3A_335 = arith.constant 2.000000e-01 : f32
          %mul3A_336 = vector.broadcast %mul3A_335 : f32 to vector<16xf32>
          %mul3A_337 = arith.mulf %mul3A_336, %add3A_334 : vector<16xf32>
          %max3A_338 = arith.maximumf %add3A_334, %mul3A_337 : vector<16xf32>
          %mul3A_339 = arith.mulf %get3A_7, %max3A_338 : vector<16xf32>
          %add3A_340 = arith.addf %add3A_323, %mul3A_339 : vector<16xf32>
          %get3A_341 = arith.index_cast %add3A_304 : i32 to index
          %get3A_342 = arith.constant 32 : index
          %get3A_343 = tpu.vector_load %arg11[%get3A_341, %get3A_342] {strides = array<i32>} : memref<40x128xf32, #tpu.memory_space<vmem>>, vector<16xf32>,
          %get3A_344 = arith.index_cast %add3A_304 : i32 to index
          %get3A_345 = arith.constant 32 : index
          %get3A_346 = tpu.vector_load %arg11[%get3A_344, %get3A_345] {strides = array<i32>} : memref<40x128xf32, #tpu.memory_space<vmem>>, vector<16xf32>,
          %add3A_347 = arith.addf %get3A_343, %get3A_346 : vector<16xf32>
          %get3A_348 = arith.index_cast %add3A_304 : i32 to index
          %get3A_349 = arith.constant 32 : index
          %get3A_350 = tpu.vector_load %arg13[%get3A_348, %get3A_349] {strides = array<i32>} : memref<40x128xf32, #tpu.memory_space<vmem>>, vector<16xf32>,
          %add3A_351 = arith.addf %add3A_347, %get3A_350 : vector<16xf32>
          %mul3A_352 = arith.constant 2.000000e-01 : f32
          %mul3A_353 = vector.broadcast %mul3A_352 : f32 to vector<16xf32>
          %mul3A_354 = arith.mulf %mul3A_353, %add3A_351 : vector<16xf32>
          %max3A_355 = arith.maximumf %add3A_351, %mul3A_354 : vector<16xf32>
          %mul3A_356 = arith.mulf %get3A_9, %max3A_355 : vector<16xf32>
          %add3A_357 = arith.addf %add3A_340, %mul3A_356 : vector<16xf32>
          %get3A_358 = arith.index_cast %add3A_304 : i32 to index
          %get3A_359 = arith.constant 48 : index
          %get3A_360 = tpu.vector_load %arg11[%get3A_358, %get3A_359] {strides = array<i32>} : memref<40x128xf32, #tpu.memory_space<vmem>>, vector<16xf32>,
          %get3A_361 = arith.index_cast %add3A_304 : i32 to index
          %get3A_362 = arith.constant 48 : index
          %get3A_363 = tpu.vector_load %arg11[%get3A_361, %get3A_362] {strides = array<i32>} : memref<40x128xf32, #tpu.memory_space<vmem>>, vector<16xf32>,
          %add3A_364 = arith.addf %get3A_360, %get3A_363 : vector<16xf32>
          %get3A_365 = arith.index_cast %add3A_304 : i32 to index
          %get3A_366 = arith.constant 48 : index
          %get3A_367 = tpu.vector_load %arg13[%get3A_365, %get3A_366] {strides = array<i32>} : memref<40x128xf32, #tpu.memory_space<vmem>>, vector<16xf32>,
          %add3A_368 = arith.addf %add3A_364, %get3A_367 : vector<16xf32>
          %mul3A_369 = arith.constant 2.000000e-01 : f32
          %mul3A_370 = vector.broadcast %mul3A_369 : f32 to vector<16xf32>
          %mul3A_371 = arith.mulf %mul3A_370, %add3A_368 : vector<16xf32>
          %max3A_372 = arith.maximumf %add3A_368, %mul3A_371 : vector<16xf32>
          %mul3A_373 = arith.mulf %get3A_11, %max3A_372 : vector<16xf32>
          %add3A_374 = arith.addf %add3A_357, %mul3A_373 : vector<16xf32>
          %get3A_375 = arith.index_cast %add3A_304 : i32 to index
          %get3A_376 = arith.constant 64 : index
          %get3A_377 = tpu.vector_load %arg11[%get3A_375, %get3A_376] {strides = array<i32>} : memref<40x128xf32, #tpu.memory_space<vmem>>, vector<16xf32>,
          %get3A_378 = arith.index_cast %add3A_304 : i32 to index
          %get3A_379 = arith.constant 64 : index
          %get3A_380 = tpu.vector_load %arg11[%get3A_378, %get3A_379] {strides = array<i32>} : memref<40x128xf32, #tpu.memory_space<vmem>>, vector<16xf32>,
          %add3A_381 = arith.addf %get3A_377, %get3A_380 : vector<16xf32>
          %get3A_382 = arith.index_cast %add3A_304 : i32 to index
          %get3A_383 = arith.constant 64 : index
          %get3A_384 = tpu.vector_load %arg13[%get3A_382, %get3A_383] {strides = array<i32>} : memref<40x128xf32, #tpu.memory_space<vmem>>, vector<16xf32>,
          %add3A_385 = arith.addf %add3A_381, %get3A_384 : vector<16xf32>
          %mul3A_386 = arith.constant 2.000000e-01 : f32
          %mul3A_387 = vector.broadcast %mul3A_386 : f32 to vector<16xf32>
          %mul3A_388 = arith.mulf %mul3A_387, %add3A_385 : vector<16xf32>
          %max3A_389 = arith.maximumf %add3A_385, %mul3A_388 : vector<16xf32>
          %mul3A_390 = arith.mulf %get3A_13, %max3A_389 : vector<16xf32>
          %add3A_391 = arith.addf %add3A_374, %mul3A_390 : vector<16xf32>
          %get3A_392 = arith.index_cast %add3A_304 : i32 to index
          %get3A_393 = arith.constant 80 : index
          %get3A_394 = tpu.vector_load %arg11[%get3A_392, %get3A_393] {strides = array<i32>} : memref<40x128xf32, #tpu.memory_space<vmem>>, vector<16xf32>,
          %get3A_395 = arith.index_cast %add3A_304 : i32 to index
          %get3A_396 = arith.constant 80 : index
          %get3A_397 = tpu.vector_load %arg11[%get3A_395, %get3A_396] {strides = array<i32>} : memref<40x128xf32, #tpu.memory_space<vmem>>, vector<16xf32>,
          %add3A_398 = arith.addf %get3A_394, %get3A_397 : vector<16xf32>
          %get3A_399 = arith.index_cast %add3A_304 : i32 to index
          %get3A_400 = arith.constant 80 : index
          %get3A_401 = tpu.vector_load %arg13[%get3A_399, %get3A_400] {strides = array<i32>} : memref<40x128xf32, #tpu.memory_space<vmem>>, vector<16xf32>,
          %add3A_402 = arith.addf %add3A_398, %get3A_401 : vector<16xf32>
          %mul3A_403 = arith.constant 2.000000e-01 : f32
          %mul3A_404 = vector.broadcast %mul3A_403 : f32 to vector<16xf32>
          %mul3A_405 = arith.mulf %mul3A_404, %add3A_402 : vector<16xf32>
          %max3A_406 = arith.maximumf %add3A_402, %mul3A_405 : vector<16xf32>
          %mul3A_407 = arith.mulf %get3A_15, %max3A_406 : vector<16xf32>
          %add3A_408 = arith.addf %add3A_391, %mul3A_407 : vector<16xf32>
          %get3A_409 = arith.index_cast %add3A_304 : i32 to index
          %get3A_410 = arith.constant 96 : index
          %get3A_411 = tpu.vector_load %arg11[%get3A_409, %get3A_410] {strides = array<i32>} : memref<40x128xf32, #tpu.memory_space<vmem>>, vector<16xf32>,
          %get3A_412 = arith.index_cast %add3A_304 : i32 to index
          %get3A_413 = arith.constant 96 : index
          %get3A_414 = tpu.vector_load %arg11[%get3A_412, %get3A_413] {strides = array<i32>} : memref<40x128xf32, #tpu.memory_space<vmem>>, vector<16xf32>,
          %add3A_415 = arith.addf %get3A_411, %get3A_414 : vector<16xf32>
          %get3A_416 = arith.index_cast %add3A_304 : i32 to index
          %get3A_417 = arith.constant 96 : index
          %get3A_418 = tpu.vector_load %arg13[%get3A_416, %get3A_417] {strides = array<i32>} : memref<40x128xf32, #tpu.memory_space<vmem>>, vector<16xf32>,
          %add3A_419 = arith.addf %add3A_415, %get3A_418 : vector<16xf32>
          %mul3A_420 = arith.constant 2.000000e-01 : f32
          %mul3A_421 = vector.broadcast %mul3A_420 : f32 to vector<16xf32>
          %mul3A_422 = arith.mulf %mul3A_421, %add3A_419 : vector<16xf32>
          %max3A_423 = arith.maximumf %add3A_419, %mul3A_422 : vector<16xf32>
          %mul3A_424 = arith.mulf %get3A_17, %max3A_423 : vector<16xf32>
          %add3A_425 = arith.addf %add3A_408, %mul3A_424 : vector<16xf32>
          %get3A_426 = arith.index_cast %add3A_304 : i32 to index
          %get3A_427 = arith.constant 112 : index
          %get3A_428 = tpu.vector_load %arg11[%get3A_426, %get3A_427] {strides = array<i32>} : memref<40x128xf32, #tpu.memory_space<vmem>>, vector<16xf32>,
          %get3A_429 = arith.index_cast %add3A_304 : i32 to index
          %get3A_430 = arith.constant 112 : index
          %get3A_431 = tpu.vector_load %arg11[%get3A_429, %get3A_430] {strides = array<i32>} : memref<40x128xf32, #tpu.memory_space<vmem>>, vector<16xf32>,
          %add3A_432 = arith.addf %get3A_428, %get3A_431 : vector<16xf32>
          %get3A_433 = arith.index_cast %add3A_304 : i32 to index
          %get3A_434 = arith.constant 112 : index
          %get3A_435 = tpu.vector_load %arg13[%get3A_433, %get3A_434] {strides = array<i32>} : memref<40x128xf32, #tpu.memory_space<vmem>>, vector<16xf32>,
          %add3A_436 = arith.addf %add3A_432, %get3A_435 : vector<16xf32>
          %mul3A_437 = arith.constant 2.000000e-01 : f32
          %mul3A_438 = vector.broadcast %mul3A_437 : f32 to vector<16xf32>
          %mul3A_439 = arith.mulf %mul3A_438, %add3A_436 : vector<16xf32>
          %max3A_440 = arith.maximumf %add3A_436, %mul3A_439 : vector<16xf32>
          %mul3A_441 = arith.mulf %get3A_19, %max3A_440 : vector<16xf32>
          %add3A_442 = arith.addf %add3A_425, %mul3A_441 : vector<16xf32>
          %reduce_sum3A_443 = arith.constant true
          %reduce_sum3A_444 = vector.broadcast %reduce_sum3A_443 : i1 to vector<16xi1>
          %reduce_sum3A_445 = tpu.scan <sum>, %add3A_442 masked %reduce_sum3A_444 : vector<16xf32>, vector<16xi1> -> vector<16xf32>
          %reduce_sum3A_446 = vector.extract %reduce_sum3A_445[15] : f32 from vector<16xf32>
          %broadcast_in_dim3A_447 = vector.broadcast %reduce_sum3A_446 : f32 to vector<16xf32>
          %exp3A_448 = math.exp %broadcast_in_dim3A_447 : vector<16xf32>
          %swap3A_449 = arith.index_cast %add3A_304 : i32 to index
          %swap3A_450 = arith.constant 128 : index
          %swap3A_451 = tpu.vector_load %arg19[%swap3A_449, %swap3A_450] {strides = array<i32>} : memref<40x144xf32, #tpu.memory_space<vmem>>, vector<16xf32>,
          tpu.vector_store %arg19[%swap3A_449, %swap3A_450], %exp3A_448 {strides = array<i32>} : memref<40x144xf32, #tpu.memory_space<vmem>>, vector<16xf32>,
          %mul3A_452 = arith.mulf %get3A_309, %exp3A_448 : vector<16xf32>
          %swap3A_453 = arith.index_cast %add3A_304 : i32 to index
          %swap3A_454 = arith.constant 0 : index
          %swap3A_455 = tpu.vector_load %arg19[%swap3A_453, %swap3A_454] {strides = array<i32>} : memref<40x144xf32, #tpu.memory_space<vmem>>, vector<16xf32>,
          tpu.vector_store %arg19[%swap3A_453, %swap3A_454], %mul3A_452 {strides = array<i32>} : memref<40x144xf32, #tpu.memory_space<vmem>>, vector<16xf32>,
          %mul3A_456 = arith.mulf %get3A_326, %exp3A_448 : vector<16xf32>
          %swap3A_457 = arith.index_cast %add3A_304 : i32 to index
          %swap3A_458 = arith.constant 16 : index
          %swap3A_459 = tpu.vector_load %arg19[%swap3A_457, %swap3A_458] {strides = array<i32>} : memref<40x144xf32, #tpu.memory_space<vmem>>, vector<16xf32>,
          tpu.vector_store %arg19[%swap3A_457, %swap3A_458], %mul3A_456 {strides = array<i32>} : memref<40x144xf32, #tpu.memory_space<vmem>>, vector<16xf32>,
          %mul3A_460 = arith.mulf %get3A_343, %exp3A_448 : vector<16xf32>
          %swap3A_461 = arith.index_cast %add3A_304 : i32 to index
          %swap3A_462 = arith.constant 32 : index
          %swap3A_463 = tpu.vector_load %arg19[%swap3A_461, %swap3A_462] {strides = array<i32>} : memref<40x144xf32, #tpu.memory_space<vmem>>, vector<16xf32>,
          tpu.vector_store %arg19[%swap3A_461, %swap3A_462], %mul3A_460 {strides = array<i32>} : memref<40x144xf32, #tpu.memory_space<vmem>>, vector<16xf32>,
          %mul3A_464 = arith.mulf %get3A_360, %exp3A_448 : vector<16xf32>
          %swap3A_465 = arith.index_cast %add3A_304 : i32 to index
          %swap3A_466 = arith.constant 48 : index
          %swap3A_467 = tpu.vector_load %arg19[%swap3A_465, %swap3A_466] {strides = array<i32>} : memref<40x144xf32, #tpu.memory_space<vmem>>, vector<16xf32>,
          tpu.vector_store %arg19[%swap3A_465, %swap3A_466], %mul3A_464 {strides = array<i32>} : memref<40x144xf32, #tpu.memory_space<vmem>>, vector<16xf32>,
          %mul3A_468 = arith.mulf %get3A_377, %exp3A_448 : vector<16xf32>
          %swap3A_469 = arith.index_cast %add3A_304 : i32 to index
          %swap3A_470 = arith.constant 64 : index
          %swap3A_471 = tpu.vector_load %arg19[%swap3A_469, %swap3A_470] {strides = array<i32>} : memref<40x144xf32, #tpu.memory_space<vmem>>, vector<16xf32>,
          tpu.vector_store %arg19[%swap3A_469, %swap3A_470], %mul3A_468 {strides = array<i32>} : memref<40x144xf32, #tpu.memory_space<vmem>>, vector<16xf32>,
          %mul3A_472 = arith.mulf %get3A_394, %exp3A_448 : vector<16xf32>
          %swap3A_473 = arith.index_cast %add3A_304 : i32 to index
          %swap3A_474 = arith.constant 80 : index
          %swap3A_475 = tpu.vector_load %arg19[%swap3A_473, %swap3A_474] {strides = array<i32>} : memref<40x144xf32, #tpu.memory_space<vmem>>, vector<16xf32>,
          tpu.vector_store %arg19[%swap3A_473, %swap3A_474], %mul3A_472 {strides = array<i32>} : memref<40x144xf32, #tpu.memory_space<vmem>>, vector<16xf32>,
          %mul3A_476 = arith.mulf %get3A_411, %exp3A_448 : vector<16xf32>
          %swap3A_477 = arith.index_cast %add3A_304 : i32 to index
          %swap3A_478 = arith.constant 96 : index
          %swap3A_479 = tpu.vector_load %arg19[%swap3A_477, %swap3A_478] {strides = array<i32>} : memref<40x144xf32, #tpu.memory_space<vmem>>, vector<16xf32>,
          tpu.vector_store %arg19[%swap3A_477, %swap3A_478], %mul3A_476 {strides = array<i32>} : memref<40x144xf32, #tpu.memory_space<vmem>>, vector<16xf32>,
          %mul3A_480 = arith.mulf %get3A_428, %exp3A_448 : vector<16xf32>
          %swap3A_481 = arith.index_cast %add3A_304 : i32 to index
          %swap3A_482 = arith.constant 112 : index
          %swap3A_483 = tpu.vector_load %arg19[%swap3A_481, %swap3A_482] {strides = array<i32>} : memref<40x144xf32, #tpu.memory_space<vmem>>, vector<16xf32>,
          tpu.vector_store %arg19[%swap3A_481, %swap3A_482], %mul3A_480 {strides = array<i32>} : memref<40x144xf32, #tpu.memory_space<vmem>>, vector<16xf32>,
        }
        %scan3A_96 = arith.constant 20 : i32
        "tpu.region"() ({
          %run_scoped3A = tpu.sem_alloc : memref<!tpu.dma_semaphore, #tpu.memory_space<semaphore_mem>>
          %dma_start3A_124 = arith.constant 0 : i32
          %dma_start3A_125 = tpu.memref_slice %arg18[%mul3A_65, %dma_start3A_124] : memref<50x40xi32, #tpu.memory_space<vmem>> -> memref<1x40xi32, #tpu.memory_space<vmem>>
          %dma_start3A_126 = tpu.memref_squeeze %dma_start3A_125 : memref<1x40xi32, #tpu.memory_space<vmem>> -> memref<40xi32, #tpu.memory_space<vmem>>
          %dma_start3A_127 = arith.constant 0 : i32
          %dma_start3A_128 = arith.constant 0 : i32
          %dma_start3A_129 = tpu.memref_slice %arg10[%dma_start3A_127, %dma_start3A_128] : memref<10000x144xf32, #tpu.memory_space<vmem_shared>> -> memref<10000x144xf32, #tpu.memory_space<vmem_shared>>
          tpu.enqueue_indirect_dma source(%arg19 : memref<40x144xf32, #tpu.memory_space<vmem>>) target(%dma_start3A_129 : memref<10000x144xf32, #tpu.memory_space<vmem_shared>>) offsets(%dma_start3A_126 : memref<40xi32, #tpu.memory_space<vmem>>) semaphore(%run_scoped3A : memref<!tpu.dma_semaphore, #tpu.memory_space<semaphore_mem>>) {add = true}
          %dma_wait3A_130 = arith.constant 0 : i32
          %dma_wait3A_131 = tpu.memref_slice %arg18[%mul3A_65, %dma_wait3A_130] : memref<50x40xi32, #tpu.memory_space<vmem>> -> memref<1x40xi32, #tpu.memory_space<vmem>>
          %dma_wait3A_132 = tpu.memref_squeeze %dma_wait3A_131 : memref<1x40xi32, #tpu.memory_space<vmem>> -> memref<40xi32, #tpu.memory_space<vmem>>
          %dma_wait3A_133 = arith.constant 0 : i32
          %dma_wait3A_134 = arith.constant 0 : i32
          %dma_wait3A_135 = tpu.memref_slice %arg10[%dma_wait3A_133, %dma_wait3A_134] : memref<10000x144xf32, #tpu.memory_space<vmem_shared>> -> memref<10000x144xf32, #tpu.memory_space<vmem_shared>>
          tpu.wait_indirect_dma semaphore(%run_scoped3A : memref<!tpu.dma_semaphore, #tpu.memory_space<semaphore_mem>>) src(%arg19 : memref<40x144xf32, #tpu.memory_space<vmem>>) dst(%dma_wait3A_135 : memref<10000x144xf32, #tpu.memory_space<vmem_shared>>)
          tpu.yield
        }) : () -> ()
        %add3A_97 = arith.constant 1 : i32
        %add3A_98 = arith.addi %add3A_63, %add3A_97 : i32
        %lt3A = arith.constant 25 : i32
        %lt3A_99 = arith.cmpi slt, %add3A_98, %lt3A : i32
        %convert_element_type3A_100 = arith.extui %lt3A_99 : i1 to i32
        %cond3A_101 = arith.constant 0 : i32
        %cond3A_102 = arith.cmpi ne, %convert_element_type3A_100, %cond3A_101 : i32
        scf.if %cond3A_102 {
          %add3A_124 = arith.constant 2 : i32
          %add3A_125 = arith.addi %mul3A_65, %add3A_124 : i32
          %dma_start3A_126 = arith.constant 0 : i32
          %dma_start3A_127 = tpu.memref_slice %arg17[%add3A_125, %dma_start3A_126] : memref<50x40xi32, #tpu.memory_space<vmem>> -> memref<1x40xi32, #tpu.memory_space<vmem>>
          %dma_start3A_128 = tpu.memref_squeeze %dma_start3A_127 : memref<1x40xi32, #tpu.memory_space<vmem>> -> memref<40xi32, #tpu.memory_space<vmem>>
          %dma_start3A_129 = arith.constant 0 : i32
          %dma_start3A_130 = arith.constant 0 : i32
          %dma_start3A_131 = tpu.memref_slice %arg2[%dma_start3A_129, %dma_start3A_130] : memref<10000x128xf32, #tpu.memory_space<hbm>> -> memref<10000x128xf32, #tpu.memory_space<hbm>>
          tpu.enqueue_indirect_dma source(%dma_start3A_131 : memref<10000x128xf32, #tpu.memory_space<hbm>>) target(%arg11 : memref<40x128xf32, #tpu.memory_space<vmem>>) offsets(%dma_start3A_128 : memref<40xi32, #tpu.memory_space<vmem>>) semaphore(%arg21 : memref<!tpu.dma_semaphore, #tpu.memory_space<semaphore_mem>>)
          %mul3A_132 = arith.constant 40 : i32
          %mul3A_133 = arith.muli %add3A_125, %mul3A_132 : i32
          %add3A_134 = arith.addi %mul3A_41, %mul3A_133 : i32
          %dma_start3A_135 = arith.constant 0 : i32
          %dma_start3A_136 = tpu.memref_slice %arg4[%add3A_134, %dma_start3A_135] : memref<320000x128xf32, #tpu.memory_space<hbm>> -> memref<40x128xf32, #tpu.memory_space<hbm>>
          %dma_start3A_137 = arith.constant 0 : i32
          %dma_start3A_138 = tpu.memref_slice %arg4[%add3A_134, %dma_start3A_137] : memref<320000x128xf32, #tpu.memory_space<hbm>> -> memref<40x128xf32, #tpu.memory_space<hbm>>
          tpu.enqueue_dma source(%dma_start3A_138 : memref<40x128xf32, #tpu.memory_space<hbm>>) target(%arg13 : memref<40x128xf32, #tpu.memory_space<vmem>>) target_semaphore(%arg21 : memref<!tpu.dma_semaphore, #tpu.memory_space<semaphore_mem>>)
        } else {
        }
        %add3A_103 = arith.constant 1 : i32
        %add3A_104 = arith.addi %mul3A_65, %add3A_103 : i32
        %dma_wait3A_105 = arith.constant 0 : i32
        %dma_wait3A_106 = tpu.memref_slice %arg17[%add3A_104, %dma_wait3A_105] : memref<50x40xi32, #tpu.memory_space<vmem>> -> memref<1x40xi32, #tpu.memory_space<vmem>>
        %dma_wait3A_107 = tpu.memref_squeeze %dma_wait3A_106 : memref<1x40xi32, #tpu.memory_space<vmem>> -> memref<40xi32, #tpu.memory_space<vmem>>
        %dma_wait3A_108 = arith.constant 0 : i32
        %dma_wait3A_109 = arith.constant 0 : i32
        %dma_wait3A_110 = tpu.memref_slice %arg2[%dma_wait3A_108, %dma_wait3A_109] : memref<10000x128xf32, #tpu.memory_space<hbm>> -> memref<10000x128xf32, #tpu.memory_space<hbm>>
        tpu.wait_indirect_dma semaphore(%arg22 : memref<!tpu.dma_semaphore, #tpu.memory_space<semaphore_mem>>) src(%dma_wait3A_110 : memref<10000x128xf32, #tpu.memory_space<hbm>>) dst(%arg14 : memref<40x128xf32, #tpu.memory_space<vmem>>)
        %dma_wait3A_111 = arith.constant 0 : i32
        %dma_wait3A_112 = arith.constant 0 : i32
        %dma_wait3A_113 = tpu.memref_slice %arg4[%dma_wait3A_111, %dma_wait3A_112] : memref<320000x128xf32, #tpu.memory_space<hbm>> -> memref<40x128xf32, #tpu.memory_space<hbm>>
        %dma_wait3A_114 = arith.constant 0 : i32
        %dma_wait3A_115 = arith.constant 0 : i32
        %dma_wait3A_116 = tpu.memref_slice %arg4[%dma_wait3A_114, %dma_wait3A_115] : memref<320000x128xf32, #tpu.memory_space<hbm>> -> memref<40x128xf32, #tpu.memory_space<hbm>>
        tpu.wait_dma2 semaphore(%arg22 : memref<!tpu.dma_semaphore, #tpu.memory_space<semaphore_mem>>) src(%dma_wait3A_116 : memref<40x128xf32, #tpu.memory_space<hbm>>) dst(%arg16 : memref<40x128xf32, #tpu.memory_space<vmem>>)
        %add3A_117 = arith.constant 1 : i32
        %add3A_118 = arith.addi %mul3A_65, %add3A_117 : i32
        %scan3A_119 = arith.constant 0 : i32
        %scan3A_120 = arith.constant 20 : i32
        %scan3A_121 = arith.addi %scan3A_119, %scan3A_120 : i32
        %scan3A_122 = arith.constant 1 : i32
        scf.for %scan3A_124 = %scan3A_119 to %scan3A_121 step %scan3A_122  : i32 {
          %mul3A_125 = arith.constant 2 : i32
          %mul3A_126 = arith.muli %scan3A_124, %mul3A_125 : i32
          %add3A_127 = arith.constant 0 : i32
          %add3A_128 = arith.addi %add3A_127, %mul3A_126 : i32
          %broadcast_in_dim3A = arith.constant 0.000000e+00 : f32
          %broadcast_in_dim3A_129 = vector.broadcast %broadcast_in_dim3A : f32 to vector<16xf32>
          %get3A_130 = arith.index_cast %add3A_128 : i32 to index
          %get3A_131 = arith.constant 0 : index
          %get3A_132 = tpu.vector_load %arg14[%get3A_130, %get3A_131] {strides = array<i32>} : memref<40x128xf32, #tpu.memory_space<vmem>>, vector<16xf32>,
          %get3A_133 = arith.index_cast %add3A_128 : i32 to index
          %get3A_134 = arith.constant 0 : index
          %get3A_135 = tpu.vector_load %arg14[%get3A_133, %get3A_134] {strides = array<i32>} : memref<40x128xf32, #tpu.memory_space<vmem>>, vector<16xf32>,
          %add3A_136 = arith.addf %get3A_132, %get3A_135 : vector<16xf32>
          %get3A_137 = arith.index_cast %add3A_128 : i32 to index
          %get3A_138 = arith.constant 0 : index
          %get3A_139 = tpu.vector_load %arg16[%get3A_137, %get3A_138] {strides = array<i32>} : memref<40x128xf32, #tpu.memory_space<vmem>>, vector<16xf32>,
          %add3A_140 = arith.addf %add3A_136, %get3A_139 : vector<16xf32>
          %mul3A_141 = arith.constant 2.000000e-01 : f32
          %mul3A_142 = vector.broadcast %mul3A_141 : f32 to vector<16xf32>
          %mul3A_143 = arith.mulf %mul3A_142, %add3A_140 : vector<16xf32>
          %max3A = arith.maximumf %add3A_140, %mul3A_143 : vector<16xf32>
          %mul3A_144 = arith.mulf %get3A_5, %max3A : vector<16xf32>
          %add3A_145 = arith.addf %broadcast_in_dim3A_129, %mul3A_144 : vector<16xf32>
          %get3A_146 = arith.index_cast %add3A_128 : i32 to index
          %get3A_147 = arith.constant 16 : index
          %get3A_148 = tpu.vector_load %arg14[%get3A_146, %get3A_147] {strides = array<i32>} : memref<40x128xf32, #tpu.memory_space<vmem>>, vector<16xf32>,
          %get3A_149 = arith.index_cast %add3A_128 : i32 to index
          %get3A_150 = arith.constant 16 : index
          %get3A_151 = tpu.vector_load %arg14[%get3A_149, %get3A_150] {strides = array<i32>} : memref<40x128xf32, #tpu.memory_space<vmem>>, vector<16xf32>,
          %add3A_152 = arith.addf %get3A_148, %get3A_151 : vector<16xf32>
          %get3A_153 = arith.index_cast %add3A_128 : i32 to index
          %get3A_154 = arith.constant 16 : index
          %get3A_155 = tpu.vector_load %arg16[%get3A_153, %get3A_154] {strides = array<i32>} : memref<40x128xf32, #tpu.memory_space<vmem>>, vector<16xf32>,
          %add3A_156 = arith.addf %add3A_152, %get3A_155 : vector<16xf32>
          %mul3A_157 = arith.constant 2.000000e-01 : f32
          %mul3A_158 = vector.broadcast %mul3A_157 : f32 to vector<16xf32>
          %mul3A_159 = arith.mulf %mul3A_158, %add3A_156 : vector<16xf32>
          %max3A_160 = arith.maximumf %add3A_156, %mul3A_159 : vector<16xf32>
          %mul3A_161 = arith.mulf %get3A_7, %max3A_160 : vector<16xf32>
          %add3A_162 = arith.addf %add3A_145, %mul3A_161 : vector<16xf32>
          %get3A_163 = arith.index_cast %add3A_128 : i32 to index
          %get3A_164 = arith.constant 32 : index
          %get3A_165 = tpu.vector_load %arg14[%get3A_163, %get3A_164] {strides = array<i32>} : memref<40x128xf32, #tpu.memory_space<vmem>>, vector<16xf32>,
          %get3A_166 = arith.index_cast %add3A_128 : i32 to index
          %get3A_167 = arith.constant 32 : index
          %get3A_168 = tpu.vector_load %arg14[%get3A_166, %get3A_167] {strides = array<i32>} : memref<40x128xf32, #tpu.memory_space<vmem>>, vector<16xf32>,
          %add3A_169 = arith.addf %get3A_165, %get3A_168 : vector<16xf32>
          %get3A_170 = arith.index_cast %add3A_128 : i32 to index
          %get3A_171 = arith.constant 32 : index
          %get3A_172 = tpu.vector_load %arg16[%get3A_170, %get3A_171] {strides = array<i32>} : memref<40x128xf32, #tpu.memory_space<vmem>>, vector<16xf32>,
          %add3A_173 = arith.addf %add3A_169, %get3A_172 : vector<16xf32>
          %mul3A_174 = arith.constant 2.000000e-01 : f32
          %mul3A_175 = vector.broadcast %mul3A_174 : f32 to vector<16xf32>
          %mul3A_176 = arith.mulf %mul3A_175, %add3A_173 : vector<16xf32>
          %max3A_177 = arith.maximumf %add3A_173, %mul3A_176 : vector<16xf32>
          %mul3A_178 = arith.mulf %get3A_9, %max3A_177 : vector<16xf32>
          %add3A_179 = arith.addf %add3A_162, %mul3A_178 : vector<16xf32>
          %get3A_180 = arith.index_cast %add3A_128 : i32 to index
          %get3A_181 = arith.constant 48 : index
          %get3A_182 = tpu.vector_load %arg14[%get3A_180, %get3A_181] {strides = array<i32>} : memref<40x128xf32, #tpu.memory_space<vmem>>, vector<16xf32>,
          %get3A_183 = arith.index_cast %add3A_128 : i32 to index
          %get3A_184 = arith.constant 48 : index
          %get3A_185 = tpu.vector_load %arg14[%get3A_183, %get3A_184] {strides = array<i32>} : memref<40x128xf32, #tpu.memory_space<vmem>>, vector<16xf32>,
          %add3A_186 = arith.addf %get3A_182, %get3A_185 : vector<16xf32>
          %get3A_187 = arith.index_cast %add3A_128 : i32 to index
          %get3A_188 = arith.constant 48 : index
          %get3A_189 = tpu.vector_load %arg16[%get3A_187, %get3A_188] {strides = array<i32>} : memref<40x128xf32, #tpu.memory_space<vmem>>, vector<16xf32>,
          %add3A_190 = arith.addf %add3A_186, %get3A_189 : vector<16xf32>
          %mul3A_191 = arith.constant 2.000000e-01 : f32
          %mul3A_192 = vector.broadcast %mul3A_191 : f32 to vector<16xf32>
          %mul3A_193 = arith.mulf %mul3A_192, %add3A_190 : vector<16xf32>
          %max3A_194 = arith.maximumf %add3A_190, %mul3A_193 : vector<16xf32>
          %mul3A_195 = arith.mulf %get3A_11, %max3A_194 : vector<16xf32>
          %add3A_196 = arith.addf %add3A_179, %mul3A_195 : vector<16xf32>
          %get3A_197 = arith.index_cast %add3A_128 : i32 to index
          %get3A_198 = arith.constant 64 : index
          %get3A_199 = tpu.vector_load %arg14[%get3A_197, %get3A_198] {strides = array<i32>} : memref<40x128xf32, #tpu.memory_space<vmem>>, vector<16xf32>,
          %get3A_200 = arith.index_cast %add3A_128 : i32 to index
          %get3A_201 = arith.constant 64 : index
          %get3A_202 = tpu.vector_load %arg14[%get3A_200, %get3A_201] {strides = array<i32>} : memref<40x128xf32, #tpu.memory_space<vmem>>, vector<16xf32>,
          %add3A_203 = arith.addf %get3A_199, %get3A_202 : vector<16xf32>
          %get3A_204 = arith.index_cast %add3A_128 : i32 to index
          %get3A_205 = arith.constant 64 : index
          %get3A_206 = tpu.vector_load %arg16[%get3A_204, %get3A_205] {strides = array<i32>} : memref<40x128xf32, #tpu.memory_space<vmem>>, vector<16xf32>,
          %add3A_207 = arith.addf %add3A_203, %get3A_206 : vector<16xf32>
          %mul3A_208 = arith.constant 2.000000e-01 : f32
          %mul3A_209 = vector.broadcast %mul3A_208 : f32 to vector<16xf32>
          %mul3A_210 = arith.mulf %mul3A_209, %add3A_207 : vector<16xf32>
          %max3A_211 = arith.maximumf %add3A_207, %mul3A_210 : vector<16xf32>
          %mul3A_212 = arith.mulf %get3A_13, %max3A_211 : vector<16xf32>
          %add3A_213 = arith.addf %add3A_196, %mul3A_212 : vector<16xf32>
          %get3A_214 = arith.index_cast %add3A_128 : i32 to index
          %get3A_215 = arith.constant 80 : index
          %get3A_216 = tpu.vector_load %arg14[%get3A_214, %get3A_215] {strides = array<i32>} : memref<40x128xf32, #tpu.memory_space<vmem>>, vector<16xf32>,
          %get3A_217 = arith.index_cast %add3A_128 : i32 to index
          %get3A_218 = arith.constant 80 : index
          %get3A_219 = tpu.vector_load %arg14[%get3A_217, %get3A_218] {strides = array<i32>} : memref<40x128xf32, #tpu.memory_space<vmem>>, vector<16xf32>,
          %add3A_220 = arith.addf %get3A_216, %get3A_219 : vector<16xf32>
          %get3A_221 = arith.index_cast %add3A_128 : i32 to index
          %get3A_222 = arith.constant 80 : index
          %get3A_223 = tpu.vector_load %arg16[%get3A_221, %get3A_222] {strides = array<i32>} : memref<40x128xf32, #tpu.memory_space<vmem>>, vector<16xf32>,
          %add3A_224 = arith.addf %add3A_220, %get3A_223 : vector<16xf32>
          %mul3A_225 = arith.constant 2.000000e-01 : f32
          %mul3A_226 = vector.broadcast %mul3A_225 : f32 to vector<16xf32>
          %mul3A_227 = arith.mulf %mul3A_226, %add3A_224 : vector<16xf32>
          %max3A_228 = arith.maximumf %add3A_224, %mul3A_227 : vector<16xf32>
          %mul3A_229 = arith.mulf %get3A_15, %max3A_228 : vector<16xf32>
          %add3A_230 = arith.addf %add3A_213, %mul3A_229 : vector<16xf32>
          %get3A_231 = arith.index_cast %add3A_128 : i32 to index
          %get3A_232 = arith.constant 96 : index
          %get3A_233 = tpu.vector_load %arg14[%get3A_231, %get3A_232] {strides = array<i32>} : memref<40x128xf32, #tpu.memory_space<vmem>>, vector<16xf32>,
          %get3A_234 = arith.index_cast %add3A_128 : i32 to index
          %get3A_235 = arith.constant 96 : index
          %get3A_236 = tpu.vector_load %arg14[%get3A_234, %get3A_235] {strides = array<i32>} : memref<40x128xf32, #tpu.memory_space<vmem>>, vector<16xf32>,
          %add3A_237 = arith.addf %get3A_233, %get3A_236 : vector<16xf32>
          %get3A_238 = arith.index_cast %add3A_128 : i32 to index
          %get3A_239 = arith.constant 96 : index
          %get3A_240 = tpu.vector_load %arg16[%get3A_238, %get3A_239] {strides = array<i32>} : memref<40x128xf32, #tpu.memory_space<vmem>>, vector<16xf32>,
          %add3A_241 = arith.addf %add3A_237, %get3A_240 : vector<16xf32>
          %mul3A_242 = arith.constant 2.000000e-01 : f32
          %mul3A_243 = vector.broadcast %mul3A_242 : f32 to vector<16xf32>
          %mul3A_244 = arith.mulf %mul3A_243, %add3A_241 : vector<16xf32>
          %max3A_245 = arith.maximumf %add3A_241, %mul3A_244 : vector<16xf32>
          %mul3A_246 = arith.mulf %get3A_17, %max3A_245 : vector<16xf32>
          %add3A_247 = arith.addf %add3A_230, %mul3A_246 : vector<16xf32>
          %get3A_248 = arith.index_cast %add3A_128 : i32 to index
          %get3A_249 = arith.constant 112 : index
          %get3A_250 = tpu.vector_load %arg14[%get3A_248, %get3A_249] {strides = array<i32>} : memref<40x128xf32, #tpu.memory_space<vmem>>, vector<16xf32>,
          %get3A_251 = arith.index_cast %add3A_128 : i32 to index
          %get3A_252 = arith.constant 112 : index
          %get3A_253 = tpu.vector_load %arg14[%get3A_251, %get3A_252] {strides = array<i32>} : memref<40x128xf32, #tpu.memory_space<vmem>>, vector<16xf32>,
          %add3A_254 = arith.addf %get3A_250, %get3A_253 : vector<16xf32>
          %get3A_255 = arith.index_cast %add3A_128 : i32 to index
          %get3A_256 = arith.constant 112 : index
          %get3A_257 = tpu.vector_load %arg16[%get3A_255, %get3A_256] {strides = array<i32>} : memref<40x128xf32, #tpu.memory_space<vmem>>, vector<16xf32>,
          %add3A_258 = arith.addf %add3A_254, %get3A_257 : vector<16xf32>
          %mul3A_259 = arith.constant 2.000000e-01 : f32
          %mul3A_260 = vector.broadcast %mul3A_259 : f32 to vector<16xf32>
          %mul3A_261 = arith.mulf %mul3A_260, %add3A_258 : vector<16xf32>
          %max3A_262 = arith.maximumf %add3A_258, %mul3A_261 : vector<16xf32>
          %mul3A_263 = arith.mulf %get3A_19, %max3A_262 : vector<16xf32>
          %add3A_264 = arith.addf %add3A_247, %mul3A_263 : vector<16xf32>
          %reduce_sum3A = arith.constant true
          %reduce_sum3A_265 = vector.broadcast %reduce_sum3A : i1 to vector<16xi1>
          %reduce_sum3A_266 = tpu.scan <sum>, %add3A_264 masked %reduce_sum3A_265 : vector<16xf32>, vector<16xi1> -> vector<16xf32>
          %reduce_sum3A_267 = vector.extract %reduce_sum3A_266[15] : f32 from vector<16xf32>
          %broadcast_in_dim3A_268 = vector.broadcast %reduce_sum3A_267 : f32 to vector<16xf32>
          %exp3A = math.exp %broadcast_in_dim3A_268 : vector<16xf32>
          %swap3A = arith.index_cast %add3A_128 : i32 to index
          %swap3A_269 = arith.constant 128 : index
          %swap3A_270 = tpu.vector_load %arg19[%swap3A, %swap3A_269] {strides = array<i32>} : memref<40x144xf32, #tpu.memory_space<vmem>>, vector<16xf32>,
          tpu.vector_store %arg19[%swap3A, %swap3A_269], %exp3A {strides = array<i32>} : memref<40x144xf32, #tpu.memory_space<vmem>>, vector<16xf32>,
          %mul3A_271 = arith.mulf %get3A_132, %exp3A : vector<16xf32>
          %swap3A_272 = arith.index_cast %add3A_128 : i32 to index
          %swap3A_273 = arith.constant 0 : index
          %swap3A_274 = tpu.vector_load %arg19[%swap3A_272, %swap3A_273] {strides = array<i32>} : memref<40x144xf32, #tpu.memory_space<vmem>>, vector<16xf32>,
          tpu.vector_store %arg19[%swap3A_272, %swap3A_273], %mul3A_271 {strides = array<i32>} : memref<40x144xf32, #tpu.memory_space<vmem>>, vector<16xf32>,
          %mul3A_275 = arith.mulf %get3A_148, %exp3A : vector<16xf32>
          %swap3A_276 = arith.index_cast %add3A_128 : i32 to index
          %swap3A_277 = arith.constant 16 : index
          %swap3A_278 = tpu.vector_load %arg19[%swap3A_276, %swap3A_277] {strides = array<i32>} : memref<40x144xf32, #tpu.memory_space<vmem>>, vector<16xf32>,
          tpu.vector_store %arg19[%swap3A_276, %swap3A_277], %mul3A_275 {strides = array<i32>} : memref<40x144xf32, #tpu.memory_space<vmem>>, vector<16xf32>,
          %mul3A_279 = arith.mulf %get3A_165, %exp3A : vector<16xf32>
          %swap3A_280 = arith.index_cast %add3A_128 : i32 to index
          %swap3A_281 = arith.constant 32 : index
          %swap3A_282 = tpu.vector_load %arg19[%swap3A_280, %swap3A_281] {strides = array<i32>} : memref<40x144xf32, #tpu.memory_space<vmem>>, vector<16xf32>,
          tpu.vector_store %arg19[%swap3A_280, %swap3A_281], %mul3A_279 {strides = array<i32>} : memref<40x144xf32, #tpu.memory_space<vmem>>, vector<16xf32>,
          %mul3A_283 = arith.mulf %get3A_182, %exp3A : vector<16xf32>
          %swap3A_284 = arith.index_cast %add3A_128 : i32 to index
          %swap3A_285 = arith.constant 48 : index
          %swap3A_286 = tpu.vector_load %arg19[%swap3A_284, %swap3A_285] {strides = array<i32>} : memref<40x144xf32, #tpu.memory_space<vmem>>, vector<16xf32>,
          tpu.vector_store %arg19[%swap3A_284, %swap3A_285], %mul3A_283 {strides = array<i32>} : memref<40x144xf32, #tpu.memory_space<vmem>>, vector<16xf32>,
          %mul3A_287 = arith.mulf %get3A_199, %exp3A : vector<16xf32>
          %swap3A_288 = arith.index_cast %add3A_128 : i32 to index
          %swap3A_289 = arith.constant 64 : index
          %swap3A_290 = tpu.vector_load %arg19[%swap3A_288, %swap3A_289] {strides = array<i32>} : memref<40x144xf32, #tpu.memory_space<vmem>>, vector<16xf32>,
          tpu.vector_store %arg19[%swap3A_288, %swap3A_289], %mul3A_287 {strides = array<i32>} : memref<40x144xf32, #tpu.memory_space<vmem>>, vector<16xf32>,
          %mul3A_291 = arith.mulf %get3A_216, %exp3A : vector<16xf32>
          %swap3A_292 = arith.index_cast %add3A_128 : i32 to index
          %swap3A_293 = arith.constant 80 : index
          %swap3A_294 = tpu.vector_load %arg19[%swap3A_292, %swap3A_293] {strides = array<i32>} : memref<40x144xf32, #tpu.memory_space<vmem>>, vector<16xf32>,
          tpu.vector_store %arg19[%swap3A_292, %swap3A_293], %mul3A_291 {strides = array<i32>} : memref<40x144xf32, #tpu.memory_space<vmem>>, vector<16xf32>,
          %mul3A_295 = arith.mulf %get3A_233, %exp3A : vector<16xf32>
          %swap3A_296 = arith.index_cast %add3A_128 : i32 to index
          %swap3A_297 = arith.constant 96 : index
          %swap3A_298 = tpu.vector_load %arg19[%swap3A_296, %swap3A_297] {strides = array<i32>} : memref<40x144xf32, #tpu.memory_space<vmem>>, vector<16xf32>,
          tpu.vector_store %arg19[%swap3A_296, %swap3A_297], %mul3A_295 {strides = array<i32>} : memref<40x144xf32, #tpu.memory_space<vmem>>, vector<16xf32>,
          %mul3A_299 = arith.mulf %get3A_250, %exp3A : vector<16xf32>
          %swap3A_300 = arith.index_cast %add3A_128 : i32 to index
          %swap3A_301 = arith.constant 112 : index
          %swap3A_302 = tpu.vector_load %arg19[%swap3A_300, %swap3A_301] {strides = array<i32>} : memref<40x144xf32, #tpu.memory_space<vmem>>, vector<16xf32>,
          tpu.vector_store %arg19[%swap3A_300, %swap3A_301], %mul3A_299 {strides = array<i32>} : memref<40x144xf32, #tpu.memory_space<vmem>>, vector<16xf32>,
          %add3A_303 = arith.constant 1 : i32
          %add3A_304 = arith.addi %add3A_128, %add3A_303 : i32
          %broadcast_in_dim3A_305 = arith.constant 0.000000e+00 : f32
          %broadcast_in_dim3A_306 = vector.broadcast %broadcast_in_dim3A_305 : f32 to vector<16xf32>
          %get3A_307 = arith.index_cast %add3A_304 : i32 to index
          %get3A_308 = arith.constant 0 : index
          %get3A_309 = tpu.vector_load %arg14[%get3A_307, %get3A_308] {strides = array<i32>} : memref<40x128xf32, #tpu.memory_space<vmem>>, vector<16xf32>,
          %get3A_310 = arith.index_cast %add3A_304 : i32 to index
          %get3A_311 = arith.constant 0 : index
          %get3A_312 = tpu.vector_load %arg14[%get3A_310, %get3A_311] {strides = array<i32>} : memref<40x128xf32, #tpu.memory_space<vmem>>, vector<16xf32>,
          %add3A_313 = arith.addf %get3A_309, %get3A_312 : vector<16xf32>
          %get3A_314 = arith.index_cast %add3A_304 : i32 to index
          %get3A_315 = arith.constant 0 : index
          %get3A_316 = tpu.vector_load %arg16[%get3A_314, %get3A_315] {strides = array<i32>} : memref<40x128xf32, #tpu.memory_space<vmem>>, vector<16xf32>,
          %add3A_317 = arith.addf %add3A_313, %get3A_316 : vector<16xf32>
          %mul3A_318 = arith.constant 2.000000e-01 : f32
          %mul3A_319 = vector.broadcast %mul3A_318 : f32 to vector<16xf32>
          %mul3A_320 = arith.mulf %mul3A_319, %add3A_317 : vector<16xf32>
          %max3A_321 = arith.maximumf %add3A_317, %mul3A_320 : vector<16xf32>
          %mul3A_322 = arith.mulf %get3A_5, %max3A_321 : vector<16xf32>
          %add3A_323 = arith.addf %broadcast_in_dim3A_306, %mul3A_322 : vector<16xf32>
          %get3A_324 = arith.index_cast %add3A_304 : i32 to index
          %get3A_325 = arith.constant 16 : index
          %get3A_326 = tpu.vector_load %arg14[%get3A_324, %get3A_325] {strides = array<i32>} : memref<40x128xf32, #tpu.memory_space<vmem>>, vector<16xf32>,
          %get3A_327 = arith.index_cast %add3A_304 : i32 to index
          %get3A_328 = arith.constant 16 : index
          %get3A_329 = tpu.vector_load %arg14[%get3A_327, %get3A_328] {strides = array<i32>} : memref<40x128xf32, #tpu.memory_space<vmem>>, vector<16xf32>,
          %add3A_330 = arith.addf %get3A_326, %get3A_329 : vector<16xf32>
          %get3A_331 = arith.index_cast %add3A_304 : i32 to index
          %get3A_332 = arith.constant 16 : index
          %get3A_333 = tpu.vector_load %arg16[%get3A_331, %get3A_332] {strides = array<i32>} : memref<40x128xf32, #tpu.memory_space<vmem>>, vector<16xf32>,
          %add3A_334 = arith.addf %add3A_330, %get3A_333 : vector<16xf32>
          %mul3A_335 = arith.constant 2.000000e-01 : f32
          %mul3A_336 = vector.broadcast %mul3A_335 : f32 to vector<16xf32>
          %mul3A_337 = arith.mulf %mul3A_336, %add3A_334 : vector<16xf32>
          %max3A_338 = arith.maximumf %add3A_334, %mul3A_337 : vector<16xf32>
          %mul3A_339 = arith.mulf %get3A_7, %max3A_338 : vector<16xf32>
          %add3A_340 = arith.addf %add3A_323, %mul3A_339 : vector<16xf32>
          %get3A_341 = arith.index_cast %add3A_304 : i32 to index
          %get3A_342 = arith.constant 32 : index
          %get3A_343 = tpu.vector_load %arg14[%get3A_341, %get3A_342] {strides = array<i32>} : memref<40x128xf32, #tpu.memory_space<vmem>>, vector<16xf32>,
          %get3A_344 = arith.index_cast %add3A_304 : i32 to index
          %get3A_345 = arith.constant 32 : index
          %get3A_346 = tpu.vector_load %arg14[%get3A_344, %get3A_345] {strides = array<i32>} : memref<40x128xf32, #tpu.memory_space<vmem>>, vector<16xf32>,
          %add3A_347 = arith.addf %get3A_343, %get3A_346 : vector<16xf32>
          %get3A_348 = arith.index_cast %add3A_304 : i32 to index
          %get3A_349 = arith.constant 32 : index
          %get3A_350 = tpu.vector_load %arg16[%get3A_348, %get3A_349] {strides = array<i32>} : memref<40x128xf32, #tpu.memory_space<vmem>>, vector<16xf32>,
          %add3A_351 = arith.addf %add3A_347, %get3A_350 : vector<16xf32>
          %mul3A_352 = arith.constant 2.000000e-01 : f32
          %mul3A_353 = vector.broadcast %mul3A_352 : f32 to vector<16xf32>
          %mul3A_354 = arith.mulf %mul3A_353, %add3A_351 : vector<16xf32>
          %max3A_355 = arith.maximumf %add3A_351, %mul3A_354 : vector<16xf32>
          %mul3A_356 = arith.mulf %get3A_9, %max3A_355 : vector<16xf32>
          %add3A_357 = arith.addf %add3A_340, %mul3A_356 : vector<16xf32>
          %get3A_358 = arith.index_cast %add3A_304 : i32 to index
          %get3A_359 = arith.constant 48 : index
          %get3A_360 = tpu.vector_load %arg14[%get3A_358, %get3A_359] {strides = array<i32>} : memref<40x128xf32, #tpu.memory_space<vmem>>, vector<16xf32>,
          %get3A_361 = arith.index_cast %add3A_304 : i32 to index
          %get3A_362 = arith.constant 48 : index
          %get3A_363 = tpu.vector_load %arg14[%get3A_361, %get3A_362] {strides = array<i32>} : memref<40x128xf32, #tpu.memory_space<vmem>>, vector<16xf32>,
          %add3A_364 = arith.addf %get3A_360, %get3A_363 : vector<16xf32>
          %get3A_365 = arith.index_cast %add3A_304 : i32 to index
          %get3A_366 = arith.constant 48 : index
          %get3A_367 = tpu.vector_load %arg16[%get3A_365, %get3A_366] {strides = array<i32>} : memref<40x128xf32, #tpu.memory_space<vmem>>, vector<16xf32>,
          %add3A_368 = arith.addf %add3A_364, %get3A_367 : vector<16xf32>
          %mul3A_369 = arith.constant 2.000000e-01 : f32
          %mul3A_370 = vector.broadcast %mul3A_369 : f32 to vector<16xf32>
          %mul3A_371 = arith.mulf %mul3A_370, %add3A_368 : vector<16xf32>
          %max3A_372 = arith.maximumf %add3A_368, %mul3A_371 : vector<16xf32>
          %mul3A_373 = arith.mulf %get3A_11, %max3A_372 : vector<16xf32>
          %add3A_374 = arith.addf %add3A_357, %mul3A_373 : vector<16xf32>
          %get3A_375 = arith.index_cast %add3A_304 : i32 to index
          %get3A_376 = arith.constant 64 : index
          %get3A_377 = tpu.vector_load %arg14[%get3A_375, %get3A_376] {strides = array<i32>} : memref<40x128xf32, #tpu.memory_space<vmem>>, vector<16xf32>,
          %get3A_378 = arith.index_cast %add3A_304 : i32 to index
          %get3A_379 = arith.constant 64 : index
          %get3A_380 = tpu.vector_load %arg14[%get3A_378, %get3A_379] {strides = array<i32>} : memref<40x128xf32, #tpu.memory_space<vmem>>, vector<16xf32>,
          %add3A_381 = arith.addf %get3A_377, %get3A_380 : vector<16xf32>
          %get3A_382 = arith.index_cast %add3A_304 : i32 to index
          %get3A_383 = arith.constant 64 : index
          %get3A_384 = tpu.vector_load %arg16[%get3A_382, %get3A_383] {strides = array<i32>} : memref<40x128xf32, #tpu.memory_space<vmem>>, vector<16xf32>,
          %add3A_385 = arith.addf %add3A_381, %get3A_384 : vector<16xf32>
          %mul3A_386 = arith.constant 2.000000e-01 : f32
          %mul3A_387 = vector.broadcast %mul3A_386 : f32 to vector<16xf32>
          %mul3A_388 = arith.mulf %mul3A_387, %add3A_385 : vector<16xf32>
          %max3A_389 = arith.maximumf %add3A_385, %mul3A_388 : vector<16xf32>
          %mul3A_390 = arith.mulf %get3A_13, %max3A_389 : vector<16xf32>
          %add3A_391 = arith.addf %add3A_374, %mul3A_390 : vector<16xf32>
          %get3A_392 = arith.index_cast %add3A_304 : i32 to index
          %get3A_393 = arith.constant 80 : index
          %get3A_394 = tpu.vector_load %arg14[%get3A_392, %get3A_393] {strides = array<i32>} : memref<40x128xf32, #tpu.memory_space<vmem>>, vector<16xf32>,
          %get3A_395 = arith.index_cast %add3A_304 : i32 to index
          %get3A_396 = arith.constant 80 : index
          %get3A_397 = tpu.vector_load %arg14[%get3A_395, %get3A_396] {strides = array<i32>} : memref<40x128xf32, #tpu.memory_space<vmem>>, vector<16xf32>,
          %add3A_398 = arith.addf %get3A_394, %get3A_397 : vector<16xf32>
          %get3A_399 = arith.index_cast %add3A_304 : i32 to index
          %get3A_400 = arith.constant 80 : index
          %get3A_401 = tpu.vector_load %arg16[%get3A_399, %get3A_400] {strides = array<i32>} : memref<40x128xf32, #tpu.memory_space<vmem>>, vector<16xf32>,
          %add3A_402 = arith.addf %add3A_398, %get3A_401 : vector<16xf32>
          %mul3A_403 = arith.constant 2.000000e-01 : f32
          %mul3A_404 = vector.broadcast %mul3A_403 : f32 to vector<16xf32>
          %mul3A_405 = arith.mulf %mul3A_404, %add3A_402 : vector<16xf32>
          %max3A_406 = arith.maximumf %add3A_402, %mul3A_405 : vector<16xf32>
          %mul3A_407 = arith.mulf %get3A_15, %max3A_406 : vector<16xf32>
          %add3A_408 = arith.addf %add3A_391, %mul3A_407 : vector<16xf32>
          %get3A_409 = arith.index_cast %add3A_304 : i32 to index
          %get3A_410 = arith.constant 96 : index
          %get3A_411 = tpu.vector_load %arg14[%get3A_409, %get3A_410] {strides = array<i32>} : memref<40x128xf32, #tpu.memory_space<vmem>>, vector<16xf32>,
          %get3A_412 = arith.index_cast %add3A_304 : i32 to index
          %get3A_413 = arith.constant 96 : index
          %get3A_414 = tpu.vector_load %arg14[%get3A_412, %get3A_413] {strides = array<i32>} : memref<40x128xf32, #tpu.memory_space<vmem>>, vector<16xf32>,
          %add3A_415 = arith.addf %get3A_411, %get3A_414 : vector<16xf32>
          %get3A_416 = arith.index_cast %add3A_304 : i32 to index
          %get3A_417 = arith.constant 96 : index
          %get3A_418 = tpu.vector_load %arg16[%get3A_416, %get3A_417] {strides = array<i32>} : memref<40x128xf32, #tpu.memory_space<vmem>>, vector<16xf32>,
          %add3A_419 = arith.addf %add3A_415, %get3A_418 : vector<16xf32>
          %mul3A_420 = arith.constant 2.000000e-01 : f32
          %mul3A_421 = vector.broadcast %mul3A_420 : f32 to vector<16xf32>
          %mul3A_422 = arith.mulf %mul3A_421, %add3A_419 : vector<16xf32>
          %max3A_423 = arith.maximumf %add3A_419, %mul3A_422 : vector<16xf32>
          %mul3A_424 = arith.mulf %get3A_17, %max3A_423 : vector<16xf32>
          %add3A_425 = arith.addf %add3A_408, %mul3A_424 : vector<16xf32>
          %get3A_426 = arith.index_cast %add3A_304 : i32 to index
          %get3A_427 = arith.constant 112 : index
          %get3A_428 = tpu.vector_load %arg14[%get3A_426, %get3A_427] {strides = array<i32>} : memref<40x128xf32, #tpu.memory_space<vmem>>, vector<16xf32>,
          %get3A_429 = arith.index_cast %add3A_304 : i32 to index
          %get3A_430 = arith.constant 112 : index
          %get3A_431 = tpu.vector_load %arg14[%get3A_429, %get3A_430] {strides = array<i32>} : memref<40x128xf32, #tpu.memory_space<vmem>>, vector<16xf32>,
          %add3A_432 = arith.addf %get3A_428, %get3A_431 : vector<16xf32>
          %get3A_433 = arith.index_cast %add3A_304 : i32 to index
          %get3A_434 = arith.constant 112 : index
          %get3A_435 = tpu.vector_load %arg16[%get3A_433, %get3A_434] {strides = array<i32>} : memref<40x128xf32, #tpu.memory_space<vmem>>, vector<16xf32>,
          %add3A_436 = arith.addf %add3A_432, %get3A_435 : vector<16xf32>
          %mul3A_437 = arith.constant 2.000000e-01 : f32
          %mul3A_438 = vector.broadcast %mul3A_437 : f32 to vector<16xf32>
          %mul3A_439 = arith.mulf %mul3A_438, %add3A_436 : vector<16xf32>
          %max3A_440 = arith.maximumf %add3A_436, %mul3A_439 : vector<16xf32>
          %mul3A_441 = arith.mulf %get3A_19, %max3A_440 : vector<16xf32>
          %add3A_442 = arith.addf %add3A_425, %mul3A_441 : vector<16xf32>
          %reduce_sum3A_443 = arith.constant true
          %reduce_sum3A_444 = vector.broadcast %reduce_sum3A_443 : i1 to vector<16xi1>
          %reduce_sum3A_445 = tpu.scan <sum>, %add3A_442 masked %reduce_sum3A_444 : vector<16xf32>, vector<16xi1> -> vector<16xf32>
          %reduce_sum3A_446 = vector.extract %reduce_sum3A_445[15] : f32 from vector<16xf32>
          %broadcast_in_dim3A_447 = vector.broadcast %reduce_sum3A_446 : f32 to vector<16xf32>
          %exp3A_448 = math.exp %broadcast_in_dim3A_447 : vector<16xf32>
          %swap3A_449 = arith.index_cast %add3A_304 : i32 to index
          %swap3A_450 = arith.constant 128 : index
          %swap3A_451 = tpu.vector_load %arg19[%swap3A_449, %swap3A_450] {strides = array<i32>} : memref<40x144xf32, #tpu.memory_space<vmem>>, vector<16xf32>,
          tpu.vector_store %arg19[%swap3A_449, %swap3A_450], %exp3A_448 {strides = array<i32>} : memref<40x144xf32, #tpu.memory_space<vmem>>, vector<16xf32>,
          %mul3A_452 = arith.mulf %get3A_309, %exp3A_448 : vector<16xf32>
          %swap3A_453 = arith.index_cast %add3A_304 : i32 to index
          %swap3A_454 = arith.constant 0 : index
          %swap3A_455 = tpu.vector_load %arg19[%swap3A_453, %swap3A_454] {strides = array<i32>} : memref<40x144xf32, #tpu.memory_space<vmem>>, vector<16xf32>,
          tpu.vector_store %arg19[%swap3A_453, %swap3A_454], %mul3A_452 {strides = array<i32>} : memref<40x144xf32, #tpu.memory_space<vmem>>, vector<16xf32>,
          %mul3A_456 = arith.mulf %get3A_326, %exp3A_448 : vector<16xf32>
          %swap3A_457 = arith.index_cast %add3A_304 : i32 to index
          %swap3A_458 = arith.constant 16 : index
          %swap3A_459 = tpu.vector_load %arg19[%swap3A_457, %swap3A_458] {strides = array<i32>} : memref<40x144xf32, #tpu.memory_space<vmem>>, vector<16xf32>,
          tpu.vector_store %arg19[%swap3A_457, %swap3A_458], %mul3A_456 {strides = array<i32>} : memref<40x144xf32, #tpu.memory_space<vmem>>, vector<16xf32>,
          %mul3A_460 = arith.mulf %get3A_343, %exp3A_448 : vector<16xf32>
          %swap3A_461 = arith.index_cast %add3A_304 : i32 to index
          %swap3A_462 = arith.constant 32 : index
          %swap3A_463 = tpu.vector_load %arg19[%swap3A_461, %swap3A_462] {strides = array<i32>} : memref<40x144xf32, #tpu.memory_space<vmem>>, vector<16xf32>,
          tpu.vector_store %arg19[%swap3A_461, %swap3A_462], %mul3A_460 {strides = array<i32>} : memref<40x144xf32, #tpu.memory_space<vmem>>, vector<16xf32>,
          %mul3A_464 = arith.mulf %get3A_360, %exp3A_448 : vector<16xf32>
          %swap3A_465 = arith.index_cast %add3A_304 : i32 to index
          %swap3A_466 = arith.constant 48 : index
          %swap3A_467 = tpu.vector_load %arg19[%swap3A_465, %swap3A_466] {strides = array<i32>} : memref<40x144xf32, #tpu.memory_space<vmem>>, vector<16xf32>,
          tpu.vector_store %arg19[%swap3A_465, %swap3A_466], %mul3A_464 {strides = array<i32>} : memref<40x144xf32, #tpu.memory_space<vmem>>, vector<16xf32>,
          %mul3A_468 = arith.mulf %get3A_377, %exp3A_448 : vector<16xf32>
          %swap3A_469 = arith.index_cast %add3A_304 : i32 to index
          %swap3A_470 = arith.constant 64 : index
          %swap3A_471 = tpu.vector_load %arg19[%swap3A_469, %swap3A_470] {strides = array<i32>} : memref<40x144xf32, #tpu.memory_space<vmem>>, vector<16xf32>,
          tpu.vector_store %arg19[%swap3A_469, %swap3A_470], %mul3A_468 {strides = array<i32>} : memref<40x144xf32, #tpu.memory_space<vmem>>, vector<16xf32>,
          %mul3A_472 = arith.mulf %get3A_394, %exp3A_448 : vector<16xf32>
          %swap3A_473 = arith.index_cast %add3A_304 : i32 to index
          %swap3A_474 = arith.constant 80 : index
          %swap3A_475 = tpu.vector_load %arg19[%swap3A_473, %swap3A_474] {strides = array<i32>} : memref<40x144xf32, #tpu.memory_space<vmem>>, vector<16xf32>,
          tpu.vector_store %arg19[%swap3A_473, %swap3A_474], %mul3A_472 {strides = array<i32>} : memref<40x144xf32, #tpu.memory_space<vmem>>, vector<16xf32>,
          %mul3A_476 = arith.mulf %get3A_411, %exp3A_448 : vector<16xf32>
          %swap3A_477 = arith.index_cast %add3A_304 : i32 to index
          %swap3A_478 = arith.constant 96 : index
          %swap3A_479 = tpu.vector_load %arg19[%swap3A_477, %swap3A_478] {strides = array<i32>} : memref<40x144xf32, #tpu.memory_space<vmem>>, vector<16xf32>,
          tpu.vector_store %arg19[%swap3A_477, %swap3A_478], %mul3A_476 {strides = array<i32>} : memref<40x144xf32, #tpu.memory_space<vmem>>, vector<16xf32>,
          %mul3A_480 = arith.mulf %get3A_428, %exp3A_448 : vector<16xf32>
          %swap3A_481 = arith.index_cast %add3A_304 : i32 to index
          %swap3A_482 = arith.constant 112 : index
          %swap3A_483 = tpu.vector_load %arg19[%swap3A_481, %swap3A_482] {strides = array<i32>} : memref<40x144xf32, #tpu.memory_space<vmem>>, vector<16xf32>,
          tpu.vector_store %arg19[%swap3A_481, %swap3A_482], %mul3A_480 {strides = array<i32>} : memref<40x144xf32, #tpu.memory_space<vmem>>, vector<16xf32>,
        }
        %scan3A_123 = arith.constant 20 : i32
        "tpu.region"() ({
          %run_scoped3A = tpu.sem_alloc : memref<!tpu.dma_semaphore, #tpu.memory_space<semaphore_mem>>
          %dma_start3A_124 = arith.constant 0 : i32
          %dma_start3A_125 = tpu.memref_slice %arg18[%add3A_118, %dma_start3A_124] : memref<50x40xi32, #tpu.memory_space<vmem>> -> memref<1x40xi32, #tpu.memory_space<vmem>>
          %dma_start3A_126 = tpu.memref_squeeze %dma_start3A_125 : memref<1x40xi32, #tpu.memory_space<vmem>> -> memref<40xi32, #tpu.memory_space<vmem>>
          %dma_start3A_127 = arith.constant 0 : i32
          %dma_start3A_128 = arith.constant 0 : i32
          %dma_start3A_129 = tpu.memref_slice %arg10[%dma_start3A_127, %dma_start3A_128] : memref<10000x144xf32, #tpu.memory_space<vmem_shared>> -> memref<10000x144xf32, #tpu.memory_space<vmem_shared>>
          tpu.enqueue_indirect_dma source(%arg19 : memref<40x144xf32, #tpu.memory_space<vmem>>) target(%dma_start3A_129 : memref<10000x144xf32, #tpu.memory_space<vmem_shared>>) offsets(%dma_start3A_126 : memref<40xi32, #tpu.memory_space<vmem>>) semaphore(%run_scoped3A : memref<!tpu.dma_semaphore, #tpu.memory_space<semaphore_mem>>) {add = true}
          %dma_wait3A_130 = arith.constant 0 : i32
          %dma_wait3A_131 = tpu.memref_slice %arg18[%add3A_118, %dma_wait3A_130] : memref<50x40xi32, #tpu.memory_space<vmem>> -> memref<1x40xi32, #tpu.memory_space<vmem>>
          %dma_wait3A_132 = tpu.memref_squeeze %dma_wait3A_131 : memref<1x40xi32, #tpu.memory_space<vmem>> -> memref<40xi32, #tpu.memory_space<vmem>>
          %dma_wait3A_133 = arith.constant 0 : i32
          %dma_wait3A_134 = arith.constant 0 : i32
          %dma_wait3A_135 = tpu.memref_slice %arg10[%dma_wait3A_133, %dma_wait3A_134] : memref<10000x144xf32, #tpu.memory_space<vmem_shared>> -> memref<10000x144xf32, #tpu.memory_space<vmem_shared>>
          tpu.wait_indirect_dma semaphore(%run_scoped3A : memref<!tpu.dma_semaphore, #tpu.memory_space<semaphore_mem>>) src(%arg19 : memref<40x144xf32, #tpu.memory_space<vmem>>) dst(%dma_wait3A_135 : memref<10000x144xf32, #tpu.memory_space<vmem_shared>>)
          tpu.yield
        }) : () -> ()
      }
      %scan3A_58 = arith.constant 25 : i32
    }
    %scan3A_23 = arith.constant 5 : i32
    %barrier3A_24 = arith.constant 0 : index
    tpu.barrier barrier_id(%barrier3A_24)
    "tpu.region"() ({
      %run_scoped3A = tpu.sem_alloc : memref<!tpu.dma_semaphore, #tpu.memory_space<semaphore_mem>>
      %dma_start3A = arith.constant 0 : i32
      %dma_start3A_30 = tpu.memref_slice %arg9[%arg0, %mul3A_2, %dma_start3A] : memref<2x10000x144xf32, #tpu.memory_space<hbm>> -> memref<1x624x144xf32, #tpu.memory_space<hbm>>
      %dma_start3A_31 = tpu.memref_squeeze %dma_start3A_30 : memref<1x624x144xf32, #tpu.memory_space<hbm>> -> memref<624x144xf32, #tpu.memory_space<hbm>>
      %dma_start3A_32 = arith.constant 0 : i32
      %dma_start3A_33 = tpu.memref_slice %arg10[%mul3A_2, %dma_start3A_32] : memref<10000x144xf32, #tpu.memory_space<vmem_shared>> -> memref<624x144xf32, #tpu.memory_space<vmem_shared>>
      tpu.enqueue_dma source(%dma_start3A_33 : memref<624x144xf32, #tpu.memory_space<vmem_shared>>) target(%dma_start3A_31 : memref<624x144xf32, #tpu.memory_space<hbm>>) target_semaphore(%run_scoped3A : memref<!tpu.dma_semaphore, #tpu.memory_space<semaphore_mem>>)
      %dma_wait3A = arith.constant 0 : i32
      %dma_wait3A_34 = tpu.memref_slice %arg9[%arg0, %mul3A_2, %dma_wait3A] : memref<2x10000x144xf32, #tpu.memory_space<hbm>> -> memref<1x624x144xf32, #tpu.memory_space<hbm>>
      %dma_wait3A_35 = tpu.memref_squeeze %dma_wait3A_34 : memref<1x624x144xf32, #tpu.memory_space<hbm>> -> memref<624x144xf32, #tpu.memory_space<hbm>>
      %dma_wait3A_36 = arith.constant 0 : i32
      %dma_wait3A_37 = tpu.memref_slice %arg10[%mul3A_2, %dma_wait3A_36] : memref<10000x144xf32, #tpu.memory_space<vmem_shared>> -> memref<624x144xf32, #tpu.memory_space<vmem_shared>>
      tpu.wait_dma2 semaphore(%run_scoped3A : memref<!tpu.dma_semaphore, #tpu.memory_space<semaphore_mem>>) src(%dma_wait3A_37 : memref<624x144xf32, #tpu.memory_space<vmem_shared>>) dst(%dma_wait3A_35 : memref<624x144xf32, #tpu.memory_space<hbm>>)
      tpu.yield
    }) : () -> ()
    %eq3A_25 = arith.constant 0 : i32
    %eq3A_26 = arith.cmpi eq, %arg1, %eq3A_25 : i32
    %convert_element_type3A_27 = arith.extui %eq3A_26 : i1 to i32
    %cond3A_28 = arith.constant 0 : i32
    %cond3A_29 = arith.cmpi ne, %convert_element_type3A_27, %cond3A_28 : i32
    scf.if %cond3A_29 {
      "tpu.region"() ({
        %run_scoped3A = tpu.sem_alloc : memref<!tpu.dma_semaphore, #tpu.memory_space<semaphore_mem>>
        %dma_start3A = arith.constant 9984 : i32
        %dma_start3A_30 = arith.constant 0 : i32
        %dma_start3A_31 = tpu.memref_slice %arg9[%arg0, %dma_start3A, %dma_start3A_30] : memref<2x10000x144xf32, #tpu.memory_space<hbm>> -> memref<1x16x144xf32, #tpu.memory_space<hbm>>
        %dma_start3A_32 = tpu.memref_squeeze %dma_start3A_31 : memref<1x16x144xf32, #tpu.memory_space<hbm>> -> memref<16x144xf32, #tpu.memory_space<hbm>>
        %dma_start3A_33 = arith.constant 9984 : i32
        %dma_start3A_34 = arith.constant 0 : i32
        %dma_start3A_35 = tpu.memref_slice %arg10[%dma_start3A_33, %dma_start3A_34] : memref<10000x144xf32, #tpu.memory_space<vmem_shared>> -> memref<16x144xf32, #tpu.memory_space<vmem_shared>>
        tpu.enqueue_dma source(%dma_start3A_35 : memref<16x144xf32, #tpu.memory_space<vmem_shared>>) target(%dma_start3A_32 : memref<16x144xf32, #tpu.memory_space<hbm>>) target_semaphore(%run_scoped3A : memref<!tpu.dma_semaphore, #tpu.memory_space<semaphore_mem>>)
        %dma_wait3A = arith.constant 9984 : i32
        %dma_wait3A_36 = arith.constant 0 : i32
        %dma_wait3A_37 = tpu.memref_slice %arg9[%arg0, %dma_wait3A, %dma_wait3A_36] : memref<2x10000x144xf32, #tpu.memory_space<hbm>> -> memref<1x16x144xf32, #tpu.memory_space<hbm>>
        %dma_wait3A_38 = tpu.memref_squeeze %dma_wait3A_37 : memref<1x16x144xf32, #tpu.memory_space<hbm>> -> memref<16x144xf32, #tpu.memory_space<hbm>>
        %dma_wait3A_39 = arith.constant 9984 : i32
        %dma_wait3A_40 = arith.constant 0 : i32
        %dma_wait3A_41 = tpu.memref_slice %arg10[%dma_wait3A_39, %dma_wait3A_40] : memref<10000x144xf32, #tpu.memory_space<vmem_shared>> -> memref<16x144xf32, #tpu.memory_space<vmem_shared>>
        tpu.wait_dma2 semaphore(%run_scoped3A : memref<!tpu.dma_semaphore, #tpu.memory_space<semaphore_mem>>) src(%dma_wait3A_41 : memref<16x144xf32, #tpu.memory_space<vmem_shared>>) dst(%dma_wait3A_38 : memref<16x144xf32, #tpu.memory_space<hbm>>)
        tpu.yield
      }) : () -> ()
    } else {
    }
    return
  }
}

#map = affine_map<(d0, d1) -> (0, 0)>
#map1 = affine_map<(d0, d1) -> (0)>
#map2 = affine_map<(d0, d1) -> (0, 0, 0)>
module attributes {stable_mosaic.version = 14 : i64} {
  func.func @edge_pass(%arg0: i32, %arg1: i32, %arg2: memref<10000x128xf32, #tpu.memory_space<hbm>>, %arg3: memref<10000x128xf32, #tpu.memory_space<hbm>>, %arg4: memref<8000x40xi32, #tpu.memory_space<hbm>>, %arg5: memref<8000x40xi32, #tpu.memory_space<hbm>>, %arg6: memref<128xf32, #tpu.memory_space<hbm>>, %arg7: memref<10000x144xf32, #tpu.memory_space<hbm>>, %arg8: memref<2x10000x144xf32, #tpu.memory_space<hbm>>, %arg9: memref<10000x144xf32, #tpu.memory_space<vmem_shared>>, %arg10: memref<40x128xf32, #tpu.memory_space<vmem>>, %arg11: memref<40x128xf32, #tpu.memory_space<vmem>>, %arg12: memref<40x128xf32, #tpu.memory_space<vmem>>, %arg13: memref<40x128xf32, #tpu.memory_space<vmem>>, %arg14: memref<50x40xi32, #tpu.memory_space<vmem>>, %arg15: memref<50x40xi32, #tpu.memory_space<vmem>>, %arg16: memref<40x144xf32, #tpu.memory_space<vmem>>, %arg17: memref<128xf32, #tpu.memory_space<vmem>>, %arg18: memref<!tpu.dma_semaphore, #tpu.memory_space<semaphore_mem>>, %arg19: memref<!tpu.dma_semaphore, #tpu.memory_space<semaphore_mem>>) attributes {dimension_semantics = [#tpu.dimension_semantics<core_parallel>, #tpu.dimension_semantics<subcore_parallel>], iteration_bounds = array<i64: 2, 16>, scalar_prefetch = 0 : i64, scratch_operands = 11 : i64, tpu.core_type = #tpu.core_type<sc_vector_subcore>, window_params = [{transform_indices = #map}, {transform_indices = #map}, {transform_indices = #map}, {transform_indices = #map}, {transform_indices = #map1}, {transform_indices = #map}, {transform_indices = #map2}]} {
    %mul3A = arith.constant 16 : i32
    %mul3A_0 = arith.muli %arg0, %mul3A : i32
    %add3A = arith.addi %mul3A_0, %arg1 : i32
    %mul3A_1 = arith.constant 624 : i32
    %mul3A_2 = arith.muli %arg1, %mul3A_1 : i32
    "tpu.region"() ({
      %run_scoped3A = tpu.sem_alloc : memref<!tpu.dma_semaphore, #tpu.memory_space<semaphore_mem>>
      %dma_start3A = arith.constant 0 : i32
      %dma_start3A_30 = tpu.memref_slice %arg9[%mul3A_2, %dma_start3A] : memref<10000x144xf32, #tpu.memory_space<vmem_shared>> -> memref<624x144xf32, #tpu.memory_space<vmem_shared>>
      %dma_start3A_31 = arith.constant 0 : i32
      %dma_start3A_32 = tpu.memref_slice %arg7[%mul3A_2, %dma_start3A_31] : memref<10000x144xf32, #tpu.memory_space<hbm>> -> memref<624x144xf32, #tpu.memory_space<hbm>>
      tpu.enqueue_dma source(%dma_start3A_32 : memref<624x144xf32, #tpu.memory_space<hbm>>) target(%dma_start3A_30 : memref<624x144xf32, #tpu.memory_space<vmem_shared>>) target_semaphore(%run_scoped3A : memref<!tpu.dma_semaphore, #tpu.memory_space<semaphore_mem>>)
      %dma_wait3A = arith.constant 0 : i32
      %dma_wait3A_33 = tpu.memref_slice %arg9[%mul3A_2, %dma_wait3A] : memref<10000x144xf32, #tpu.memory_space<vmem_shared>> -> memref<624x144xf32, #tpu.memory_space<vmem_shared>>
      %dma_wait3A_34 = arith.constant 0 : i32
      %dma_wait3A_35 = tpu.memref_slice %arg7[%mul3A_2, %dma_wait3A_34] : memref<10000x144xf32, #tpu.memory_space<hbm>> -> memref<624x144xf32, #tpu.memory_space<hbm>>
      tpu.wait_dma2 semaphore(%run_scoped3A : memref<!tpu.dma_semaphore, #tpu.memory_space<semaphore_mem>>) src(%dma_wait3A_35 : memref<624x144xf32, #tpu.memory_space<hbm>>) dst(%dma_wait3A_33 : memref<624x144xf32, #tpu.memory_space<vmem_shared>>)
      tpu.yield
    }) : () -> ()
    %eq3A = arith.constant 0 : i32
    %eq3A_3 = arith.cmpi eq, %arg1, %eq3A : i32
    %convert_element_type3A = arith.extui %eq3A_3 : i1 to i32
    %cond3A = arith.constant 0 : i32
    %cond3A_4 = arith.cmpi ne, %convert_element_type3A, %cond3A : i32
    scf.if %cond3A_4 {
      "tpu.region"() ({
        %run_scoped3A = tpu.sem_alloc : memref<!tpu.dma_semaphore, #tpu.memory_space<semaphore_mem>>
        %dma_start3A = arith.constant 9984 : i32
        %dma_start3A_30 = arith.constant 0 : i32
        %dma_start3A_31 = tpu.memref_slice %arg9[%dma_start3A, %dma_start3A_30] : memref<10000x144xf32, #tpu.memory_space<vmem_shared>> -> memref<16x144xf32, #tpu.memory_space<vmem_shared>>
        %dma_start3A_32 = arith.constant 9984 : i32
        %dma_start3A_33 = arith.constant 0 : i32
        %dma_start3A_34 = tpu.memref_slice %arg7[%dma_start3A_32, %dma_start3A_33] : memref<10000x144xf32, #tpu.memory_space<hbm>> -> memref<16x144xf32, #tpu.memory_space<hbm>>
        tpu.enqueue_dma source(%dma_start3A_34 : memref<16x144xf32, #tpu.memory_space<hbm>>) target(%dma_start3A_31 : memref<16x144xf32, #tpu.memory_space<vmem_shared>>) target_semaphore(%run_scoped3A : memref<!tpu.dma_semaphore, #tpu.memory_space<semaphore_mem>>)
        %dma_wait3A = arith.constant 9984 : i32
        %dma_wait3A_35 = arith.constant 0 : i32
        %dma_wait3A_36 = tpu.memref_slice %arg9[%dma_wait3A, %dma_wait3A_35] : memref<10000x144xf32, #tpu.memory_space<vmem_shared>> -> memref<16x144xf32, #tpu.memory_space<vmem_shared>>
        %dma_wait3A_37 = arith.constant 9984 : i32
        %dma_wait3A_38 = arith.constant 0 : i32
        %dma_wait3A_39 = tpu.memref_slice %arg7[%dma_wait3A_37, %dma_wait3A_38] : memref<10000x144xf32, #tpu.memory_space<hbm>> -> memref<16x144xf32, #tpu.memory_space<hbm>>
        tpu.wait_dma2 semaphore(%run_scoped3A : memref<!tpu.dma_semaphore, #tpu.memory_space<semaphore_mem>>) src(%dma_wait3A_39 : memref<16x144xf32, #tpu.memory_space<hbm>>) dst(%dma_wait3A_36 : memref<16x144xf32, #tpu.memory_space<vmem_shared>>)
        tpu.yield
      }) : () -> ()
    } else {
    }
    "tpu.region"() ({
      %run_scoped3A = tpu.sem_alloc : memref<!tpu.dma_semaphore, #tpu.memory_space<semaphore_mem>>
      tpu.enqueue_dma source(%arg6 : memref<128xf32, #tpu.memory_space<hbm>>) target(%arg17 : memref<128xf32, #tpu.memory_space<vmem>>) target_semaphore(%run_scoped3A : memref<!tpu.dma_semaphore, #tpu.memory_space<semaphore_mem>>)
      tpu.wait_dma2 semaphore(%run_scoped3A : memref<!tpu.dma_semaphore, #tpu.memory_space<semaphore_mem>>) src(%arg6 : memref<128xf32, #tpu.memory_space<hbm>>) dst(%arg17 : memref<128xf32, #tpu.memory_space<vmem>>)
      tpu.yield
    }) : () -> ()
    %barrier3A = arith.constant 0 : index
    tpu.barrier barrier_id(%barrier3A)
    %get3A = arith.constant 0 : index
    %get3A_5 = tpu.vector_load %arg17[%get3A] {strides = array<i32>} : memref<128xf32, #tpu.memory_space<vmem>>, vector<16xf32>,
    %get3A_6 = arith.constant 16 : index
    %get3A_7 = tpu.vector_load %arg17[%get3A_6] {strides = array<i32>} : memref<128xf32, #tpu.memory_space<vmem>>, vector<16xf32>,
    %get3A_8 = arith.constant 32 : index
    %get3A_9 = tpu.vector_load %arg17[%get3A_8] {strides = array<i32>} : memref<128xf32, #tpu.memory_space<vmem>>, vector<16xf32>,
    %get3A_10 = arith.constant 48 : index
    %get3A_11 = tpu.vector_load %arg17[%get3A_10] {strides = array<i32>} : memref<128xf32, #tpu.memory_space<vmem>>, vector<16xf32>,
    %get3A_12 = arith.constant 64 : index
    %get3A_13 = tpu.vector_load %arg17[%get3A_12] {strides = array<i32>} : memref<128xf32, #tpu.memory_space<vmem>>, vector<16xf32>,
    %get3A_14 = arith.constant 80 : index
    %get3A_15 = tpu.vector_load %arg17[%get3A_14] {strides = array<i32>} : memref<128xf32, #tpu.memory_space<vmem>>, vector<16xf32>,
    %get3A_16 = arith.constant 96 : index
    %get3A_17 = tpu.vector_load %arg17[%get3A_16] {strides = array<i32>} : memref<128xf32, #tpu.memory_space<vmem>>, vector<16xf32>,
    %get3A_18 = arith.constant 112 : index
    %get3A_19 = tpu.vector_load %arg17[%get3A_18] {strides = array<i32>} : memref<128xf32, #tpu.memory_space<vmem>>, vector<16xf32>,
    %scan3A = arith.constant 0 : i32
    %scan3A_20 = arith.constant 5 : i32
    %scan3A_21 = arith.addi %scan3A, %scan3A_20 : i32
    %scan3A_22 = arith.constant 1 : i32
    scf.for %scan3A_30 = %scan3A to %scan3A_21 step %scan3A_22  : i32 {
      %mul3A_31 = arith.constant 1 : i32
      %mul3A_32 = arith.muli %scan3A_30, %mul3A_31 : i32
      %add3A_33 = arith.constant 0 : i32
      %add3A_34 = arith.addi %add3A_33, %mul3A_32 : i32
      %mul3A_35 = arith.constant 250 : i32
      %mul3A_36 = arith.muli %add3A, %mul3A_35 : i32
      %mul3A_37 = arith.constant 50 : i32
      %mul3A_38 = arith.muli %add3A_34, %mul3A_37 : i32
      %add3A_39 = arith.addi %mul3A_36, %mul3A_38 : i32
      "tpu.region"() ({
        %run_scoped3A = tpu.sem_alloc : memref<!tpu.dma_semaphore, #tpu.memory_space<semaphore_mem>>
        %dma_start3A_53 = arith.constant 0 : i32
        %dma_start3A_54 = tpu.memref_slice %arg4[%add3A_39, %dma_start3A_53] : memref<8000x40xi32, #tpu.memory_space<hbm>> -> memref<50x40xi32, #tpu.memory_space<hbm>>
        %dma_start3A_55 = arith.constant 0 : i32
        %dma_start3A_56 = tpu.memref_slice %arg4[%add3A_39, %dma_start3A_55] : memref<8000x40xi32, #tpu.memory_space<hbm>> -> memref<50x40xi32, #tpu.memory_space<hbm>>
        tpu.enqueue_dma source(%dma_start3A_56 : memref<50x40xi32, #tpu.memory_space<hbm>>) target(%arg14 : memref<50x40xi32, #tpu.memory_space<vmem>>) target_semaphore(%run_scoped3A : memref<!tpu.dma_semaphore, #tpu.memory_space<semaphore_mem>>)
        %dma_wait3A = arith.constant 0 : i32
        %dma_wait3A_57 = tpu.memref_slice %arg4[%add3A_39, %dma_wait3A] : memref<8000x40xi32, #tpu.memory_space<hbm>> -> memref<50x40xi32, #tpu.memory_space<hbm>>
        %dma_wait3A_58 = arith.constant 0 : i32
        %dma_wait3A_59 = tpu.memref_slice %arg4[%add3A_39, %dma_wait3A_58] : memref<8000x40xi32, #tpu.memory_space<hbm>> -> memref<50x40xi32, #tpu.memory_space<hbm>>
        tpu.wait_dma2 semaphore(%run_scoped3A : memref<!tpu.dma_semaphore, #tpu.memory_space<semaphore_mem>>) src(%dma_wait3A_59 : memref<50x40xi32, #tpu.memory_space<hbm>>) dst(%arg14 : memref<50x40xi32, #tpu.memory_space<vmem>>)
        tpu.yield
      }) : () -> ()
      "tpu.region"() ({
        %run_scoped3A = tpu.sem_alloc : memref<!tpu.dma_semaphore, #tpu.memory_space<semaphore_mem>>
        %dma_start3A_53 = arith.constant 0 : i32
        %dma_start3A_54 = tpu.memref_slice %arg5[%add3A_39, %dma_start3A_53] : memref<8000x40xi32, #tpu.memory_space<hbm>> -> memref<50x40xi32, #tpu.memory_space<hbm>>
        %dma_start3A_55 = arith.constant 0 : i32
        %dma_start3A_56 = tpu.memref_slice %arg5[%add3A_39, %dma_start3A_55] : memref<8000x40xi32, #tpu.memory_space<hbm>> -> memref<50x40xi32, #tpu.memory_space<hbm>>
        tpu.enqueue_dma source(%dma_start3A_56 : memref<50x40xi32, #tpu.memory_space<hbm>>) target(%arg15 : memref<50x40xi32, #tpu.memory_space<vmem>>) target_semaphore(%run_scoped3A : memref<!tpu.dma_semaphore, #tpu.memory_space<semaphore_mem>>)
        %dma_wait3A = arith.constant 0 : i32
        %dma_wait3A_57 = tpu.memref_slice %arg5[%add3A_39, %dma_wait3A] : memref<8000x40xi32, #tpu.memory_space<hbm>> -> memref<50x40xi32, #tpu.memory_space<hbm>>
        %dma_wait3A_58 = arith.constant 0 : i32
        %dma_wait3A_59 = tpu.memref_slice %arg5[%add3A_39, %dma_wait3A_58] : memref<8000x40xi32, #tpu.memory_space<hbm>> -> memref<50x40xi32, #tpu.memory_space<hbm>>
        tpu.wait_dma2 semaphore(%run_scoped3A : memref<!tpu.dma_semaphore, #tpu.memory_space<semaphore_mem>>) src(%dma_wait3A_59 : memref<50x40xi32, #tpu.memory_space<hbm>>) dst(%arg15 : memref<50x40xi32, #tpu.memory_space<vmem>>)
        tpu.yield
      }) : () -> ()
      %mul3A_40 = arith.constant 40 : i32
      %mul3A_41 = arith.muli %add3A_39, %mul3A_40 : i32
      %dma_start3A = arith.constant 0 : i32
      %dma_start3A_42 = arith.constant 0 : i32
      %dma_start3A_43 = tpu.memref_slice %arg14[%dma_start3A, %dma_start3A_42] : memref<50x40xi32, #tpu.memory_space<vmem>> -> memref<1x40xi32, #tpu.memory_space<vmem>>
      %dma_start3A_44 = tpu.memref_squeeze %dma_start3A_43 : memref<1x40xi32, #tpu.memory_space<vmem>> -> memref<40xi32, #tpu.memory_space<vmem>>
      %dma_start3A_45 = arith.constant 0 : i32
      %dma_start3A_46 = arith.constant 0 : i32
      %dma_start3A_47 = tpu.memref_slice %arg2[%dma_start3A_45, %dma_start3A_46] : memref<10000x128xf32, #tpu.memory_space<hbm>> -> memref<10000x128xf32, #tpu.memory_space<hbm>>
      tpu.enqueue_indirect_dma source(%dma_start3A_47 : memref<10000x128xf32, #tpu.memory_space<hbm>>) target(%arg10 : memref<40x128xf32, #tpu.memory_space<vmem>>) offsets(%dma_start3A_44 : memref<40xi32, #tpu.memory_space<vmem>>) semaphore(%arg18 : memref<!tpu.dma_semaphore, #tpu.memory_space<semaphore_mem>>)
      %scan3A_48 = arith.constant 0 : i32
      %scan3A_49 = arith.constant 25 : i32
      %scan3A_50 = arith.addi %scan3A_48, %scan3A_49 : i32
      %scan3A_51 = arith.constant 1 : i32
      scf.for %scan3A_53 = %scan3A_48 to %scan3A_50 step %scan3A_51  : i32 {
        %mul3A_54 = arith.constant 1 : i32
        %mul3A_55 = arith.muli %scan3A_53, %mul3A_54 : i32
        %add3A_56 = arith.constant 0 : i32
        %add3A_57 = arith.addi %add3A_56, %mul3A_55 : i32
        %mul3A_58 = arith.constant 2 : i32
        %mul3A_59 = arith.muli %mul3A_58, %add3A_57 : i32
        %add3A_60 = arith.constant 1 : i32
        %add3A_61 = arith.addi %mul3A_59, %add3A_60 : i32
        %dma_start3A_62 = arith.constant 0 : i32
        %dma_start3A_63 = tpu.memref_slice %arg14[%add3A_61, %dma_start3A_62] : memref<50x40xi32, #tpu.memory_space<vmem>> -> memref<1x40xi32, #tpu.memory_space<vmem>>
        %dma_start3A_64 = tpu.memref_squeeze %dma_start3A_63 : memref<1x40xi32, #tpu.memory_space<vmem>> -> memref<40xi32, #tpu.memory_space<vmem>>
        %dma_start3A_65 = arith.constant 0 : i32
        %dma_start3A_66 = arith.constant 0 : i32
        %dma_start3A_67 = tpu.memref_slice %arg2[%dma_start3A_65, %dma_start3A_66] : memref<10000x128xf32, #tpu.memory_space<hbm>> -> memref<10000x128xf32, #tpu.memory_space<hbm>>
        tpu.enqueue_indirect_dma source(%dma_start3A_67 : memref<10000x128xf32, #tpu.memory_space<hbm>>) target(%arg12 : memref<40x128xf32, #tpu.memory_space<vmem>>) offsets(%dma_start3A_64 : memref<40xi32, #tpu.memory_space<vmem>>) semaphore(%arg19 : memref<!tpu.dma_semaphore, #tpu.memory_space<semaphore_mem>>)
        %dma_wait3A = arith.constant 0 : i32
        %dma_wait3A_68 = tpu.memref_slice %arg14[%mul3A_59, %dma_wait3A] : memref<50x40xi32, #tpu.memory_space<vmem>> -> memref<1x40xi32, #tpu.memory_space<vmem>>
        %dma_wait3A_69 = tpu.memref_squeeze %dma_wait3A_68 : memref<1x40xi32, #tpu.memory_space<vmem>> -> memref<40xi32, #tpu.memory_space<vmem>>
        %dma_wait3A_70 = arith.constant 0 : i32
        %dma_wait3A_71 = arith.constant 0 : i32
        %dma_wait3A_72 = tpu.memref_slice %arg2[%dma_wait3A_70, %dma_wait3A_71] : memref<10000x128xf32, #tpu.memory_space<hbm>> -> memref<10000x128xf32, #tpu.memory_space<hbm>>
        tpu.wait_indirect_dma semaphore(%arg18 : memref<!tpu.dma_semaphore, #tpu.memory_space<semaphore_mem>>) src(%dma_wait3A_72 : memref<10000x128xf32, #tpu.memory_space<hbm>>) dst(%arg10 : memref<40x128xf32, #tpu.memory_space<vmem>>)
        %scan3A_73 = arith.constant 0 : i32
        %scan3A_74 = arith.constant 20 : i32
        %scan3A_75 = arith.addi %scan3A_73, %scan3A_74 : i32
        %scan3A_76 = arith.constant 1 : i32
        scf.for %scan3A_99 = %scan3A_73 to %scan3A_75 step %scan3A_76  : i32 {
          %mul3A_100 = arith.constant 2 : i32
          %mul3A_101 = arith.muli %scan3A_99, %mul3A_100 : i32
          %add3A_102 = arith.constant 0 : i32
          %add3A_103 = arith.addi %add3A_102, %mul3A_101 : i32
          %broadcast_in_dim3A = arith.constant 0.000000e+00 : f32
          %broadcast_in_dim3A_104 = vector.broadcast %broadcast_in_dim3A : f32 to vector<16xf32>
          %get3A_105 = arith.index_cast %add3A_103 : i32 to index
          %get3A_106 = arith.constant 0 : index
          %get3A_107 = tpu.vector_load %arg10[%get3A_105, %get3A_106] {strides = array<i32>} : memref<40x128xf32, #tpu.memory_space<vmem>>, vector<16xf32>,
          %get3A_108 = arith.index_cast %add3A_103 : i32 to index
          %get3A_109 = arith.constant 0 : index
          %get3A_110 = tpu.vector_load %arg10[%get3A_108, %get3A_109] {strides = array<i32>} : memref<40x128xf32, #tpu.memory_space<vmem>>, vector<16xf32>,
          %add3A_111 = arith.addf %get3A_107, %get3A_110 : vector<16xf32>
          %mul3A_112 = arith.constant 2.000000e-01 : f32
          %mul3A_113 = vector.broadcast %mul3A_112 : f32 to vector<16xf32>
          %mul3A_114 = arith.mulf %mul3A_113, %add3A_111 : vector<16xf32>
          %max3A = arith.maximumf %add3A_111, %mul3A_114 : vector<16xf32>
          %mul3A_115 = arith.mulf %get3A_5, %max3A : vector<16xf32>
          %add3A_116 = arith.addf %broadcast_in_dim3A_104, %mul3A_115 : vector<16xf32>
          %get3A_117 = arith.index_cast %add3A_103 : i32 to index
          %get3A_118 = arith.constant 16 : index
          %get3A_119 = tpu.vector_load %arg10[%get3A_117, %get3A_118] {strides = array<i32>} : memref<40x128xf32, #tpu.memory_space<vmem>>, vector<16xf32>,
          %get3A_120 = arith.index_cast %add3A_103 : i32 to index
          %get3A_121 = arith.constant 16 : index
          %get3A_122 = tpu.vector_load %arg10[%get3A_120, %get3A_121] {strides = array<i32>} : memref<40x128xf32, #tpu.memory_space<vmem>>, vector<16xf32>,
          %add3A_123 = arith.addf %get3A_119, %get3A_122 : vector<16xf32>
          %mul3A_124 = arith.constant 2.000000e-01 : f32
          %mul3A_125 = vector.broadcast %mul3A_124 : f32 to vector<16xf32>
          %mul3A_126 = arith.mulf %mul3A_125, %add3A_123 : vector<16xf32>
          %max3A_127 = arith.maximumf %add3A_123, %mul3A_126 : vector<16xf32>
          %mul3A_128 = arith.mulf %get3A_7, %max3A_127 : vector<16xf32>
          %add3A_129 = arith.addf %add3A_116, %mul3A_128 : vector<16xf32>
          %get3A_130 = arith.index_cast %add3A_103 : i32 to index
          %get3A_131 = arith.constant 32 : index
          %get3A_132 = tpu.vector_load %arg10[%get3A_130, %get3A_131] {strides = array<i32>} : memref<40x128xf32, #tpu.memory_space<vmem>>, vector<16xf32>,
          %get3A_133 = arith.index_cast %add3A_103 : i32 to index
          %get3A_134 = arith.constant 32 : index
          %get3A_135 = tpu.vector_load %arg10[%get3A_133, %get3A_134] {strides = array<i32>} : memref<40x128xf32, #tpu.memory_space<vmem>>, vector<16xf32>,
          %add3A_136 = arith.addf %get3A_132, %get3A_135 : vector<16xf32>
          %mul3A_137 = arith.constant 2.000000e-01 : f32
          %mul3A_138 = vector.broadcast %mul3A_137 : f32 to vector<16xf32>
          %mul3A_139 = arith.mulf %mul3A_138, %add3A_136 : vector<16xf32>
          %max3A_140 = arith.maximumf %add3A_136, %mul3A_139 : vector<16xf32>
          %mul3A_141 = arith.mulf %get3A_9, %max3A_140 : vector<16xf32>
          %add3A_142 = arith.addf %add3A_129, %mul3A_141 : vector<16xf32>
          %get3A_143 = arith.index_cast %add3A_103 : i32 to index
          %get3A_144 = arith.constant 48 : index
          %get3A_145 = tpu.vector_load %arg10[%get3A_143, %get3A_144] {strides = array<i32>} : memref<40x128xf32, #tpu.memory_space<vmem>>, vector<16xf32>,
          %get3A_146 = arith.index_cast %add3A_103 : i32 to index
          %get3A_147 = arith.constant 48 : index
          %get3A_148 = tpu.vector_load %arg10[%get3A_146, %get3A_147] {strides = array<i32>} : memref<40x128xf32, #tpu.memory_space<vmem>>, vector<16xf32>,
          %add3A_149 = arith.addf %get3A_145, %get3A_148 : vector<16xf32>
          %mul3A_150 = arith.constant 2.000000e-01 : f32
          %mul3A_151 = vector.broadcast %mul3A_150 : f32 to vector<16xf32>
          %mul3A_152 = arith.mulf %mul3A_151, %add3A_149 : vector<16xf32>
          %max3A_153 = arith.maximumf %add3A_149, %mul3A_152 : vector<16xf32>
          %mul3A_154 = arith.mulf %get3A_11, %max3A_153 : vector<16xf32>
          %add3A_155 = arith.addf %add3A_142, %mul3A_154 : vector<16xf32>
          %get3A_156 = arith.index_cast %add3A_103 : i32 to index
          %get3A_157 = arith.constant 64 : index
          %get3A_158 = tpu.vector_load %arg10[%get3A_156, %get3A_157] {strides = array<i32>} : memref<40x128xf32, #tpu.memory_space<vmem>>, vector<16xf32>,
          %get3A_159 = arith.index_cast %add3A_103 : i32 to index
          %get3A_160 = arith.constant 64 : index
          %get3A_161 = tpu.vector_load %arg10[%get3A_159, %get3A_160] {strides = array<i32>} : memref<40x128xf32, #tpu.memory_space<vmem>>, vector<16xf32>,
          %add3A_162 = arith.addf %get3A_158, %get3A_161 : vector<16xf32>
          %mul3A_163 = arith.constant 2.000000e-01 : f32
          %mul3A_164 = vector.broadcast %mul3A_163 : f32 to vector<16xf32>
          %mul3A_165 = arith.mulf %mul3A_164, %add3A_162 : vector<16xf32>
          %max3A_166 = arith.maximumf %add3A_162, %mul3A_165 : vector<16xf32>
          %mul3A_167 = arith.mulf %get3A_13, %max3A_166 : vector<16xf32>
          %add3A_168 = arith.addf %add3A_155, %mul3A_167 : vector<16xf32>
          %get3A_169 = arith.index_cast %add3A_103 : i32 to index
          %get3A_170 = arith.constant 80 : index
          %get3A_171 = tpu.vector_load %arg10[%get3A_169, %get3A_170] {strides = array<i32>} : memref<40x128xf32, #tpu.memory_space<vmem>>, vector<16xf32>,
          %get3A_172 = arith.index_cast %add3A_103 : i32 to index
          %get3A_173 = arith.constant 80 : index
          %get3A_174 = tpu.vector_load %arg10[%get3A_172, %get3A_173] {strides = array<i32>} : memref<40x128xf32, #tpu.memory_space<vmem>>, vector<16xf32>,
          %add3A_175 = arith.addf %get3A_171, %get3A_174 : vector<16xf32>
          %mul3A_176 = arith.constant 2.000000e-01 : f32
          %mul3A_177 = vector.broadcast %mul3A_176 : f32 to vector<16xf32>
          %mul3A_178 = arith.mulf %mul3A_177, %add3A_175 : vector<16xf32>
          %max3A_179 = arith.maximumf %add3A_175, %mul3A_178 : vector<16xf32>
          %mul3A_180 = arith.mulf %get3A_15, %max3A_179 : vector<16xf32>
          %add3A_181 = arith.addf %add3A_168, %mul3A_180 : vector<16xf32>
          %get3A_182 = arith.index_cast %add3A_103 : i32 to index
          %get3A_183 = arith.constant 96 : index
          %get3A_184 = tpu.vector_load %arg10[%get3A_182, %get3A_183] {strides = array<i32>} : memref<40x128xf32, #tpu.memory_space<vmem>>, vector<16xf32>,
          %get3A_185 = arith.index_cast %add3A_103 : i32 to index
          %get3A_186 = arith.constant 96 : index
          %get3A_187 = tpu.vector_load %arg10[%get3A_185, %get3A_186] {strides = array<i32>} : memref<40x128xf32, #tpu.memory_space<vmem>>, vector<16xf32>,
          %add3A_188 = arith.addf %get3A_184, %get3A_187 : vector<16xf32>
          %mul3A_189 = arith.constant 2.000000e-01 : f32
          %mul3A_190 = vector.broadcast %mul3A_189 : f32 to vector<16xf32>
          %mul3A_191 = arith.mulf %mul3A_190, %add3A_188 : vector<16xf32>
          %max3A_192 = arith.maximumf %add3A_188, %mul3A_191 : vector<16xf32>
          %mul3A_193 = arith.mulf %get3A_17, %max3A_192 : vector<16xf32>
          %add3A_194 = arith.addf %add3A_181, %mul3A_193 : vector<16xf32>
          %get3A_195 = arith.index_cast %add3A_103 : i32 to index
          %get3A_196 = arith.constant 112 : index
          %get3A_197 = tpu.vector_load %arg10[%get3A_195, %get3A_196] {strides = array<i32>} : memref<40x128xf32, #tpu.memory_space<vmem>>, vector<16xf32>,
          %get3A_198 = arith.index_cast %add3A_103 : i32 to index
          %get3A_199 = arith.constant 112 : index
          %get3A_200 = tpu.vector_load %arg10[%get3A_198, %get3A_199] {strides = array<i32>} : memref<40x128xf32, #tpu.memory_space<vmem>>, vector<16xf32>,
          %add3A_201 = arith.addf %get3A_197, %get3A_200 : vector<16xf32>
          %mul3A_202 = arith.constant 2.000000e-01 : f32
          %mul3A_203 = vector.broadcast %mul3A_202 : f32 to vector<16xf32>
          %mul3A_204 = arith.mulf %mul3A_203, %add3A_201 : vector<16xf32>
          %max3A_205 = arith.maximumf %add3A_201, %mul3A_204 : vector<16xf32>
          %mul3A_206 = arith.mulf %get3A_19, %max3A_205 : vector<16xf32>
          %add3A_207 = arith.addf %add3A_194, %mul3A_206 : vector<16xf32>
          %reduce_sum3A = arith.constant true
          %reduce_sum3A_208 = vector.broadcast %reduce_sum3A : i1 to vector<16xi1>
          %reduce_sum3A_209 = tpu.scan <sum>, %add3A_207 masked %reduce_sum3A_208 : vector<16xf32>, vector<16xi1> -> vector<16xf32>
          %reduce_sum3A_210 = vector.extract %reduce_sum3A_209[15] : f32 from vector<16xf32>
          %broadcast_in_dim3A_211 = vector.broadcast %reduce_sum3A_210 : f32 to vector<16xf32>
          %exp3A = math.exp %broadcast_in_dim3A_211 : vector<16xf32>
          %swap3A = arith.index_cast %add3A_103 : i32 to index
          %swap3A_212 = arith.constant 128 : index
          %swap3A_213 = tpu.vector_load %arg16[%swap3A, %swap3A_212] {strides = array<i32>} : memref<40x144xf32, #tpu.memory_space<vmem>>, vector<16xf32>,
          tpu.vector_store %arg16[%swap3A, %swap3A_212], %exp3A {strides = array<i32>} : memref<40x144xf32, #tpu.memory_space<vmem>>, vector<16xf32>,
          %mul3A_214 = arith.mulf %get3A_107, %exp3A : vector<16xf32>
          %swap3A_215 = arith.index_cast %add3A_103 : i32 to index
          %swap3A_216 = arith.constant 0 : index
          %swap3A_217 = tpu.vector_load %arg16[%swap3A_215, %swap3A_216] {strides = array<i32>} : memref<40x144xf32, #tpu.memory_space<vmem>>, vector<16xf32>,
          tpu.vector_store %arg16[%swap3A_215, %swap3A_216], %mul3A_214 {strides = array<i32>} : memref<40x144xf32, #tpu.memory_space<vmem>>, vector<16xf32>,
          %mul3A_218 = arith.mulf %get3A_119, %exp3A : vector<16xf32>
          %swap3A_219 = arith.index_cast %add3A_103 : i32 to index
          %swap3A_220 = arith.constant 16 : index
          %swap3A_221 = tpu.vector_load %arg16[%swap3A_219, %swap3A_220] {strides = array<i32>} : memref<40x144xf32, #tpu.memory_space<vmem>>, vector<16xf32>,
          tpu.vector_store %arg16[%swap3A_219, %swap3A_220], %mul3A_218 {strides = array<i32>} : memref<40x144xf32, #tpu.memory_space<vmem>>, vector<16xf32>,
          %mul3A_222 = arith.mulf %get3A_132, %exp3A : vector<16xf32>
          %swap3A_223 = arith.index_cast %add3A_103 : i32 to index
          %swap3A_224 = arith.constant 32 : index
          %swap3A_225 = tpu.vector_load %arg16[%swap3A_223, %swap3A_224] {strides = array<i32>} : memref<40x144xf32, #tpu.memory_space<vmem>>, vector<16xf32>,
          tpu.vector_store %arg16[%swap3A_223, %swap3A_224], %mul3A_222 {strides = array<i32>} : memref<40x144xf32, #tpu.memory_space<vmem>>, vector<16xf32>,
          %mul3A_226 = arith.mulf %get3A_145, %exp3A : vector<16xf32>
          %swap3A_227 = arith.index_cast %add3A_103 : i32 to index
          %swap3A_228 = arith.constant 48 : index
          %swap3A_229 = tpu.vector_load %arg16[%swap3A_227, %swap3A_228] {strides = array<i32>} : memref<40x144xf32, #tpu.memory_space<vmem>>, vector<16xf32>,
          tpu.vector_store %arg16[%swap3A_227, %swap3A_228], %mul3A_226 {strides = array<i32>} : memref<40x144xf32, #tpu.memory_space<vmem>>, vector<16xf32>,
          %mul3A_230 = arith.mulf %get3A_158, %exp3A : vector<16xf32>
          %swap3A_231 = arith.index_cast %add3A_103 : i32 to index
          %swap3A_232 = arith.constant 64 : index
          %swap3A_233 = tpu.vector_load %arg16[%swap3A_231, %swap3A_232] {strides = array<i32>} : memref<40x144xf32, #tpu.memory_space<vmem>>, vector<16xf32>,
          tpu.vector_store %arg16[%swap3A_231, %swap3A_232], %mul3A_230 {strides = array<i32>} : memref<40x144xf32, #tpu.memory_space<vmem>>, vector<16xf32>,
          %mul3A_234 = arith.mulf %get3A_171, %exp3A : vector<16xf32>
          %swap3A_235 = arith.index_cast %add3A_103 : i32 to index
          %swap3A_236 = arith.constant 80 : index
          %swap3A_237 = tpu.vector_load %arg16[%swap3A_235, %swap3A_236] {strides = array<i32>} : memref<40x144xf32, #tpu.memory_space<vmem>>, vector<16xf32>,
          tpu.vector_store %arg16[%swap3A_235, %swap3A_236], %mul3A_234 {strides = array<i32>} : memref<40x144xf32, #tpu.memory_space<vmem>>, vector<16xf32>,
          %mul3A_238 = arith.mulf %get3A_184, %exp3A : vector<16xf32>
          %swap3A_239 = arith.index_cast %add3A_103 : i32 to index
          %swap3A_240 = arith.constant 96 : index
          %swap3A_241 = tpu.vector_load %arg16[%swap3A_239, %swap3A_240] {strides = array<i32>} : memref<40x144xf32, #tpu.memory_space<vmem>>, vector<16xf32>,
          tpu.vector_store %arg16[%swap3A_239, %swap3A_240], %mul3A_238 {strides = array<i32>} : memref<40x144xf32, #tpu.memory_space<vmem>>, vector<16xf32>,
          %mul3A_242 = arith.mulf %get3A_197, %exp3A : vector<16xf32>
          %swap3A_243 = arith.index_cast %add3A_103 : i32 to index
          %swap3A_244 = arith.constant 112 : index
          %swap3A_245 = tpu.vector_load %arg16[%swap3A_243, %swap3A_244] {strides = array<i32>} : memref<40x144xf32, #tpu.memory_space<vmem>>, vector<16xf32>,
          tpu.vector_store %arg16[%swap3A_243, %swap3A_244], %mul3A_242 {strides = array<i32>} : memref<40x144xf32, #tpu.memory_space<vmem>>, vector<16xf32>,
          %add3A_246 = arith.constant 1 : i32
          %add3A_247 = arith.addi %add3A_103, %add3A_246 : i32
          %broadcast_in_dim3A_248 = arith.constant 0.000000e+00 : f32
          %broadcast_in_dim3A_249 = vector.broadcast %broadcast_in_dim3A_248 : f32 to vector<16xf32>
          %get3A_250 = arith.index_cast %add3A_247 : i32 to index
          %get3A_251 = arith.constant 0 : index
          %get3A_252 = tpu.vector_load %arg10[%get3A_250, %get3A_251] {strides = array<i32>} : memref<40x128xf32, #tpu.memory_space<vmem>>, vector<16xf32>,
          %get3A_253 = arith.index_cast %add3A_247 : i32 to index
          %get3A_254 = arith.constant 0 : index
          %get3A_255 = tpu.vector_load %arg10[%get3A_253, %get3A_254] {strides = array<i32>} : memref<40x128xf32, #tpu.memory_space<vmem>>, vector<16xf32>,
          %add3A_256 = arith.addf %get3A_252, %get3A_255 : vector<16xf32>
          %mul3A_257 = arith.constant 2.000000e-01 : f32
          %mul3A_258 = vector.broadcast %mul3A_257 : f32 to vector<16xf32>
          %mul3A_259 = arith.mulf %mul3A_258, %add3A_256 : vector<16xf32>
          %max3A_260 = arith.maximumf %add3A_256, %mul3A_259 : vector<16xf32>
          %mul3A_261 = arith.mulf %get3A_5, %max3A_260 : vector<16xf32>
          %add3A_262 = arith.addf %broadcast_in_dim3A_249, %mul3A_261 : vector<16xf32>
          %get3A_263 = arith.index_cast %add3A_247 : i32 to index
          %get3A_264 = arith.constant 16 : index
          %get3A_265 = tpu.vector_load %arg10[%get3A_263, %get3A_264] {strides = array<i32>} : memref<40x128xf32, #tpu.memory_space<vmem>>, vector<16xf32>,
          %get3A_266 = arith.index_cast %add3A_247 : i32 to index
          %get3A_267 = arith.constant 16 : index
          %get3A_268 = tpu.vector_load %arg10[%get3A_266, %get3A_267] {strides = array<i32>} : memref<40x128xf32, #tpu.memory_space<vmem>>, vector<16xf32>,
          %add3A_269 = arith.addf %get3A_265, %get3A_268 : vector<16xf32>
          %mul3A_270 = arith.constant 2.000000e-01 : f32
          %mul3A_271 = vector.broadcast %mul3A_270 : f32 to vector<16xf32>
          %mul3A_272 = arith.mulf %mul3A_271, %add3A_269 : vector<16xf32>
          %max3A_273 = arith.maximumf %add3A_269, %mul3A_272 : vector<16xf32>
          %mul3A_274 = arith.mulf %get3A_7, %max3A_273 : vector<16xf32>
          %add3A_275 = arith.addf %add3A_262, %mul3A_274 : vector<16xf32>
          %get3A_276 = arith.index_cast %add3A_247 : i32 to index
          %get3A_277 = arith.constant 32 : index
          %get3A_278 = tpu.vector_load %arg10[%get3A_276, %get3A_277] {strides = array<i32>} : memref<40x128xf32, #tpu.memory_space<vmem>>, vector<16xf32>,
          %get3A_279 = arith.index_cast %add3A_247 : i32 to index
          %get3A_280 = arith.constant 32 : index
          %get3A_281 = tpu.vector_load %arg10[%get3A_279, %get3A_280] {strides = array<i32>} : memref<40x128xf32, #tpu.memory_space<vmem>>, vector<16xf32>,
          %add3A_282 = arith.addf %get3A_278, %get3A_281 : vector<16xf32>
          %mul3A_283 = arith.constant 2.000000e-01 : f32
          %mul3A_284 = vector.broadcast %mul3A_283 : f32 to vector<16xf32>
          %mul3A_285 = arith.mulf %mul3A_284, %add3A_282 : vector<16xf32>
          %max3A_286 = arith.maximumf %add3A_282, %mul3A_285 : vector<16xf32>
          %mul3A_287 = arith.mulf %get3A_9, %max3A_286 : vector<16xf32>
          %add3A_288 = arith.addf %add3A_275, %mul3A_287 : vector<16xf32>
          %get3A_289 = arith.index_cast %add3A_247 : i32 to index
          %get3A_290 = arith.constant 48 : index
          %get3A_291 = tpu.vector_load %arg10[%get3A_289, %get3A_290] {strides = array<i32>} : memref<40x128xf32, #tpu.memory_space<vmem>>, vector<16xf32>,
          %get3A_292 = arith.index_cast %add3A_247 : i32 to index
          %get3A_293 = arith.constant 48 : index
          %get3A_294 = tpu.vector_load %arg10[%get3A_292, %get3A_293] {strides = array<i32>} : memref<40x128xf32, #tpu.memory_space<vmem>>, vector<16xf32>,
          %add3A_295 = arith.addf %get3A_291, %get3A_294 : vector<16xf32>
          %mul3A_296 = arith.constant 2.000000e-01 : f32
          %mul3A_297 = vector.broadcast %mul3A_296 : f32 to vector<16xf32>
          %mul3A_298 = arith.mulf %mul3A_297, %add3A_295 : vector<16xf32>
          %max3A_299 = arith.maximumf %add3A_295, %mul3A_298 : vector<16xf32>
          %mul3A_300 = arith.mulf %get3A_11, %max3A_299 : vector<16xf32>
          %add3A_301 = arith.addf %add3A_288, %mul3A_300 : vector<16xf32>
          %get3A_302 = arith.index_cast %add3A_247 : i32 to index
          %get3A_303 = arith.constant 64 : index
          %get3A_304 = tpu.vector_load %arg10[%get3A_302, %get3A_303] {strides = array<i32>} : memref<40x128xf32, #tpu.memory_space<vmem>>, vector<16xf32>,
          %get3A_305 = arith.index_cast %add3A_247 : i32 to index
          %get3A_306 = arith.constant 64 : index
          %get3A_307 = tpu.vector_load %arg10[%get3A_305, %get3A_306] {strides = array<i32>} : memref<40x128xf32, #tpu.memory_space<vmem>>, vector<16xf32>,
          %add3A_308 = arith.addf %get3A_304, %get3A_307 : vector<16xf32>
          %mul3A_309 = arith.constant 2.000000e-01 : f32
          %mul3A_310 = vector.broadcast %mul3A_309 : f32 to vector<16xf32>
          %mul3A_311 = arith.mulf %mul3A_310, %add3A_308 : vector<16xf32>
          %max3A_312 = arith.maximumf %add3A_308, %mul3A_311 : vector<16xf32>
          %mul3A_313 = arith.mulf %get3A_13, %max3A_312 : vector<16xf32>
          %add3A_314 = arith.addf %add3A_301, %mul3A_313 : vector<16xf32>
          %get3A_315 = arith.index_cast %add3A_247 : i32 to index
          %get3A_316 = arith.constant 80 : index
          %get3A_317 = tpu.vector_load %arg10[%get3A_315, %get3A_316] {strides = array<i32>} : memref<40x128xf32, #tpu.memory_space<vmem>>, vector<16xf32>,
          %get3A_318 = arith.index_cast %add3A_247 : i32 to index
          %get3A_319 = arith.constant 80 : index
          %get3A_320 = tpu.vector_load %arg10[%get3A_318, %get3A_319] {strides = array<i32>} : memref<40x128xf32, #tpu.memory_space<vmem>>, vector<16xf32>,
          %add3A_321 = arith.addf %get3A_317, %get3A_320 : vector<16xf32>
          %mul3A_322 = arith.constant 2.000000e-01 : f32
          %mul3A_323 = vector.broadcast %mul3A_322 : f32 to vector<16xf32>
          %mul3A_324 = arith.mulf %mul3A_323, %add3A_321 : vector<16xf32>
          %max3A_325 = arith.maximumf %add3A_321, %mul3A_324 : vector<16xf32>
          %mul3A_326 = arith.mulf %get3A_15, %max3A_325 : vector<16xf32>
          %add3A_327 = arith.addf %add3A_314, %mul3A_326 : vector<16xf32>
          %get3A_328 = arith.index_cast %add3A_247 : i32 to index
          %get3A_329 = arith.constant 96 : index
          %get3A_330 = tpu.vector_load %arg10[%get3A_328, %get3A_329] {strides = array<i32>} : memref<40x128xf32, #tpu.memory_space<vmem>>, vector<16xf32>,
          %get3A_331 = arith.index_cast %add3A_247 : i32 to index
          %get3A_332 = arith.constant 96 : index
          %get3A_333 = tpu.vector_load %arg10[%get3A_331, %get3A_332] {strides = array<i32>} : memref<40x128xf32, #tpu.memory_space<vmem>>, vector<16xf32>,
          %add3A_334 = arith.addf %get3A_330, %get3A_333 : vector<16xf32>
          %mul3A_335 = arith.constant 2.000000e-01 : f32
          %mul3A_336 = vector.broadcast %mul3A_335 : f32 to vector<16xf32>
          %mul3A_337 = arith.mulf %mul3A_336, %add3A_334 : vector<16xf32>
          %max3A_338 = arith.maximumf %add3A_334, %mul3A_337 : vector<16xf32>
          %mul3A_339 = arith.mulf %get3A_17, %max3A_338 : vector<16xf32>
          %add3A_340 = arith.addf %add3A_327, %mul3A_339 : vector<16xf32>
          %get3A_341 = arith.index_cast %add3A_247 : i32 to index
          %get3A_342 = arith.constant 112 : index
          %get3A_343 = tpu.vector_load %arg10[%get3A_341, %get3A_342] {strides = array<i32>} : memref<40x128xf32, #tpu.memory_space<vmem>>, vector<16xf32>,
          %get3A_344 = arith.index_cast %add3A_247 : i32 to index
          %get3A_345 = arith.constant 112 : index
          %get3A_346 = tpu.vector_load %arg10[%get3A_344, %get3A_345] {strides = array<i32>} : memref<40x128xf32, #tpu.memory_space<vmem>>, vector<16xf32>,
          %add3A_347 = arith.addf %get3A_343, %get3A_346 : vector<16xf32>
          %mul3A_348 = arith.constant 2.000000e-01 : f32
          %mul3A_349 = vector.broadcast %mul3A_348 : f32 to vector<16xf32>
          %mul3A_350 = arith.mulf %mul3A_349, %add3A_347 : vector<16xf32>
          %max3A_351 = arith.maximumf %add3A_347, %mul3A_350 : vector<16xf32>
          %mul3A_352 = arith.mulf %get3A_19, %max3A_351 : vector<16xf32>
          %add3A_353 = arith.addf %add3A_340, %mul3A_352 : vector<16xf32>
          %reduce_sum3A_354 = arith.constant true
          %reduce_sum3A_355 = vector.broadcast %reduce_sum3A_354 : i1 to vector<16xi1>
          %reduce_sum3A_356 = tpu.scan <sum>, %add3A_353 masked %reduce_sum3A_355 : vector<16xf32>, vector<16xi1> -> vector<16xf32>
          %reduce_sum3A_357 = vector.extract %reduce_sum3A_356[15] : f32 from vector<16xf32>
          %broadcast_in_dim3A_358 = vector.broadcast %reduce_sum3A_357 : f32 to vector<16xf32>
          %exp3A_359 = math.exp %broadcast_in_dim3A_358 : vector<16xf32>
          %swap3A_360 = arith.index_cast %add3A_247 : i32 to index
          %swap3A_361 = arith.constant 128 : index
          %swap3A_362 = tpu.vector_load %arg16[%swap3A_360, %swap3A_361] {strides = array<i32>} : memref<40x144xf32, #tpu.memory_space<vmem>>, vector<16xf32>,
          tpu.vector_store %arg16[%swap3A_360, %swap3A_361], %exp3A_359 {strides = array<i32>} : memref<40x144xf32, #tpu.memory_space<vmem>>, vector<16xf32>,
          %mul3A_363 = arith.mulf %get3A_252, %exp3A_359 : vector<16xf32>
          %swap3A_364 = arith.index_cast %add3A_247 : i32 to index
          %swap3A_365 = arith.constant 0 : index
          %swap3A_366 = tpu.vector_load %arg16[%swap3A_364, %swap3A_365] {strides = array<i32>} : memref<40x144xf32, #tpu.memory_space<vmem>>, vector<16xf32>,
          tpu.vector_store %arg16[%swap3A_364, %swap3A_365], %mul3A_363 {strides = array<i32>} : memref<40x144xf32, #tpu.memory_space<vmem>>, vector<16xf32>,
          %mul3A_367 = arith.mulf %get3A_265, %exp3A_359 : vector<16xf32>
          %swap3A_368 = arith.index_cast %add3A_247 : i32 to index
          %swap3A_369 = arith.constant 16 : index
          %swap3A_370 = tpu.vector_load %arg16[%swap3A_368, %swap3A_369] {strides = array<i32>} : memref<40x144xf32, #tpu.memory_space<vmem>>, vector<16xf32>,
          tpu.vector_store %arg16[%swap3A_368, %swap3A_369], %mul3A_367 {strides = array<i32>} : memref<40x144xf32, #tpu.memory_space<vmem>>, vector<16xf32>,
          %mul3A_371 = arith.mulf %get3A_278, %exp3A_359 : vector<16xf32>
          %swap3A_372 = arith.index_cast %add3A_247 : i32 to index
          %swap3A_373 = arith.constant 32 : index
          %swap3A_374 = tpu.vector_load %arg16[%swap3A_372, %swap3A_373] {strides = array<i32>} : memref<40x144xf32, #tpu.memory_space<vmem>>, vector<16xf32>,
          tpu.vector_store %arg16[%swap3A_372, %swap3A_373], %mul3A_371 {strides = array<i32>} : memref<40x144xf32, #tpu.memory_space<vmem>>, vector<16xf32>,
          %mul3A_375 = arith.mulf %get3A_291, %exp3A_359 : vector<16xf32>
          %swap3A_376 = arith.index_cast %add3A_247 : i32 to index
          %swap3A_377 = arith.constant 48 : index
          %swap3A_378 = tpu.vector_load %arg16[%swap3A_376, %swap3A_377] {strides = array<i32>} : memref<40x144xf32, #tpu.memory_space<vmem>>, vector<16xf32>,
          tpu.vector_store %arg16[%swap3A_376, %swap3A_377], %mul3A_375 {strides = array<i32>} : memref<40x144xf32, #tpu.memory_space<vmem>>, vector<16xf32>,
          %mul3A_379 = arith.mulf %get3A_304, %exp3A_359 : vector<16xf32>
          %swap3A_380 = arith.index_cast %add3A_247 : i32 to index
          %swap3A_381 = arith.constant 64 : index
          %swap3A_382 = tpu.vector_load %arg16[%swap3A_380, %swap3A_381] {strides = array<i32>} : memref<40x144xf32, #tpu.memory_space<vmem>>, vector<16xf32>,
          tpu.vector_store %arg16[%swap3A_380, %swap3A_381], %mul3A_379 {strides = array<i32>} : memref<40x144xf32, #tpu.memory_space<vmem>>, vector<16xf32>,
          %mul3A_383 = arith.mulf %get3A_317, %exp3A_359 : vector<16xf32>
          %swap3A_384 = arith.index_cast %add3A_247 : i32 to index
          %swap3A_385 = arith.constant 80 : index
          %swap3A_386 = tpu.vector_load %arg16[%swap3A_384, %swap3A_385] {strides = array<i32>} : memref<40x144xf32, #tpu.memory_space<vmem>>, vector<16xf32>,
          tpu.vector_store %arg16[%swap3A_384, %swap3A_385], %mul3A_383 {strides = array<i32>} : memref<40x144xf32, #tpu.memory_space<vmem>>, vector<16xf32>,
          %mul3A_387 = arith.mulf %get3A_330, %exp3A_359 : vector<16xf32>
          %swap3A_388 = arith.index_cast %add3A_247 : i32 to index
          %swap3A_389 = arith.constant 96 : index
          %swap3A_390 = tpu.vector_load %arg16[%swap3A_388, %swap3A_389] {strides = array<i32>} : memref<40x144xf32, #tpu.memory_space<vmem>>, vector<16xf32>,
          tpu.vector_store %arg16[%swap3A_388, %swap3A_389], %mul3A_387 {strides = array<i32>} : memref<40x144xf32, #tpu.memory_space<vmem>>, vector<16xf32>,
          %mul3A_391 = arith.mulf %get3A_343, %exp3A_359 : vector<16xf32>
          %swap3A_392 = arith.index_cast %add3A_247 : i32 to index
          %swap3A_393 = arith.constant 112 : index
          %swap3A_394 = tpu.vector_load %arg16[%swap3A_392, %swap3A_393] {strides = array<i32>} : memref<40x144xf32, #tpu.memory_space<vmem>>, vector<16xf32>,
          tpu.vector_store %arg16[%swap3A_392, %swap3A_393], %mul3A_391 {strides = array<i32>} : memref<40x144xf32, #tpu.memory_space<vmem>>, vector<16xf32>,
        }
        %scan3A_77 = arith.constant 20 : i32
        "tpu.region"() ({
          %run_scoped3A = tpu.sem_alloc : memref<!tpu.dma_semaphore, #tpu.memory_space<semaphore_mem>>
          %dma_start3A_99 = arith.constant 0 : i32
          %dma_start3A_100 = tpu.memref_slice %arg15[%mul3A_59, %dma_start3A_99] : memref<50x40xi32, #tpu.memory_space<vmem>> -> memref<1x40xi32, #tpu.memory_space<vmem>>
          %dma_start3A_101 = tpu.memref_squeeze %dma_start3A_100 : memref<1x40xi32, #tpu.memory_space<vmem>> -> memref<40xi32, #tpu.memory_space<vmem>>
          %dma_start3A_102 = arith.constant 0 : i32
          %dma_start3A_103 = arith.constant 0 : i32
          %dma_start3A_104 = tpu.memref_slice %arg9[%dma_start3A_102, %dma_start3A_103] : memref<10000x144xf32, #tpu.memory_space<vmem_shared>> -> memref<10000x144xf32, #tpu.memory_space<vmem_shared>>
          tpu.enqueue_indirect_dma source(%arg16 : memref<40x144xf32, #tpu.memory_space<vmem>>) target(%dma_start3A_104 : memref<10000x144xf32, #tpu.memory_space<vmem_shared>>) offsets(%dma_start3A_101 : memref<40xi32, #tpu.memory_space<vmem>>) semaphore(%run_scoped3A : memref<!tpu.dma_semaphore, #tpu.memory_space<semaphore_mem>>) {add = true}
          %dma_wait3A_105 = arith.constant 0 : i32
          %dma_wait3A_106 = tpu.memref_slice %arg15[%mul3A_59, %dma_wait3A_105] : memref<50x40xi32, #tpu.memory_space<vmem>> -> memref<1x40xi32, #tpu.memory_space<vmem>>
          %dma_wait3A_107 = tpu.memref_squeeze %dma_wait3A_106 : memref<1x40xi32, #tpu.memory_space<vmem>> -> memref<40xi32, #tpu.memory_space<vmem>>
          %dma_wait3A_108 = arith.constant 0 : i32
          %dma_wait3A_109 = arith.constant 0 : i32
          %dma_wait3A_110 = tpu.memref_slice %arg9[%dma_wait3A_108, %dma_wait3A_109] : memref<10000x144xf32, #tpu.memory_space<vmem_shared>> -> memref<10000x144xf32, #tpu.memory_space<vmem_shared>>
          tpu.wait_indirect_dma semaphore(%run_scoped3A : memref<!tpu.dma_semaphore, #tpu.memory_space<semaphore_mem>>) src(%arg16 : memref<40x144xf32, #tpu.memory_space<vmem>>) dst(%dma_wait3A_110 : memref<10000x144xf32, #tpu.memory_space<vmem_shared>>)
          tpu.yield
        }) : () -> ()
        %add3A_78 = arith.constant 1 : i32
        %add3A_79 = arith.addi %add3A_57, %add3A_78 : i32
        %lt3A = arith.constant 25 : i32
        %lt3A_80 = arith.cmpi slt, %add3A_79, %lt3A : i32
        %convert_element_type3A_81 = arith.extui %lt3A_80 : i1 to i32
        %cond3A_82 = arith.constant 0 : i32
        %cond3A_83 = arith.cmpi ne, %convert_element_type3A_81, %cond3A_82 : i32
        scf.if %cond3A_83 {
          %add3A_99 = arith.constant 2 : i32
          %add3A_100 = arith.addi %mul3A_59, %add3A_99 : i32
          %dma_start3A_101 = arith.constant 0 : i32
          %dma_start3A_102 = tpu.memref_slice %arg14[%add3A_100, %dma_start3A_101] : memref<50x40xi32, #tpu.memory_space<vmem>> -> memref<1x40xi32, #tpu.memory_space<vmem>>
          %dma_start3A_103 = tpu.memref_squeeze %dma_start3A_102 : memref<1x40xi32, #tpu.memory_space<vmem>> -> memref<40xi32, #tpu.memory_space<vmem>>
          %dma_start3A_104 = arith.constant 0 : i32
          %dma_start3A_105 = arith.constant 0 : i32
          %dma_start3A_106 = tpu.memref_slice %arg2[%dma_start3A_104, %dma_start3A_105] : memref<10000x128xf32, #tpu.memory_space<hbm>> -> memref<10000x128xf32, #tpu.memory_space<hbm>>
          tpu.enqueue_indirect_dma source(%dma_start3A_106 : memref<10000x128xf32, #tpu.memory_space<hbm>>) target(%arg10 : memref<40x128xf32, #tpu.memory_space<vmem>>) offsets(%dma_start3A_103 : memref<40xi32, #tpu.memory_space<vmem>>) semaphore(%arg18 : memref<!tpu.dma_semaphore, #tpu.memory_space<semaphore_mem>>)
        } else {
        }
        %add3A_84 = arith.constant 1 : i32
        %add3A_85 = arith.addi %mul3A_59, %add3A_84 : i32
        %dma_wait3A_86 = arith.constant 0 : i32
        %dma_wait3A_87 = tpu.memref_slice %arg14[%add3A_85, %dma_wait3A_86] : memref<50x40xi32, #tpu.memory_space<vmem>> -> memref<1x40xi32, #tpu.memory_space<vmem>>
        %dma_wait3A_88 = tpu.memref_squeeze %dma_wait3A_87 : memref<1x40xi32, #tpu.memory_space<vmem>> -> memref<40xi32, #tpu.memory_space<vmem>>
        %dma_wait3A_89 = arith.constant 0 : i32
        %dma_wait3A_90 = arith.constant 0 : i32
        %dma_wait3A_91 = tpu.memref_slice %arg2[%dma_wait3A_89, %dma_wait3A_90] : memref<10000x128xf32, #tpu.memory_space<hbm>> -> memref<10000x128xf32, #tpu.memory_space<hbm>>
        tpu.wait_indirect_dma semaphore(%arg19 : memref<!tpu.dma_semaphore, #tpu.memory_space<semaphore_mem>>) src(%dma_wait3A_91 : memref<10000x128xf32, #tpu.memory_space<hbm>>) dst(%arg12 : memref<40x128xf32, #tpu.memory_space<vmem>>)
        %add3A_92 = arith.constant 1 : i32
        %add3A_93 = arith.addi %mul3A_59, %add3A_92 : i32
        %scan3A_94 = arith.constant 0 : i32
        %scan3A_95 = arith.constant 20 : i32
        %scan3A_96 = arith.addi %scan3A_94, %scan3A_95 : i32
        %scan3A_97 = arith.constant 1 : i32
        scf.for %scan3A_99 = %scan3A_94 to %scan3A_96 step %scan3A_97  : i32 {
          %mul3A_100 = arith.constant 2 : i32
          %mul3A_101 = arith.muli %scan3A_99, %mul3A_100 : i32
          %add3A_102 = arith.constant 0 : i32
          %add3A_103 = arith.addi %add3A_102, %mul3A_101 : i32
          %broadcast_in_dim3A = arith.constant 0.000000e+00 : f32
          %broadcast_in_dim3A_104 = vector.broadcast %broadcast_in_dim3A : f32 to vector<16xf32>
          %get3A_105 = arith.index_cast %add3A_103 : i32 to index
          %get3A_106 = arith.constant 0 : index
          %get3A_107 = tpu.vector_load %arg12[%get3A_105, %get3A_106] {strides = array<i32>} : memref<40x128xf32, #tpu.memory_space<vmem>>, vector<16xf32>,
          %get3A_108 = arith.index_cast %add3A_103 : i32 to index
          %get3A_109 = arith.constant 0 : index
          %get3A_110 = tpu.vector_load %arg12[%get3A_108, %get3A_109] {strides = array<i32>} : memref<40x128xf32, #tpu.memory_space<vmem>>, vector<16xf32>,
          %add3A_111 = arith.addf %get3A_107, %get3A_110 : vector<16xf32>
          %mul3A_112 = arith.constant 2.000000e-01 : f32
          %mul3A_113 = vector.broadcast %mul3A_112 : f32 to vector<16xf32>
          %mul3A_114 = arith.mulf %mul3A_113, %add3A_111 : vector<16xf32>
          %max3A = arith.maximumf %add3A_111, %mul3A_114 : vector<16xf32>
          %mul3A_115 = arith.mulf %get3A_5, %max3A : vector<16xf32>
          %add3A_116 = arith.addf %broadcast_in_dim3A_104, %mul3A_115 : vector<16xf32>
          %get3A_117 = arith.index_cast %add3A_103 : i32 to index
          %get3A_118 = arith.constant 16 : index
          %get3A_119 = tpu.vector_load %arg12[%get3A_117, %get3A_118] {strides = array<i32>} : memref<40x128xf32, #tpu.memory_space<vmem>>, vector<16xf32>,
          %get3A_120 = arith.index_cast %add3A_103 : i32 to index
          %get3A_121 = arith.constant 16 : index
          %get3A_122 = tpu.vector_load %arg12[%get3A_120, %get3A_121] {strides = array<i32>} : memref<40x128xf32, #tpu.memory_space<vmem>>, vector<16xf32>,
          %add3A_123 = arith.addf %get3A_119, %get3A_122 : vector<16xf32>
          %mul3A_124 = arith.constant 2.000000e-01 : f32
          %mul3A_125 = vector.broadcast %mul3A_124 : f32 to vector<16xf32>
          %mul3A_126 = arith.mulf %mul3A_125, %add3A_123 : vector<16xf32>
          %max3A_127 = arith.maximumf %add3A_123, %mul3A_126 : vector<16xf32>
          %mul3A_128 = arith.mulf %get3A_7, %max3A_127 : vector<16xf32>
          %add3A_129 = arith.addf %add3A_116, %mul3A_128 : vector<16xf32>
          %get3A_130 = arith.index_cast %add3A_103 : i32 to index
          %get3A_131 = arith.constant 32 : index
          %get3A_132 = tpu.vector_load %arg12[%get3A_130, %get3A_131] {strides = array<i32>} : memref<40x128xf32, #tpu.memory_space<vmem>>, vector<16xf32>,
          %get3A_133 = arith.index_cast %add3A_103 : i32 to index
          %get3A_134 = arith.constant 32 : index
          %get3A_135 = tpu.vector_load %arg12[%get3A_133, %get3A_134] {strides = array<i32>} : memref<40x128xf32, #tpu.memory_space<vmem>>, vector<16xf32>,
          %add3A_136 = arith.addf %get3A_132, %get3A_135 : vector<16xf32>
          %mul3A_137 = arith.constant 2.000000e-01 : f32
          %mul3A_138 = vector.broadcast %mul3A_137 : f32 to vector<16xf32>
          %mul3A_139 = arith.mulf %mul3A_138, %add3A_136 : vector<16xf32>
          %max3A_140 = arith.maximumf %add3A_136, %mul3A_139 : vector<16xf32>
          %mul3A_141 = arith.mulf %get3A_9, %max3A_140 : vector<16xf32>
          %add3A_142 = arith.addf %add3A_129, %mul3A_141 : vector<16xf32>
          %get3A_143 = arith.index_cast %add3A_103 : i32 to index
          %get3A_144 = arith.constant 48 : index
          %get3A_145 = tpu.vector_load %arg12[%get3A_143, %get3A_144] {strides = array<i32>} : memref<40x128xf32, #tpu.memory_space<vmem>>, vector<16xf32>,
          %get3A_146 = arith.index_cast %add3A_103 : i32 to index
          %get3A_147 = arith.constant 48 : index
          %get3A_148 = tpu.vector_load %arg12[%get3A_146, %get3A_147] {strides = array<i32>} : memref<40x128xf32, #tpu.memory_space<vmem>>, vector<16xf32>,
          %add3A_149 = arith.addf %get3A_145, %get3A_148 : vector<16xf32>
          %mul3A_150 = arith.constant 2.000000e-01 : f32
          %mul3A_151 = vector.broadcast %mul3A_150 : f32 to vector<16xf32>
          %mul3A_152 = arith.mulf %mul3A_151, %add3A_149 : vector<16xf32>
          %max3A_153 = arith.maximumf %add3A_149, %mul3A_152 : vector<16xf32>
          %mul3A_154 = arith.mulf %get3A_11, %max3A_153 : vector<16xf32>
          %add3A_155 = arith.addf %add3A_142, %mul3A_154 : vector<16xf32>
          %get3A_156 = arith.index_cast %add3A_103 : i32 to index
          %get3A_157 = arith.constant 64 : index
          %get3A_158 = tpu.vector_load %arg12[%get3A_156, %get3A_157] {strides = array<i32>} : memref<40x128xf32, #tpu.memory_space<vmem>>, vector<16xf32>,
          %get3A_159 = arith.index_cast %add3A_103 : i32 to index
          %get3A_160 = arith.constant 64 : index
          %get3A_161 = tpu.vector_load %arg12[%get3A_159, %get3A_160] {strides = array<i32>} : memref<40x128xf32, #tpu.memory_space<vmem>>, vector<16xf32>,
          %add3A_162 = arith.addf %get3A_158, %get3A_161 : vector<16xf32>
          %mul3A_163 = arith.constant 2.000000e-01 : f32
          %mul3A_164 = vector.broadcast %mul3A_163 : f32 to vector<16xf32>
          %mul3A_165 = arith.mulf %mul3A_164, %add3A_162 : vector<16xf32>
          %max3A_166 = arith.maximumf %add3A_162, %mul3A_165 : vector<16xf32>
          %mul3A_167 = arith.mulf %get3A_13, %max3A_166 : vector<16xf32>
          %add3A_168 = arith.addf %add3A_155, %mul3A_167 : vector<16xf32>
          %get3A_169 = arith.index_cast %add3A_103 : i32 to index
          %get3A_170 = arith.constant 80 : index
          %get3A_171 = tpu.vector_load %arg12[%get3A_169, %get3A_170] {strides = array<i32>} : memref<40x128xf32, #tpu.memory_space<vmem>>, vector<16xf32>,
          %get3A_172 = arith.index_cast %add3A_103 : i32 to index
          %get3A_173 = arith.constant 80 : index
          %get3A_174 = tpu.vector_load %arg12[%get3A_172, %get3A_173] {strides = array<i32>} : memref<40x128xf32, #tpu.memory_space<vmem>>, vector<16xf32>,
          %add3A_175 = arith.addf %get3A_171, %get3A_174 : vector<16xf32>
          %mul3A_176 = arith.constant 2.000000e-01 : f32
          %mul3A_177 = vector.broadcast %mul3A_176 : f32 to vector<16xf32>
          %mul3A_178 = arith.mulf %mul3A_177, %add3A_175 : vector<16xf32>
          %max3A_179 = arith.maximumf %add3A_175, %mul3A_178 : vector<16xf32>
          %mul3A_180 = arith.mulf %get3A_15, %max3A_179 : vector<16xf32>
          %add3A_181 = arith.addf %add3A_168, %mul3A_180 : vector<16xf32>
          %get3A_182 = arith.index_cast %add3A_103 : i32 to index
          %get3A_183 = arith.constant 96 : index
          %get3A_184 = tpu.vector_load %arg12[%get3A_182, %get3A_183] {strides = array<i32>} : memref<40x128xf32, #tpu.memory_space<vmem>>, vector<16xf32>,
          %get3A_185 = arith.index_cast %add3A_103 : i32 to index
          %get3A_186 = arith.constant 96 : index
          %get3A_187 = tpu.vector_load %arg12[%get3A_185, %get3A_186] {strides = array<i32>} : memref<40x128xf32, #tpu.memory_space<vmem>>, vector<16xf32>,
          %add3A_188 = arith.addf %get3A_184, %get3A_187 : vector<16xf32>
          %mul3A_189 = arith.constant 2.000000e-01 : f32
          %mul3A_190 = vector.broadcast %mul3A_189 : f32 to vector<16xf32>
          %mul3A_191 = arith.mulf %mul3A_190, %add3A_188 : vector<16xf32>
          %max3A_192 = arith.maximumf %add3A_188, %mul3A_191 : vector<16xf32>
          %mul3A_193 = arith.mulf %get3A_17, %max3A_192 : vector<16xf32>
          %add3A_194 = arith.addf %add3A_181, %mul3A_193 : vector<16xf32>
          %get3A_195 = arith.index_cast %add3A_103 : i32 to index
          %get3A_196 = arith.constant 112 : index
          %get3A_197 = tpu.vector_load %arg12[%get3A_195, %get3A_196] {strides = array<i32>} : memref<40x128xf32, #tpu.memory_space<vmem>>, vector<16xf32>,
          %get3A_198 = arith.index_cast %add3A_103 : i32 to index
          %get3A_199 = arith.constant 112 : index
          %get3A_200 = tpu.vector_load %arg12[%get3A_198, %get3A_199] {strides = array<i32>} : memref<40x128xf32, #tpu.memory_space<vmem>>, vector<16xf32>,
          %add3A_201 = arith.addf %get3A_197, %get3A_200 : vector<16xf32>
          %mul3A_202 = arith.constant 2.000000e-01 : f32
          %mul3A_203 = vector.broadcast %mul3A_202 : f32 to vector<16xf32>
          %mul3A_204 = arith.mulf %mul3A_203, %add3A_201 : vector<16xf32>
          %max3A_205 = arith.maximumf %add3A_201, %mul3A_204 : vector<16xf32>
          %mul3A_206 = arith.mulf %get3A_19, %max3A_205 : vector<16xf32>
          %add3A_207 = arith.addf %add3A_194, %mul3A_206 : vector<16xf32>
          %reduce_sum3A = arith.constant true
          %reduce_sum3A_208 = vector.broadcast %reduce_sum3A : i1 to vector<16xi1>
          %reduce_sum3A_209 = tpu.scan <sum>, %add3A_207 masked %reduce_sum3A_208 : vector<16xf32>, vector<16xi1> -> vector<16xf32>
          %reduce_sum3A_210 = vector.extract %reduce_sum3A_209[15] : f32 from vector<16xf32>
          %broadcast_in_dim3A_211 = vector.broadcast %reduce_sum3A_210 : f32 to vector<16xf32>
          %exp3A = math.exp %broadcast_in_dim3A_211 : vector<16xf32>
          %swap3A = arith.index_cast %add3A_103 : i32 to index
          %swap3A_212 = arith.constant 128 : index
          %swap3A_213 = tpu.vector_load %arg16[%swap3A, %swap3A_212] {strides = array<i32>} : memref<40x144xf32, #tpu.memory_space<vmem>>, vector<16xf32>,
          tpu.vector_store %arg16[%swap3A, %swap3A_212], %exp3A {strides = array<i32>} : memref<40x144xf32, #tpu.memory_space<vmem>>, vector<16xf32>,
          %mul3A_214 = arith.mulf %get3A_107, %exp3A : vector<16xf32>
          %swap3A_215 = arith.index_cast %add3A_103 : i32 to index
          %swap3A_216 = arith.constant 0 : index
          %swap3A_217 = tpu.vector_load %arg16[%swap3A_215, %swap3A_216] {strides = array<i32>} : memref<40x144xf32, #tpu.memory_space<vmem>>, vector<16xf32>,
          tpu.vector_store %arg16[%swap3A_215, %swap3A_216], %mul3A_214 {strides = array<i32>} : memref<40x144xf32, #tpu.memory_space<vmem>>, vector<16xf32>,
          %mul3A_218 = arith.mulf %get3A_119, %exp3A : vector<16xf32>
          %swap3A_219 = arith.index_cast %add3A_103 : i32 to index
          %swap3A_220 = arith.constant 16 : index
          %swap3A_221 = tpu.vector_load %arg16[%swap3A_219, %swap3A_220] {strides = array<i32>} : memref<40x144xf32, #tpu.memory_space<vmem>>, vector<16xf32>,
          tpu.vector_store %arg16[%swap3A_219, %swap3A_220], %mul3A_218 {strides = array<i32>} : memref<40x144xf32, #tpu.memory_space<vmem>>, vector<16xf32>,
          %mul3A_222 = arith.mulf %get3A_132, %exp3A : vector<16xf32>
          %swap3A_223 = arith.index_cast %add3A_103 : i32 to index
          %swap3A_224 = arith.constant 32 : index
          %swap3A_225 = tpu.vector_load %arg16[%swap3A_223, %swap3A_224] {strides = array<i32>} : memref<40x144xf32, #tpu.memory_space<vmem>>, vector<16xf32>,
          tpu.vector_store %arg16[%swap3A_223, %swap3A_224], %mul3A_222 {strides = array<i32>} : memref<40x144xf32, #tpu.memory_space<vmem>>, vector<16xf32>,
          %mul3A_226 = arith.mulf %get3A_145, %exp3A : vector<16xf32>
          %swap3A_227 = arith.index_cast %add3A_103 : i32 to index
          %swap3A_228 = arith.constant 48 : index
          %swap3A_229 = tpu.vector_load %arg16[%swap3A_227, %swap3A_228] {strides = array<i32>} : memref<40x144xf32, #tpu.memory_space<vmem>>, vector<16xf32>,
          tpu.vector_store %arg16[%swap3A_227, %swap3A_228], %mul3A_226 {strides = array<i32>} : memref<40x144xf32, #tpu.memory_space<vmem>>, vector<16xf32>,
          %mul3A_230 = arith.mulf %get3A_158, %exp3A : vector<16xf32>
          %swap3A_231 = arith.index_cast %add3A_103 : i32 to index
          %swap3A_232 = arith.constant 64 : index
          %swap3A_233 = tpu.vector_load %arg16[%swap3A_231, %swap3A_232] {strides = array<i32>} : memref<40x144xf32, #tpu.memory_space<vmem>>, vector<16xf32>,
          tpu.vector_store %arg16[%swap3A_231, %swap3A_232], %mul3A_230 {strides = array<i32>} : memref<40x144xf32, #tpu.memory_space<vmem>>, vector<16xf32>,
          %mul3A_234 = arith.mulf %get3A_171, %exp3A : vector<16xf32>
          %swap3A_235 = arith.index_cast %add3A_103 : i32 to index
          %swap3A_236 = arith.constant 80 : index
          %swap3A_237 = tpu.vector_load %arg16[%swap3A_235, %swap3A_236] {strides = array<i32>} : memref<40x144xf32, #tpu.memory_space<vmem>>, vector<16xf32>,
          tpu.vector_store %arg16[%swap3A_235, %swap3A_236], %mul3A_234 {strides = array<i32>} : memref<40x144xf32, #tpu.memory_space<vmem>>, vector<16xf32>,
          %mul3A_238 = arith.mulf %get3A_184, %exp3A : vector<16xf32>
          %swap3A_239 = arith.index_cast %add3A_103 : i32 to index
          %swap3A_240 = arith.constant 96 : index
          %swap3A_241 = tpu.vector_load %arg16[%swap3A_239, %swap3A_240] {strides = array<i32>} : memref<40x144xf32, #tpu.memory_space<vmem>>, vector<16xf32>,
          tpu.vector_store %arg16[%swap3A_239, %swap3A_240], %mul3A_238 {strides = array<i32>} : memref<40x144xf32, #tpu.memory_space<vmem>>, vector<16xf32>,
          %mul3A_242 = arith.mulf %get3A_197, %exp3A : vector<16xf32>
          %swap3A_243 = arith.index_cast %add3A_103 : i32 to index
          %swap3A_244 = arith.constant 112 : index
          %swap3A_245 = tpu.vector_load %arg16[%swap3A_243, %swap3A_244] {strides = array<i32>} : memref<40x144xf32, #tpu.memory_space<vmem>>, vector<16xf32>,
          tpu.vector_store %arg16[%swap3A_243, %swap3A_244], %mul3A_242 {strides = array<i32>} : memref<40x144xf32, #tpu.memory_space<vmem>>, vector<16xf32>,
          %add3A_246 = arith.constant 1 : i32
          %add3A_247 = arith.addi %add3A_103, %add3A_246 : i32
          %broadcast_in_dim3A_248 = arith.constant 0.000000e+00 : f32
          %broadcast_in_dim3A_249 = vector.broadcast %broadcast_in_dim3A_248 : f32 to vector<16xf32>
          %get3A_250 = arith.index_cast %add3A_247 : i32 to index
          %get3A_251 = arith.constant 0 : index
          %get3A_252 = tpu.vector_load %arg12[%get3A_250, %get3A_251] {strides = array<i32>} : memref<40x128xf32, #tpu.memory_space<vmem>>, vector<16xf32>,
          %get3A_253 = arith.index_cast %add3A_247 : i32 to index
          %get3A_254 = arith.constant 0 : index
          %get3A_255 = tpu.vector_load %arg12[%get3A_253, %get3A_254] {strides = array<i32>} : memref<40x128xf32, #tpu.memory_space<vmem>>, vector<16xf32>,
          %add3A_256 = arith.addf %get3A_252, %get3A_255 : vector<16xf32>
          %mul3A_257 = arith.constant 2.000000e-01 : f32
          %mul3A_258 = vector.broadcast %mul3A_257 : f32 to vector<16xf32>
          %mul3A_259 = arith.mulf %mul3A_258, %add3A_256 : vector<16xf32>
          %max3A_260 = arith.maximumf %add3A_256, %mul3A_259 : vector<16xf32>
          %mul3A_261 = arith.mulf %get3A_5, %max3A_260 : vector<16xf32>
          %add3A_262 = arith.addf %broadcast_in_dim3A_249, %mul3A_261 : vector<16xf32>
          %get3A_263 = arith.index_cast %add3A_247 : i32 to index
          %get3A_264 = arith.constant 16 : index
          %get3A_265 = tpu.vector_load %arg12[%get3A_263, %get3A_264] {strides = array<i32>} : memref<40x128xf32, #tpu.memory_space<vmem>>, vector<16xf32>,
          %get3A_266 = arith.index_cast %add3A_247 : i32 to index
          %get3A_267 = arith.constant 16 : index
          %get3A_268 = tpu.vector_load %arg12[%get3A_266, %get3A_267] {strides = array<i32>} : memref<40x128xf32, #tpu.memory_space<vmem>>, vector<16xf32>,
          %add3A_269 = arith.addf %get3A_265, %get3A_268 : vector<16xf32>
          %mul3A_270 = arith.constant 2.000000e-01 : f32
          %mul3A_271 = vector.broadcast %mul3A_270 : f32 to vector<16xf32>
          %mul3A_272 = arith.mulf %mul3A_271, %add3A_269 : vector<16xf32>
          %max3A_273 = arith.maximumf %add3A_269, %mul3A_272 : vector<16xf32>
          %mul3A_274 = arith.mulf %get3A_7, %max3A_273 : vector<16xf32>
          %add3A_275 = arith.addf %add3A_262, %mul3A_274 : vector<16xf32>
          %get3A_276 = arith.index_cast %add3A_247 : i32 to index
          %get3A_277 = arith.constant 32 : index
          %get3A_278 = tpu.vector_load %arg12[%get3A_276, %get3A_277] {strides = array<i32>} : memref<40x128xf32, #tpu.memory_space<vmem>>, vector<16xf32>,
          %get3A_279 = arith.index_cast %add3A_247 : i32 to index
          %get3A_280 = arith.constant 32 : index
          %get3A_281 = tpu.vector_load %arg12[%get3A_279, %get3A_280] {strides = array<i32>} : memref<40x128xf32, #tpu.memory_space<vmem>>, vector<16xf32>,
          %add3A_282 = arith.addf %get3A_278, %get3A_281 : vector<16xf32>
          %mul3A_283 = arith.constant 2.000000e-01 : f32
          %mul3A_284 = vector.broadcast %mul3A_283 : f32 to vector<16xf32>
          %mul3A_285 = arith.mulf %mul3A_284, %add3A_282 : vector<16xf32>
          %max3A_286 = arith.maximumf %add3A_282, %mul3A_285 : vector<16xf32>
          %mul3A_287 = arith.mulf %get3A_9, %max3A_286 : vector<16xf32>
          %add3A_288 = arith.addf %add3A_275, %mul3A_287 : vector<16xf32>
          %get3A_289 = arith.index_cast %add3A_247 : i32 to index
          %get3A_290 = arith.constant 48 : index
          %get3A_291 = tpu.vector_load %arg12[%get3A_289, %get3A_290] {strides = array<i32>} : memref<40x128xf32, #tpu.memory_space<vmem>>, vector<16xf32>,
          %get3A_292 = arith.index_cast %add3A_247 : i32 to index
          %get3A_293 = arith.constant 48 : index
          %get3A_294 = tpu.vector_load %arg12[%get3A_292, %get3A_293] {strides = array<i32>} : memref<40x128xf32, #tpu.memory_space<vmem>>, vector<16xf32>,
          %add3A_295 = arith.addf %get3A_291, %get3A_294 : vector<16xf32>
          %mul3A_296 = arith.constant 2.000000e-01 : f32
          %mul3A_297 = vector.broadcast %mul3A_296 : f32 to vector<16xf32>
          %mul3A_298 = arith.mulf %mul3A_297, %add3A_295 : vector<16xf32>
          %max3A_299 = arith.maximumf %add3A_295, %mul3A_298 : vector<16xf32>
          %mul3A_300 = arith.mulf %get3A_11, %max3A_299 : vector<16xf32>
          %add3A_301 = arith.addf %add3A_288, %mul3A_300 : vector<16xf32>
          %get3A_302 = arith.index_cast %add3A_247 : i32 to index
          %get3A_303 = arith.constant 64 : index
          %get3A_304 = tpu.vector_load %arg12[%get3A_302, %get3A_303] {strides = array<i32>} : memref<40x128xf32, #tpu.memory_space<vmem>>, vector<16xf32>,
          %get3A_305 = arith.index_cast %add3A_247 : i32 to index
          %get3A_306 = arith.constant 64 : index
          %get3A_307 = tpu.vector_load %arg12[%get3A_305, %get3A_306] {strides = array<i32>} : memref<40x128xf32, #tpu.memory_space<vmem>>, vector<16xf32>,
          %add3A_308 = arith.addf %get3A_304, %get3A_307 : vector<16xf32>
          %mul3A_309 = arith.constant 2.000000e-01 : f32
          %mul3A_310 = vector.broadcast %mul3A_309 : f32 to vector<16xf32>
          %mul3A_311 = arith.mulf %mul3A_310, %add3A_308 : vector<16xf32>
          %max3A_312 = arith.maximumf %add3A_308, %mul3A_311 : vector<16xf32>
          %mul3A_313 = arith.mulf %get3A_13, %max3A_312 : vector<16xf32>
          %add3A_314 = arith.addf %add3A_301, %mul3A_313 : vector<16xf32>
          %get3A_315 = arith.index_cast %add3A_247 : i32 to index
          %get3A_316 = arith.constant 80 : index
          %get3A_317 = tpu.vector_load %arg12[%get3A_315, %get3A_316] {strides = array<i32>} : memref<40x128xf32, #tpu.memory_space<vmem>>, vector<16xf32>,
          %get3A_318 = arith.index_cast %add3A_247 : i32 to index
          %get3A_319 = arith.constant 80 : index
          %get3A_320 = tpu.vector_load %arg12[%get3A_318, %get3A_319] {strides = array<i32>} : memref<40x128xf32, #tpu.memory_space<vmem>>, vector<16xf32>,
          %add3A_321 = arith.addf %get3A_317, %get3A_320 : vector<16xf32>
          %mul3A_322 = arith.constant 2.000000e-01 : f32
          %mul3A_323 = vector.broadcast %mul3A_322 : f32 to vector<16xf32>
          %mul3A_324 = arith.mulf %mul3A_323, %add3A_321 : vector<16xf32>
          %max3A_325 = arith.maximumf %add3A_321, %mul3A_324 : vector<16xf32>
          %mul3A_326 = arith.mulf %get3A_15, %max3A_325 : vector<16xf32>
          %add3A_327 = arith.addf %add3A_314, %mul3A_326 : vector<16xf32>
          %get3A_328 = arith.index_cast %add3A_247 : i32 to index
          %get3A_329 = arith.constant 96 : index
          %get3A_330 = tpu.vector_load %arg12[%get3A_328, %get3A_329] {strides = array<i32>} : memref<40x128xf32, #tpu.memory_space<vmem>>, vector<16xf32>,
          %get3A_331 = arith.index_cast %add3A_247 : i32 to index
          %get3A_332 = arith.constant 96 : index
          %get3A_333 = tpu.vector_load %arg12[%get3A_331, %get3A_332] {strides = array<i32>} : memref<40x128xf32, #tpu.memory_space<vmem>>, vector<16xf32>,
          %add3A_334 = arith.addf %get3A_330, %get3A_333 : vector<16xf32>
          %mul3A_335 = arith.constant 2.000000e-01 : f32
          %mul3A_336 = vector.broadcast %mul3A_335 : f32 to vector<16xf32>
          %mul3A_337 = arith.mulf %mul3A_336, %add3A_334 : vector<16xf32>
          %max3A_338 = arith.maximumf %add3A_334, %mul3A_337 : vector<16xf32>
          %mul3A_339 = arith.mulf %get3A_17, %max3A_338 : vector<16xf32>
          %add3A_340 = arith.addf %add3A_327, %mul3A_339 : vector<16xf32>
          %get3A_341 = arith.index_cast %add3A_247 : i32 to index
          %get3A_342 = arith.constant 112 : index
          %get3A_343 = tpu.vector_load %arg12[%get3A_341, %get3A_342] {strides = array<i32>} : memref<40x128xf32, #tpu.memory_space<vmem>>, vector<16xf32>,
          %get3A_344 = arith.index_cast %add3A_247 : i32 to index
          %get3A_345 = arith.constant 112 : index
          %get3A_346 = tpu.vector_load %arg12[%get3A_344, %get3A_345] {strides = array<i32>} : memref<40x128xf32, #tpu.memory_space<vmem>>, vector<16xf32>,
          %add3A_347 = arith.addf %get3A_343, %get3A_346 : vector<16xf32>
          %mul3A_348 = arith.constant 2.000000e-01 : f32
          %mul3A_349 = vector.broadcast %mul3A_348 : f32 to vector<16xf32>
          %mul3A_350 = arith.mulf %mul3A_349, %add3A_347 : vector<16xf32>
          %max3A_351 = arith.maximumf %add3A_347, %mul3A_350 : vector<16xf32>
          %mul3A_352 = arith.mulf %get3A_19, %max3A_351 : vector<16xf32>
          %add3A_353 = arith.addf %add3A_340, %mul3A_352 : vector<16xf32>
          %reduce_sum3A_354 = arith.constant true
          %reduce_sum3A_355 = vector.broadcast %reduce_sum3A_354 : i1 to vector<16xi1>
          %reduce_sum3A_356 = tpu.scan <sum>, %add3A_353 masked %reduce_sum3A_355 : vector<16xf32>, vector<16xi1> -> vector<16xf32>
          %reduce_sum3A_357 = vector.extract %reduce_sum3A_356[15] : f32 from vector<16xf32>
          %broadcast_in_dim3A_358 = vector.broadcast %reduce_sum3A_357 : f32 to vector<16xf32>
          %exp3A_359 = math.exp %broadcast_in_dim3A_358 : vector<16xf32>
          %swap3A_360 = arith.index_cast %add3A_247 : i32 to index
          %swap3A_361 = arith.constant 128 : index
          %swap3A_362 = tpu.vector_load %arg16[%swap3A_360, %swap3A_361] {strides = array<i32>} : memref<40x144xf32, #tpu.memory_space<vmem>>, vector<16xf32>,
          tpu.vector_store %arg16[%swap3A_360, %swap3A_361], %exp3A_359 {strides = array<i32>} : memref<40x144xf32, #tpu.memory_space<vmem>>, vector<16xf32>,
          %mul3A_363 = arith.mulf %get3A_252, %exp3A_359 : vector<16xf32>
          %swap3A_364 = arith.index_cast %add3A_247 : i32 to index
          %swap3A_365 = arith.constant 0 : index
          %swap3A_366 = tpu.vector_load %arg16[%swap3A_364, %swap3A_365] {strides = array<i32>} : memref<40x144xf32, #tpu.memory_space<vmem>>, vector<16xf32>,
          tpu.vector_store %arg16[%swap3A_364, %swap3A_365], %mul3A_363 {strides = array<i32>} : memref<40x144xf32, #tpu.memory_space<vmem>>, vector<16xf32>,
          %mul3A_367 = arith.mulf %get3A_265, %exp3A_359 : vector<16xf32>
          %swap3A_368 = arith.index_cast %add3A_247 : i32 to index
          %swap3A_369 = arith.constant 16 : index
          %swap3A_370 = tpu.vector_load %arg16[%swap3A_368, %swap3A_369] {strides = array<i32>} : memref<40x144xf32, #tpu.memory_space<vmem>>, vector<16xf32>,
          tpu.vector_store %arg16[%swap3A_368, %swap3A_369], %mul3A_367 {strides = array<i32>} : memref<40x144xf32, #tpu.memory_space<vmem>>, vector<16xf32>,
          %mul3A_371 = arith.mulf %get3A_278, %exp3A_359 : vector<16xf32>
          %swap3A_372 = arith.index_cast %add3A_247 : i32 to index
          %swap3A_373 = arith.constant 32 : index
          %swap3A_374 = tpu.vector_load %arg16[%swap3A_372, %swap3A_373] {strides = array<i32>} : memref<40x144xf32, #tpu.memory_space<vmem>>, vector<16xf32>,
          tpu.vector_store %arg16[%swap3A_372, %swap3A_373], %mul3A_371 {strides = array<i32>} : memref<40x144xf32, #tpu.memory_space<vmem>>, vector<16xf32>,
          %mul3A_375 = arith.mulf %get3A_291, %exp3A_359 : vector<16xf32>
          %swap3A_376 = arith.index_cast %add3A_247 : i32 to index
          %swap3A_377 = arith.constant 48 : index
          %swap3A_378 = tpu.vector_load %arg16[%swap3A_376, %swap3A_377] {strides = array<i32>} : memref<40x144xf32, #tpu.memory_space<vmem>>, vector<16xf32>,
          tpu.vector_store %arg16[%swap3A_376, %swap3A_377], %mul3A_375 {strides = array<i32>} : memref<40x144xf32, #tpu.memory_space<vmem>>, vector<16xf32>,
          %mul3A_379 = arith.mulf %get3A_304, %exp3A_359 : vector<16xf32>
          %swap3A_380 = arith.index_cast %add3A_247 : i32 to index
          %swap3A_381 = arith.constant 64 : index
          %swap3A_382 = tpu.vector_load %arg16[%swap3A_380, %swap3A_381] {strides = array<i32>} : memref<40x144xf32, #tpu.memory_space<vmem>>, vector<16xf32>,
          tpu.vector_store %arg16[%swap3A_380, %swap3A_381], %mul3A_379 {strides = array<i32>} : memref<40x144xf32, #tpu.memory_space<vmem>>, vector<16xf32>,
          %mul3A_383 = arith.mulf %get3A_317, %exp3A_359 : vector<16xf32>
          %swap3A_384 = arith.index_cast %add3A_247 : i32 to index
          %swap3A_385 = arith.constant 80 : index
          %swap3A_386 = tpu.vector_load %arg16[%swap3A_384, %swap3A_385] {strides = array<i32>} : memref<40x144xf32, #tpu.memory_space<vmem>>, vector<16xf32>,
          tpu.vector_store %arg16[%swap3A_384, %swap3A_385], %mul3A_383 {strides = array<i32>} : memref<40x144xf32, #tpu.memory_space<vmem>>, vector<16xf32>,
          %mul3A_387 = arith.mulf %get3A_330, %exp3A_359 : vector<16xf32>
          %swap3A_388 = arith.index_cast %add3A_247 : i32 to index
          %swap3A_389 = arith.constant 96 : index
          %swap3A_390 = tpu.vector_load %arg16[%swap3A_388, %swap3A_389] {strides = array<i32>} : memref<40x144xf32, #tpu.memory_space<vmem>>, vector<16xf32>,
          tpu.vector_store %arg16[%swap3A_388, %swap3A_389], %mul3A_387 {strides = array<i32>} : memref<40x144xf32, #tpu.memory_space<vmem>>, vector<16xf32>,
          %mul3A_391 = arith.mulf %get3A_343, %exp3A_359 : vector<16xf32>
          %swap3A_392 = arith.index_cast %add3A_247 : i32 to index
          %swap3A_393 = arith.constant 112 : index
          %swap3A_394 = tpu.vector_load %arg16[%swap3A_392, %swap3A_393] {strides = array<i32>} : memref<40x144xf32, #tpu.memory_space<vmem>>, vector<16xf32>,
          tpu.vector_store %arg16[%swap3A_392, %swap3A_393], %mul3A_391 {strides = array<i32>} : memref<40x144xf32, #tpu.memory_space<vmem>>, vector<16xf32>,
        }
        %scan3A_98 = arith.constant 20 : i32
        "tpu.region"() ({
          %run_scoped3A = tpu.sem_alloc : memref<!tpu.dma_semaphore, #tpu.memory_space<semaphore_mem>>
          %dma_start3A_99 = arith.constant 0 : i32
          %dma_start3A_100 = tpu.memref_slice %arg15[%add3A_93, %dma_start3A_99] : memref<50x40xi32, #tpu.memory_space<vmem>> -> memref<1x40xi32, #tpu.memory_space<vmem>>
          %dma_start3A_101 = tpu.memref_squeeze %dma_start3A_100 : memref<1x40xi32, #tpu.memory_space<vmem>> -> memref<40xi32, #tpu.memory_space<vmem>>
          %dma_start3A_102 = arith.constant 0 : i32
          %dma_start3A_103 = arith.constant 0 : i32
          %dma_start3A_104 = tpu.memref_slice %arg9[%dma_start3A_102, %dma_start3A_103] : memref<10000x144xf32, #tpu.memory_space<vmem_shared>> -> memref<10000x144xf32, #tpu.memory_space<vmem_shared>>
          tpu.enqueue_indirect_dma source(%arg16 : memref<40x144xf32, #tpu.memory_space<vmem>>) target(%dma_start3A_104 : memref<10000x144xf32, #tpu.memory_space<vmem_shared>>) offsets(%dma_start3A_101 : memref<40xi32, #tpu.memory_space<vmem>>) semaphore(%run_scoped3A : memref<!tpu.dma_semaphore, #tpu.memory_space<semaphore_mem>>) {add = true}
          %dma_wait3A_105 = arith.constant 0 : i32
          %dma_wait3A_106 = tpu.memref_slice %arg15[%add3A_93, %dma_wait3A_105] : memref<50x40xi32, #tpu.memory_space<vmem>> -> memref<1x40xi32, #tpu.memory_space<vmem>>
          %dma_wait3A_107 = tpu.memref_squeeze %dma_wait3A_106 : memref<1x40xi32, #tpu.memory_space<vmem>> -> memref<40xi32, #tpu.memory_space<vmem>>
          %dma_wait3A_108 = arith.constant 0 : i32
          %dma_wait3A_109 = arith.constant 0 : i32
          %dma_wait3A_110 = tpu.memref_slice %arg9[%dma_wait3A_108, %dma_wait3A_109] : memref<10000x144xf32, #tpu.memory_space<vmem_shared>> -> memref<10000x144xf32, #tpu.memory_space<vmem_shared>>
          tpu.wait_indirect_dma semaphore(%run_scoped3A : memref<!tpu.dma_semaphore, #tpu.memory_space<semaphore_mem>>) src(%arg16 : memref<40x144xf32, #tpu.memory_space<vmem>>) dst(%dma_wait3A_110 : memref<10000x144xf32, #tpu.memory_space<vmem_shared>>)
          tpu.yield
        }) : () -> ()
      }
      %scan3A_52 = arith.constant 25 : i32
    }
    %scan3A_23 = arith.constant 5 : i32
    %barrier3A_24 = arith.constant 0 : index
    tpu.barrier barrier_id(%barrier3A_24)
    "tpu.region"() ({
      %run_scoped3A = tpu.sem_alloc : memref<!tpu.dma_semaphore, #tpu.memory_space<semaphore_mem>>
      %dma_start3A = arith.constant 0 : i32
      %dma_start3A_30 = tpu.memref_slice %arg8[%arg0, %mul3A_2, %dma_start3A] : memref<2x10000x144xf32, #tpu.memory_space<hbm>> -> memref<1x624x144xf32, #tpu.memory_space<hbm>>
      %dma_start3A_31 = tpu.memref_squeeze %dma_start3A_30 : memref<1x624x144xf32, #tpu.memory_space<hbm>> -> memref<624x144xf32, #tpu.memory_space<hbm>>
      %dma_start3A_32 = arith.constant 0 : i32
      %dma_start3A_33 = tpu.memref_slice %arg9[%mul3A_2, %dma_start3A_32] : memref<10000x144xf32, #tpu.memory_space<vmem_shared>> -> memref<624x144xf32, #tpu.memory_space<vmem_shared>>
      tpu.enqueue_dma source(%dma_start3A_33 : memref<624x144xf32, #tpu.memory_space<vmem_shared>>) target(%dma_start3A_31 : memref<624x144xf32, #tpu.memory_space<hbm>>) target_semaphore(%run_scoped3A : memref<!tpu.dma_semaphore, #tpu.memory_space<semaphore_mem>>)
      %dma_wait3A = arith.constant 0 : i32
      %dma_wait3A_34 = tpu.memref_slice %arg8[%arg0, %mul3A_2, %dma_wait3A] : memref<2x10000x144xf32, #tpu.memory_space<hbm>> -> memref<1x624x144xf32, #tpu.memory_space<hbm>>
      %dma_wait3A_35 = tpu.memref_squeeze %dma_wait3A_34 : memref<1x624x144xf32, #tpu.memory_space<hbm>> -> memref<624x144xf32, #tpu.memory_space<hbm>>
      %dma_wait3A_36 = arith.constant 0 : i32
      %dma_wait3A_37 = tpu.memref_slice %arg9[%mul3A_2, %dma_wait3A_36] : memref<10000x144xf32, #tpu.memory_space<vmem_shared>> -> memref<624x144xf32, #tpu.memory_space<vmem_shared>>
      tpu.wait_dma2 semaphore(%run_scoped3A : memref<!tpu.dma_semaphore, #tpu.memory_space<semaphore_mem>>) src(%dma_wait3A_37 : memref<624x144xf32, #tpu.memory_space<vmem_shared>>) dst(%dma_wait3A_35 : memref<624x144xf32, #tpu.memory_space<hbm>>)
      tpu.yield
    }) : () -> ()
    %eq3A_25 = arith.constant 0 : i32
    %eq3A_26 = arith.cmpi eq, %arg1, %eq3A_25 : i32
    %convert_element_type3A_27 = arith.extui %eq3A_26 : i1 to i32
    %cond3A_28 = arith.constant 0 : i32
    %cond3A_29 = arith.cmpi ne, %convert_element_type3A_27, %cond3A_28 : i32
    scf.if %cond3A_29 {
      "tpu.region"() ({
        %run_scoped3A = tpu.sem_alloc : memref<!tpu.dma_semaphore, #tpu.memory_space<semaphore_mem>>
        %dma_start3A = arith.constant 9984 : i32
        %dma_start3A_30 = arith.constant 0 : i32
        %dma_start3A_31 = tpu.memref_slice %arg8[%arg0, %dma_start3A, %dma_start3A_30] : memref<2x10000x144xf32, #tpu.memory_space<hbm>> -> memref<1x16x144xf32, #tpu.memory_space<hbm>>
        %dma_start3A_32 = tpu.memref_squeeze %dma_start3A_31 : memref<1x16x144xf32, #tpu.memory_space<hbm>> -> memref<16x144xf32, #tpu.memory_space<hbm>>
        %dma_start3A_33 = arith.constant 9984 : i32
        %dma_start3A_34 = arith.constant 0 : i32
        %dma_start3A_35 = tpu.memref_slice %arg9[%dma_start3A_33, %dma_start3A_34] : memref<10000x144xf32, #tpu.memory_space<vmem_shared>> -> memref<16x144xf32, #tpu.memory_space<vmem_shared>>
        tpu.enqueue_dma source(%dma_start3A_35 : memref<16x144xf32, #tpu.memory_space<vmem_shared>>) target(%dma_start3A_32 : memref<16x144xf32, #tpu.memory_space<hbm>>) target_semaphore(%run_scoped3A : memref<!tpu.dma_semaphore, #tpu.memory_space<semaphore_mem>>)
        %dma_wait3A = arith.constant 9984 : i32
        %dma_wait3A_36 = arith.constant 0 : i32
        %dma_wait3A_37 = tpu.memref_slice %arg8[%arg0, %dma_wait3A, %dma_wait3A_36] : memref<2x10000x144xf32, #tpu.memory_space<hbm>> -> memref<1x16x144xf32, #tpu.memory_space<hbm>>
        %dma_wait3A_38 = tpu.memref_squeeze %dma_wait3A_37 : memref<1x16x144xf32, #tpu.memory_space<hbm>> -> memref<16x144xf32, #tpu.memory_space<hbm>>
        %dma_wait3A_39 = arith.constant 9984 : i32
        %dma_wait3A_40 = arith.constant 0 : i32
        %dma_wait3A_41 = tpu.memref_slice %arg9[%dma_wait3A_39, %dma_wait3A_40] : memref<10000x144xf32, #tpu.memory_space<vmem_shared>> -> memref<16x144xf32, #tpu.memory_space<vmem_shared>>
        tpu.wait_dma2 semaphore(%run_scoped3A : memref<!tpu.dma_semaphore, #tpu.memory_space<semaphore_mem>>) src(%dma_wait3A_41 : memref<16x144xf32, #tpu.memory_space<vmem_shared>>) dst(%dma_wait3A_38 : memref<16x144xf32, #tpu.memory_space<hbm>>)
        tpu.yield
      }) : () -> ()
    } else {
    }
    return
  }
}

module attributes {stable_mosaic.version = 14 : i64} {
  func.func @_mme_body(%arg0: i32, %arg1: memref<4000x16xf32, #tpu.memory_space<vmem>>, %arg2: memref<16x128xf32, #tpu.memory_space<vmem>>, %arg3: memref<4000x128xf32, #tpu.memory_space<vmem>>) attributes {dimension_semantics = [#tpu.dimension_semantics<arbitrary>], iteration_bounds = array<i64: 80>, scalar_prefetch = 0 : i64, scratch_operands = 0 : i64, tpu.core_type = #tpu.core_type<tc>, window_params = [{transform_indices = @transform_0, window_bounds = array<i64: 4000, 16>}, {pipeline_mode = #tpu.pipeline_mode<synchronous>, transform_indices = @transform_1, window_bounds = array<i64: 16, 128>}, {transform_indices = @transform_2, window_bounds = array<i64: 4000, 128>}]} {
    %get3A = arith.constant 0 : index
    %get3A_0 = arith.constant 0 : index
    %get3A_1 = vector.load %arg1[%get3A, %get3A_0] : memref<4000x16xf32, #tpu.memory_space<vmem>>, vector<4000x16xf32>
    %get3A_2 = arith.constant 0 : index
    %get3A_3 = arith.constant 0 : index
    %get3A_4 = vector.load %arg2[%get3A_2, %get3A_3] : memref<16x128xf32, #tpu.memory_space<vmem>>, vector<16x128xf32>
    %dot_general3A = arith.constant dense<0.000000e+00> : vector<4000x128xf32>
    %dot_general3A_5 = tpu.matmul %get3A_1, %get3A_4, %dot_general3A {dimension_numbers = #tpu.dot_dimension_numbers<[1], [0], [0], [1], [0, 0, 1, 1], [], []>, transpose_lhs_hint = false} : vector<4000x16xf32>, vector<16x128xf32>, vector<4000x128xf32> -> vector<4000x128xf32>
    %swap3A = arith.constant 0 : index
    %swap3A_6 = arith.constant 0 : index
    %swap3A_7 = vector.load %arg3[%swap3A, %swap3A_6] : memref<4000x128xf32, #tpu.memory_space<vmem>>, vector<4000x128xf32>
    tpu.vector_store %arg3[%swap3A, %swap3A_6], %dot_general3A_5 {strides = array<i32>} : memref<4000x128xf32, #tpu.memory_space<vmem>>, vector<4000x128xf32>,
    return
  }
  func.func @transform_0(%arg0: i32) -> (i32, i32) {
    %c0_i32 = arith.constant 0 : i32
    %c0_i32_0 = arith.constant 0 : i32
    return %arg0, %c0_i32 : i32, i32
  }
  func.func @transform_1(%arg0: i32) -> (i32, i32) {
    %c0_i32 = arith.constant 0 : i32
    %c0_i32_0 = arith.constant 0 : i32
    %c0_i32_1 = arith.constant 0 : i32
    return %c0_i32, %c0_i32_0 : i32, i32
  }
  func.func @transform_2(%arg0: i32) -> (i32, i32) {
    %c0_i32 = arith.constant 0 : i32
    %c0_i32_0 = arith.constant 0 : i32
    return %arg0, %c0_i32 : i32, i32
  }
}

module attributes {stable_mosaic.version = 14 : i64} {
  func.func @_mm2_body(%arg0: i32, %arg1: memref<1000x128xf32, #tpu.memory_space<vmem>>, %arg2: memref<128x128xf32, #tpu.memory_space<vmem>>, %arg3: memref<128x128xf32, #tpu.memory_space<vmem>>, %arg4: memref<1000x128xf32, #tpu.memory_space<vmem>>, %arg5: memref<1000x128xf32, #tpu.memory_space<vmem>>) attributes {dimension_semantics = [#tpu.dimension_semantics<arbitrary>], iteration_bounds = array<i64: 10>, scalar_prefetch = 0 : i64, scratch_operands = 0 : i64, tpu.core_type = #tpu.core_type<tc>, window_params = [{transform_indices = @transform_0, window_bounds = array<i64: 1000, 128>}, {pipeline_mode = #tpu.pipeline_mode<synchronous>, transform_indices = @transform_1, window_bounds = array<i64: 128, 128>}, {pipeline_mode = #tpu.pipeline_mode<synchronous>, transform_indices = @transform_2, window_bounds = array<i64: 128, 128>}, {transform_indices = @transform_3, window_bounds = array<i64: 1000, 128>}, {transform_indices = @transform_4, window_bounds = array<i64: 1000, 128>}]} {
    %get3A = arith.constant 0 : index
    %get3A_0 = arith.constant 0 : index
    %get3A_1 = vector.load %arg1[%get3A, %get3A_0] : memref<1000x128xf32, #tpu.memory_space<vmem>>, vector<1000x128xf32>
    %get3A_2 = arith.constant 0 : index
    %get3A_3 = arith.constant 0 : index
    %get3A_4 = vector.load %arg2[%get3A_2, %get3A_3] : memref<128x128xf32, #tpu.memory_space<vmem>>, vector<128x128xf32>
    %dot_general3A = arith.constant dense<0.000000e+00> : vector<1000x128xf32>
    %dot_general3A_5 = tpu.matmul %get3A_1, %get3A_4, %dot_general3A {dimension_numbers = #tpu.dot_dimension_numbers<[1], [0], [0], [1], [0, 0, 1, 1], [], []>, transpose_lhs_hint = false} : vector<1000x128xf32>, vector<128x128xf32>, vector<1000x128xf32> -> vector<1000x128xf32>
    %swap3A = arith.constant 0 : index
    %swap3A_6 = arith.constant 0 : index
    %swap3A_7 = vector.load %arg4[%swap3A, %swap3A_6] : memref<1000x128xf32, #tpu.memory_space<vmem>>, vector<1000x128xf32>
    tpu.vector_store %arg4[%swap3A, %swap3A_6], %dot_general3A_5 {strides = array<i32>} : memref<1000x128xf32, #tpu.memory_space<vmem>>, vector<1000x128xf32>,
    %get3A_8 = arith.constant 0 : index
    %get3A_9 = arith.constant 0 : index
    %get3A_10 = vector.load %arg3[%get3A_8, %get3A_9] : memref<128x128xf32, #tpu.memory_space<vmem>>, vector<128x128xf32>
    %dot_general3A_11 = arith.constant dense<0.000000e+00> : vector<1000x128xf32>
    %dot_general3A_12 = tpu.matmul %get3A_1, %get3A_10, %dot_general3A_11 {dimension_numbers = #tpu.dot_dimension_numbers<[1], [0], [0], [1], [0, 0, 1, 1], [], []>, transpose_lhs_hint = false} : vector<1000x128xf32>, vector<128x128xf32>, vector<1000x128xf32> -> vector<1000x128xf32>
    %swap3A_13 = arith.constant 0 : index
    %swap3A_14 = arith.constant 0 : index
    %swap3A_15 = vector.load %arg5[%swap3A_13, %swap3A_14] : memref<1000x128xf32, #tpu.memory_space<vmem>>, vector<1000x128xf32>
    tpu.vector_store %arg5[%swap3A_13, %swap3A_14], %dot_general3A_12 {strides = array<i32>} : memref<1000x128xf32, #tpu.memory_space<vmem>>, vector<1000x128xf32>,
    return
  }
  func.func @transform_0(%arg0: i32) -> (i32, i32) {
    %c0_i32 = arith.constant 0 : i32
    %c0_i32_0 = arith.constant 0 : i32
    return %arg0, %c0_i32 : i32, i32
  }
  func.func @transform_1(%arg0: i32) -> (i32, i32) {
    %c0_i32 = arith.constant 0 : i32
    %c0_i32_0 = arith.constant 0 : i32
    %c0_i32_1 = arith.constant 0 : i32
    return %c0_i32, %c0_i32_0 : i32, i32
  }
  func.func @transform_2(%arg0: i32) -> (i32, i32) {
    %c0_i32 = arith.constant 0 : i32
    %c0_i32_0 = arith.constant 0 : i32
    %c0_i32_1 = arith.constant 0 : i32
    return %c0_i32, %c0_i32_0 : i32, i32
  }
  func.func @transform_3(%arg0: i32) -> (i32, i32) {
    %c0_i32 = arith.constant 0 : i32
    %c0_i32_0 = arith.constant 0 : i32
    return %arg0, %c0_i32 : i32, i32
  }
  func.func @transform_4(%arg0: i32) -> (i32, i32) {
    %c0_i32 = arith.constant 0 : i32
    %c0_i32_0 = arith.constant 0 : i32
    return %arg0, %c0_i32 : i32, i32
  }
}

module attributes {stable_mosaic.version = 14 : i64} {
  func.func @_fin1_body(%arg0: i32, %arg1: memref<2x1000x144xf32, #tpu.memory_space<vmem>>, %arg2: memref<1x128xf32, #tpu.memory_space<vmem>>, %arg3: memref<128x128xf32, #tpu.memory_space<vmem>>, %arg4: memref<128x128xf32, #tpu.memory_space<vmem>>, %arg5: memref<1000x128xf32, #tpu.memory_space<vmem>>, %arg6: memref<1000x128xf32, #tpu.memory_space<vmem>>) attributes {dimension_semantics = [#tpu.dimension_semantics<arbitrary>], iteration_bounds = array<i64: 10>, scalar_prefetch = 0 : i64, scratch_operands = 0 : i64, tpu.core_type = #tpu.core_type<tc>, window_params = [{transform_indices = @transform_0, window_bounds = array<i64: 2, 1000, 144>}, {pipeline_mode = #tpu.pipeline_mode<synchronous>, transform_indices = @transform_1, window_bounds = array<i64: 1, 128>}, {pipeline_mode = #tpu.pipeline_mode<synchronous>, transform_indices = @transform_2, window_bounds = array<i64: 128, 128>}, {pipeline_mode = #tpu.pipeline_mode<synchronous>, transform_indices = @transform_3, window_bounds = array<i64: 128, 128>}, {transform_indices = @transform_4, window_bounds = array<i64: 1000, 128>}, {transform_indices = @transform_5, window_bounds = array<i64: 1000, 128>}]} {
    %get3A = arith.constant 0 : index
    %get3A_0 = arith.constant 0 : index
    %get3A_1 = arith.constant 0 : index
    %get3A_2 = vector.load %arg1[%get3A, %get3A_0, %get3A_1] : memref<2x1000x144xf32, #tpu.memory_space<vmem>>, vector<2x1000x144xf32>
    %slice3A = vector.extract_strided_slice %get3A_2 {offsets = [0, 0, 0], sizes = [1, 1000, 144], strides = [1, 1, 1]} : vector<2x1000x144xf32> to vector<1x1000x144xf32>
    %squeeze3A = vector.shape_cast %slice3A : vector<1x1000x144xf32> to vector<1000x144xf32>
    %slice3A_3 = vector.extract_strided_slice %get3A_2 {offsets = [1, 0, 0], sizes = [1, 1000, 144], strides = [1, 1, 1]} : vector<2x1000x144xf32> to vector<1x1000x144xf32>
    %squeeze3A_4 = vector.shape_cast %slice3A_3 : vector<1x1000x144xf32> to vector<1000x144xf32>
    %add3A = arith.addf %squeeze3A, %squeeze3A_4 : vector<1000x144xf32>
    %slice3A_5 = vector.extract_strided_slice %add3A {offsets = [0, 0], sizes = [1000, 128], strides = [1, 1]} : vector<1000x144xf32> to vector<1000x128xf32>
    %slice3A_6 = vector.extract_strided_slice %add3A {offsets = [0, 128], sizes = [1000, 1], strides = [1, 1]} : vector<1000x144xf32> to vector<1000x1xf32>
    %add3A_7 = arith.constant 1.000000e-16 : f32
    %add3A_8 = vector.broadcast %add3A_7 : f32 to vector<1000x1xf32>
    %add3A_9 = arith.addf %slice3A_6, %add3A_8 : vector<1000x1xf32>
    %div3A = vector.broadcast %add3A_9 : vector<1000x1xf32> to vector<1000x128xf32>
    %div3A_10 = arith.divf %slice3A_5, %div3A : vector<1000x128xf32>
    %get3A_11 = arith.constant 0 : index
    %get3A_12 = arith.constant 0 : index
    %get3A_13 = vector.load %arg2[%get3A_11, %get3A_12] : memref<1x128xf32, #tpu.memory_space<vmem>>, vector<1x128xf32>
    %add3A_14 = vector.broadcast %get3A_13 : vector<1x128xf32> to vector<1000x128xf32>
    %add3A_15 = arith.addf %div3A_10, %add3A_14 : vector<1000x128xf32>
    %gt3A = arith.constant 0.000000e+00 : f32
    %gt3A_16 = vector.broadcast %gt3A : f32 to vector<1000x128xf32>
    %gt3A_17 = arith.cmpf ogt, %add3A_15, %gt3A_16 : vector<1000x128xf32>
    %exp3A = math.exp %add3A_15 : vector<1000x128xf32>
    %sub3A = arith.constant 1.000000e+00 : f32
    %sub3A_18 = vector.broadcast %sub3A : f32 to vector<1000x128xf32>
    %sub3A_19 = arith.subf %exp3A, %sub3A_18 : vector<1000x128xf32>
    %select_n3A = arith.select %gt3A_17, %add3A_15, %sub3A_19 : vector<1000x128xi1>, vector<1000x128xf32>
    %get3A_20 = arith.constant 0 : index
    %get3A_21 = arith.constant 0 : index
    %get3A_22 = vector.load %arg3[%get3A_20, %get3A_21] : memref<128x128xf32, #tpu.memory_space<vmem>>, vector<128x128xf32>
    %dot_general3A = arith.constant dense<0.000000e+00> : vector<1000x128xf32>
    %dot_general3A_23 = tpu.matmul %select_n3A, %get3A_22, %dot_general3A {dimension_numbers = #tpu.dot_dimension_numbers<[1], [0], [0], [1], [0, 0, 1, 1], [], []>, transpose_lhs_hint = false} : vector<1000x128xf32>, vector<128x128xf32>, vector<1000x128xf32> -> vector<1000x128xf32>
    %swap3A = arith.constant 0 : index
    %swap3A_24 = arith.constant 0 : index
    %swap3A_25 = vector.load %arg5[%swap3A, %swap3A_24] : memref<1000x128xf32, #tpu.memory_space<vmem>>, vector<1000x128xf32>
    tpu.vector_store %arg5[%swap3A, %swap3A_24], %dot_general3A_23 {strides = array<i32>} : memref<1000x128xf32, #tpu.memory_space<vmem>>, vector<1000x128xf32>,
    %get3A_26 = arith.constant 0 : index
    %get3A_27 = arith.constant 0 : index
    %get3A_28 = vector.load %arg4[%get3A_26, %get3A_27] : memref<128x128xf32, #tpu.memory_space<vmem>>, vector<128x128xf32>
    %dot_general3A_29 = arith.constant dense<0.000000e+00> : vector<1000x128xf32>
    %dot_general3A_30 = tpu.matmul %select_n3A, %get3A_28, %dot_general3A_29 {dimension_numbers = #tpu.dot_dimension_numbers<[1], [0], [0], [1], [0, 0, 1, 1], [], []>, transpose_lhs_hint = false} : vector<1000x128xf32>, vector<128x128xf32>, vector<1000x128xf32> -> vector<1000x128xf32>
    %swap3A_31 = arith.constant 0 : index
    %swap3A_32 = arith.constant 0 : index
    %swap3A_33 = vector.load %arg6[%swap3A_31, %swap3A_32] : memref<1000x128xf32, #tpu.memory_space<vmem>>, vector<1000x128xf32>
    tpu.vector_store %arg6[%swap3A_31, %swap3A_32], %dot_general3A_30 {strides = array<i32>} : memref<1000x128xf32, #tpu.memory_space<vmem>>, vector<1000x128xf32>,
    return
  }
  func.func @transform_0(%arg0: i32) -> (i32, i32, i32) {
    %c0_i32 = arith.constant 0 : i32
    %c0_i32_0 = arith.constant 0 : i32
    %c0_i32_1 = arith.constant 0 : i32
    return %c0_i32, %arg0, %c0_i32_0 : i32, i32, i32
  }
  func.func @transform_1(%arg0: i32) -> (i32, i32) {
    %c0_i32 = arith.constant 0 : i32
    %c0_i32_0 = arith.constant 0 : i32
    %c0_i32_1 = arith.constant 0 : i32
    return %c0_i32, %c0_i32_0 : i32, i32
  }
  func.func @transform_2(%arg0: i32) -> (i32, i32) {
    %c0_i32 = arith.constant 0 : i32
    %c0_i32_0 = arith.constant 0 : i32
    %c0_i32_1 = arith.constant 0 : i32
    return %c0_i32, %c0_i32_0 : i32, i32
  }
  func.func @transform_3(%arg0: i32) -> (i32, i32) {
    %c0_i32 = arith.constant 0 : i32
    %c0_i32_0 = arith.constant 0 : i32
    %c0_i32_1 = arith.constant 0 : i32
    return %c0_i32, %c0_i32_0 : i32, i32
  }
  func.func @transform_4(%arg0: i32) -> (i32, i32) {
    %c0_i32 = arith.constant 0 : i32
    %c0_i32_0 = arith.constant 0 : i32
    return %arg0, %c0_i32 : i32, i32
  }
  func.func @transform_5(%arg0: i32) -> (i32, i32) {
    %c0_i32 = arith.constant 0 : i32
    %c0_i32_0 = arith.constant 0 : i32
    return %arg0, %c0_i32 : i32, i32
  }
}

module attributes {stable_mosaic.version = 14 : i64} {
  func.func @_fin2_body(%arg0: i32, %arg1: memref<2x1000x144xf32, #tpu.memory_space<vmem>>, %arg2: memref<1x128xf32, #tpu.memory_space<vmem>>, %arg3: memref<1000x128xf32, #tpu.memory_space<vmem>>) attributes {dimension_semantics = [#tpu.dimension_semantics<arbitrary>], iteration_bounds = array<i64: 10>, scalar_prefetch = 0 : i64, scratch_operands = 0 : i64, tpu.core_type = #tpu.core_type<tc>, window_params = [{transform_indices = @transform_0, window_bounds = array<i64: 2, 1000, 144>}, {pipeline_mode = #tpu.pipeline_mode<synchronous>, transform_indices = @transform_1, window_bounds = array<i64: 1, 128>}, {transform_indices = @transform_2, window_bounds = array<i64: 1000, 128>}]} {
    %get3A = arith.constant 0 : index
    %get3A_0 = arith.constant 0 : index
    %get3A_1 = arith.constant 0 : index
    %get3A_2 = vector.load %arg1[%get3A, %get3A_0, %get3A_1] : memref<2x1000x144xf32, #tpu.memory_space<vmem>>, vector<2x1000x144xf32>
    %slice3A = vector.extract_strided_slice %get3A_2 {offsets = [0, 0, 0], sizes = [1, 1000, 144], strides = [1, 1, 1]} : vector<2x1000x144xf32> to vector<1x1000x144xf32>
    %squeeze3A = vector.shape_cast %slice3A : vector<1x1000x144xf32> to vector<1000x144xf32>
    %slice3A_3 = vector.extract_strided_slice %get3A_2 {offsets = [1, 0, 0], sizes = [1, 1000, 144], strides = [1, 1, 1]} : vector<2x1000x144xf32> to vector<1x1000x144xf32>
    %squeeze3A_4 = vector.shape_cast %slice3A_3 : vector<1x1000x144xf32> to vector<1000x144xf32>
    %add3A = arith.addf %squeeze3A, %squeeze3A_4 : vector<1000x144xf32>
    %slice3A_5 = vector.extract_strided_slice %add3A {offsets = [0, 0], sizes = [1000, 128], strides = [1, 1]} : vector<1000x144xf32> to vector<1000x128xf32>
    %slice3A_6 = vector.extract_strided_slice %add3A {offsets = [0, 128], sizes = [1000, 1], strides = [1, 1]} : vector<1000x144xf32> to vector<1000x1xf32>
    %add3A_7 = arith.constant 1.000000e-16 : f32
    %add3A_8 = vector.broadcast %add3A_7 : f32 to vector<1000x1xf32>
    %add3A_9 = arith.addf %slice3A_6, %add3A_8 : vector<1000x1xf32>
    %div3A = vector.broadcast %add3A_9 : vector<1000x1xf32> to vector<1000x128xf32>
    %div3A_10 = arith.divf %slice3A_5, %div3A : vector<1000x128xf32>
    %get3A_11 = arith.constant 0 : index
    %get3A_12 = arith.constant 0 : index
    %get3A_13 = vector.load %arg2[%get3A_11, %get3A_12] : memref<1x128xf32, #tpu.memory_space<vmem>>, vector<1x128xf32>
    %add3A_14 = vector.broadcast %get3A_13 : vector<1x128xf32> to vector<1000x128xf32>
    %add3A_15 = arith.addf %div3A_10, %add3A_14 : vector<1000x128xf32>
    %swap3A = arith.constant 0 : index
    %swap3A_16 = arith.constant 0 : index
    %swap3A_17 = vector.load %arg3[%swap3A, %swap3A_16] : memref<1000x128xf32, #tpu.memory_space<vmem>>, vector<1000x128xf32>
    tpu.vector_store %arg3[%swap3A, %swap3A_16], %add3A_15 {strides = array<i32>} : memref<1000x128xf32, #tpu.memory_space<vmem>>, vector<1000x128xf32>,
    return
  }
  func.func @transform_0(%arg0: i32) -> (i32, i32, i32) {
    %c0_i32 = arith.constant 0 : i32
    %c0_i32_0 = arith.constant 0 : i32
    %c0_i32_1 = arith.constant 0 : i32
    return %c0_i32, %arg0, %c0_i32_0 : i32, i32, i32
  }
  func.func @transform_1(%arg0: i32) -> (i32, i32) {
    %c0_i32 = arith.constant 0 : i32
    %c0_i32_0 = arith.constant 0 : i32
    %c0_i32_1 = arith.constant 0 : i32
    return %c0_i32, %c0_i32_0 : i32, i32
  }
  func.func @transform_2(%arg0: i32) -> (i32, i32) {
    %c0_i32 = arith.constant 0 : i32
    %c0_i32_0 = arith.constant 0 : i32
    return %arg0, %c0_i32 : i32, i32
  }
}

</mosaic_0001>

<sc_bundles>
// kernel: kernel.11.cloned.1.call-start
scs
__scs_entry_jumppad:
0x0: {  	(pc) =	sbr.rel $0x88, $3  }
0x1: {  	(tag) =	ssettag $0x0;
	lr =	simm.s32 $0x1  }
0x2: {  	[smem:$0x3F95] =	sst lr;
	_ =	strace $0xD0000000  }
0x3: {  	_ = 	snop  }
0x4: {  	_ = 	snop  }
0x5: {  	_ = 	snop  }
0x6: {  	_ = 	snop  }
0x7: {  	_ = 	snop  }
__scs_overlays_trampoline_lowered:
0x8: {  	[smem:$0x3FA4] =	sst s0  }
0x9: {  	[smem:$0x3FA5] =	sst s1  }
0xa: {  	[smem:$0x3FA6] =	sst s2  }
0xb: {  	[smem:$0x3FA7] =	sst s3  }
0xc: {  	[smem:$0x3FA8] =	sst s4  }
0xd: {  	[smem:$0x3FA9] =	sst s5  }
0xe: {  	[smem:$0x3FAA] =	sst s6  }
0xf: {  	[smem:$0x3FAB] =	sst s7  }
0x10: {  	[smem:$0x3FAC] =	sst s8  }
0x11: {  	[smem:$0x3FAD] =	sst s9;
	s0 =	simm.s32 @!p0 $0x0  }
0x12: {  	s1 =	sld [smem:$0x3F93];
	s0 =	simm.s32 @p0 $0x1  }
0x13: {  	[smem:$0x3FAE] =	sst s0;
	s0 =	simm.s32 @!p1 $0x0  }
0x14: {  	s2 =	sld [smem:$0x3F92];
	s0 =	simm.s32 @p1 $0x1  }
0x15: {  	[smem:$0x3FAF] =	sst s0;
	s0 =	simm.s32 @!p2 $0x0  }
0x16: {  	s3 =	sld [smem:$0x3FDB];
	s0 =	simm.s32 @p2 $0x1  }
0x17: {  	s4 =	simm.s32 $0x1BF5;
	[smem:$0x3FB1] =	sst s0  }
0x18: {  	s0 =	sld [smem:$0x3F94];
	_ =	swait.ge [sflag:s4], $0x0  }
0x19: {  	s7 =	sld [smem:$0x3F95]  }
0x1a: {  	s8 =	sadd.s32 $0xFFFFE003, lr  }
0x1b: {  	s9 =	sadd.s32 $0xFFFFFEF7, lr;
	s5 =	simm.s32 $0xFFFFFFFF;
	p2 =	slt.u32 s8, $0xFFFFF086  }
0x1c: {  	p1 =	slt.u32 s9, $0xF7A;
	s5 =	simm.s32 @!p2 $0x0  }
0x1d: {  	s5 =	simm.s32 @p1 $0x1;
	p0 =	seq.s32 s7, s2  }
0x1e: {  	s7 =	smul.u32 @!p0 $0xF7A, s2;
	p2 =	seq.s32 @!p0 s5, $0x0  }
0x1f: {  	s9 =	smul.u32 $0xF7A, s1;
	s8 =	simm.s32 @!p0 $0x1BF5;
	p2 =	por !p2, p0  }
0x20: {  	[sflag:s8] =	ssyncset.s32 @!p0 $0xFFFFF086;
	s6 =	sadd.s32 @!p0 s3, s7;
	s7 =	simm.s32 @!p0 $0x108  }
0x21: {  	s3 =	sadd.s32 s3, s9;
	s6 =	sadd.s32 @!p0 $0x88, s6;
	s7 =	simm.s32 @p2 $0x1082  }
0x22: {  	[simem:s7], [sflag:s8] =	dma.local @!p0 [hbm:s6], $0xF7A  }
0x23: {  	s9 =	sor.u32 $0xD0000000, s2;
	s6 =	simm.s32 $0x108;
	_ =	swait.ge @!p0 [sflag:s8], $0x0  }
0x24: {  	s3 =	sadd.s32 $0x88, s3;
	s6 =	simm.s32 @!p1 $0x1082;
	[sflag:s4] =	ssyncset.s32 $0xFFFFF086  }
0x25: {  	[simem:s6], [sflag:s4] =	dma.local [hbm:s3], $0xF7A  }
0x26: {  	[smem:$0x3F95] =	sst s1;
	(tag) =	ssettag s2;
	_ =	strace s9  }
0x27: {  	s1 =	sld [smem:$0x3FA5]  }
0x28: {  	s2 =	sld [smem:$0x3FA6]  }
0x29: {  	s4 =	sld [smem:$0x3FA8]  }
0x2a: {  	p0 =	seq.s32 s5, $0x0;
	s5 =	sld [smem:$0x3FA9]  }
0x2b: {  	s6 =	sld [smem:$0x3FAA]  }
0x2c: {  	s7 =	sld [smem:$0x3FAB]  }
0x2d: {  	s3 =	simm.s32 $0x108;
	s8 =	sld [smem:$0x3FAC]  }
0x2e: {  	s3 =	simm.s32 @!p0 $0x1082;
	s9 =	sld [smem:$0x3FAD]  }
0x2f: {  	lr =	sadd.s32 s0, s3;
	s0 =	sld [smem:$0x3FA4]  }
0x30: {  	s3 =	sld [smem:$0x3FA7]  }
0x31: {  	[smem:$0x3FB0] =	sst s10  }
0x32: {  	s10 =	sld [smem:$0x3FAE];
	_ =	sdelay $0x3  }
0x33: {  	p0 =	seq.s32 s10, $0x1;
	s10 =	sld [smem:$0x3FB0];
	_ =	sdelay $0x3  }
0x34: {  	[smem:$0x3FB0] =	sst s10  }
0x35: {  	s10 =	sld [smem:$0x3FAF];
	_ =	sdelay $0x3  }
0x36: {  	p1 =	seq.s32 s10, $0x1;
	s10 =	sld [smem:$0x3FB0];
	_ =	sdelay $0x3  }
0x37: {  	[smem:$0x3FB0] =	sst s10  }
0x38: {  	s10 =	sld [smem:$0x3FB1]  }
0x39: {  	_ = 	snop;
	(pc) =	sbr.ind lr, $3  }
0x3a: {  	_ = 	snop  }
0x3b: {  	_ = 	snop  }
0x3c: {  	p2 =	seq.s32 s10, $0x1;
	s10 =	sld [smem:$0x3FB0]  }
0x3d: {  	_ =	shalt  }
0x3e: {  	_ =	shalt  }
0x3f: {  	_ =	shalt  }
0x40: {  	_ =	shalt  }
0x41: {  	_ =	shalt  }
0x42: {  	_ =	shalt  }
0x43: {  	_ =	shalt  }
0x44: {  	_ =	shalt  }
0x45: {  	_ =	shalt  }
0x46: {  	_ =	shalt  }
0x47: {  	_ =	shalt  }
0x48: {  	_ =	shalt  }
0x49: {  	_ =	shalt  }
0x4a: {  	_ =	shalt  }
0x4b: {  	_ =	shalt  }
0x4c: {  	_ =	shalt  }
0x4d: {  	_ =	shalt  }
0x4e: {  	_ =	shalt  }
0x4f: {  	_ =	shalt  }
0x50: {  	_ =	shalt  }
0x51: {  	_ =	shalt  }
0x52: {  	_ =	shalt  }
0x53: {  	_ =	shalt  }
0x54: {  	_ =	shalt  }
0x55: {  	_ =	shalt  }
0x56: {  	_ =	shalt  }
0x57: {  	_ =	shalt  }
0x58: {  	_ =	shalt  }
0x59: {  	_ =	shalt  }
0x5a: {  	_ =	shalt  }
0x5b: {  	_ =	shalt  }
0x5c: {  	_ =	shalt  }
0x5d: {  	_ =	shalt  }
0x5e: {  	_ =	shalt  }
0x5f: {  	_ =	shalt  }
0x60: {  	_ =	shalt  }
0x61: {  	_ =	shalt  }
0x62: {  	_ =	shalt  }
0x63: {  	_ =	shalt  }
0x64: {  	_ =	shalt  }
0x65: {  	_ =	shalt  }
0x66: {  	_ =	shalt  }
0x67: {  	_ =	shalt  }
0x68: {  	_ =	shalt  }
0x69: {  	_ =	shalt  }
0x6a: {  	_ =	shalt  }
0x6b: {  	_ =	shalt  }
0x6c: {  	_ =	shalt  }
0x6d: {  	_ =	shalt  }
0x6e: {  	_ =	shalt  }
0x6f: {  	_ =	shalt  }
0x70: {  	_ =	shalt  }
0x71: {  	_ =	shalt  }
0x72: {  	_ =	shalt  }
0x73: {  	_ =	shalt  }
0x74: {  	_ =	shalt  }
0x75: {  	_ =	shalt  }
0x76: {  	_ =	shalt  }
0x77: {  	_ =	shalt  }
0x78: {  	_ =	shalt  }
0x79: {  	_ =	shalt  }
0x7a: {  	_ =	shalt  }
0x7b: {  	_ =	shalt  }
0x7c: {  	_ =	shalt  }
0x7d: {  	_ =	shalt  }
0x7e: {  	_ =	shalt  }
0x7f: {  	_ =	shalt  }
0x80: {  	_ =	shalt  }
0x81: {  	_ =	shalt  }
0x82: {  	_ =	shalt  }
0x83: {  	_ =	shalt  }
0x84: {  	_ =	shalt  }
0x85: {  	_ =	shalt  }
0x86: {  	_ =	shalt  }
0x87: {  	_ =	shalt  }
.Lfunc_end0:
.L_simem_size_0:
called_computation.1_lowered:
.L_overlay_start_0:
0x88: {  	s2 =	sld [smem:$0x3FD9]  }
0x89: {  	s3 =	sld [smem:$0x3FFE];
	_ =	sdelay $0x1  }
0x8a: {  	s1 =	srdreg.scid  }
0x8b: {  	s0 =	sand.u32 $0x1, s1  }
0x8c: {  	s17 =	sshll.u32 s0, $0xA;
	s2 =	sadd.s32 s3, s2  }
0x8d: {  	s2 =	sadd.s32 s2, s17  }
0x8e: {  	[smem:$0x3FBC] =	sst s2  }
0x8f: {  	_ = 	snop  }
0x90: {  	s2 =	sld [smem:$0x3FBF]  }
0x91: {  	s18 =	sld [smem:$0x3FD0];
	(tm) =	ssettm $0x1  }
0x92: {  	s4 =	sld [smem:$0x3FFB];
	_ =	sdelay $0x3  }
0x93: {  	_ =	strace s4  }
0x94: {  	s4 =	sld [smem:$0x3FFC];
	_ =	sdelay $0x3  }
0x95: {  	_ =	strace s4  }
0x96: {  	s4 =	sld [smem:$0x3FFD];
	_ =	sdelay $0x3  }
0x97: {  	_ =	strace s4  }
0x98: {  	_ =	strace $0x8FFFFFFF  }
0x99: {  	s19 =	sld [smem:$0x3FDB];
	_ =	sdelay $0x1  }
0x9a: {  	s5 =	simm.s32 $_scs_section_size  }
0x9b: {  	s6 =	simm.s32 $_size__tile_overlayer_lowered;
	s7 =	simm.s32 $_tile_overlayer_lowered  }
0x9c: {  	s22 =	simm.s32 $0x1BFF;
	s21 =	sshll.u32 s7, $0x1;
	s4 =	sadd.s32 s5, s19  }
0x9d: {  	s8 =	simm.s32 $0x0;
	s20 =	sshll.u32 s6, $0x1;
	s6 =	sadd.s32 s21, s4  }
0x9e: {  	[timem:s8], [sflag:s22] =	dma.local [hbm:s6], s20  }
0x9f: {  	_ =	swait.ge [sflag:s22], s20  }
0xa0: {  	s5 =	ssub.s32 $0x0, s20;
	[sflag:s22] =	ssyncset.done $0x0  }
0xa1: {  	[sflag:s22] =	ssyncadd.s32 s5;
	_ =	sdelay $0x1  }
0xa2: {  	s23 =	simm.s32 $0x1B8B  }
0xa3: {  	_ =	swait.ge [sflag:s23], $0x1  }
0xa4: {  	[sflag:s23] =	ssyncset.done $0x0  }
0xa5: {  	s25 =	simm.s32 $0x1B8E;
	s24 =	sld [smem:$0x3FFE];
	[sflag:s23] =	ssyncadd.s32 $0xFFFFFFFF  }
0xa6: {  	s26 =	simm.s32 $execute0_lowered;
	[smem:$0x3FD2] =	sst s25  }
0xa7: {  	s6 =	sshll.u32 s26, $0x1;
	_ =	strace $0x80000049;
	[dreg:$0x1] =	wrdreg $0xFFFFFFFF  }
0xa8: {  	s28 =	simm.s32 $_size_execute0_lowered;
	s4 =	sadd.s32 s4, s6;
	[dreg:$0x0] =	wrdreg $0x0  }
0xa9: {  	s6 =	sshll.u32 s28, $0x1;
	[dreg:$0x2] =	wrdreg s4  }
0xaa: {  	[dreg:$0x3] =	wrdreg s6  }
0xab: {  	[dreg:$0x4] =	wrdreg $0xC0  }
0xac: {  	_ =	task [dreg:s8], $0x5FFFF  }
0xad: {  	[dreg:$0x1] =	wrdreg $0xFFFFFFFF  }
0xae: {  	[dreg:$0x0] =	wrdreg $0x60  }
0xaf: {  	[dreg:$0x2] =	wrdreg s18  }
0xb0: {  	[dreg:$0x3] =	wrdreg s24  }
0xb1: {  	[dreg:$0x4] =	wrdreg s2  }
0xb2: {  	[dreg:$0x5] =	wrdreg $0x0  }
0xb3: {  	[dreg:$0x6] =	wrdreg $0x9  }
0xb4: {  	_ =	task.clear_ibuf [dreg:s8], $0x7FFFF;
	_ =	strace $0x90000049  }
0xb5: {  	s29 =	simm.s32 $0x9;
	_ =	strace $0x8000004B  }
0xb6: {  	_ =	swait.ge [sflag:s29], $0x1  }
0xb7: {  	[sflag:s29] =	ssyncadd.s32 $0xFFFFFFFF  }
0xb8: {  	_ =	strace $0x9000004B  }
0xb9: {  	_ =	sfence  }
0xba: {  	s30 =	sld [smem:$0x0];
	_ =	sdelay $0x2  }
0xbb: {  	s31 =	sshll.u32 s1, $0xD;
	s1 =	sshrl.u32 s1, $0x2  }
0xbc: {  	s3 =	sand.u32 $0x4000, s31;
	s1 =	sadd.s32 s1, s30  }
0xbd: {  	s0 =	sor.u32 s3, s0;
	s1 =	sshll.u32 s1, $0x11  }
0xbe: {  	s0 =	sor.u32 s1, s0  }
0xbf: {  	s0 =	sadd.s32 $0x8F2B, s0  }
0xc0: {  	[sflag:s0] =	ssyncadd.remote.s32 $0x1  }
0xc1: {  	_ =	sfence.sel $0xFFFF  }
0xc2: {  	[dreg:$0x0] =	wrdreg $0xFFFFFFFF;
	(pc) =	sbr.abs _section_cstart, $3  }
0xc3: {  	[dreg:$0x1] =	wrdreg $0xFFFFFFFF  }
0xc4: {  	_ =	task.clear_ibuf [dreg:s8], $0x2FFFF;
	_ =	strace $0x9FFFFFFF  }
0xc5: {  	(tm) =	ssettm $0x7FFFFFFF  }
tec
execute0_lowered:
.L_overlay_start_1:
0x0: {  	(tag) =	ssettag $0x1  }
0x1: {  	s1 =	rddreg [dreg:$0x0]  }
0x2: {  	s0 =	rddreg [dreg:$0x1]  }
0x3: {  	s3 =	rddreg [dreg:$0x3];
	s2 =	simm.s32 $0x0  }
0x4: {  	s25 =	stileid.u32;
	s5 =	srdreg.scid;
	s15 =	simm.s32 $0x3  }
0x5: {  	s17 =	simm.s32 $0x1ADB0;
	s18 =	simm.s32 $0x18790;
	s19 =	simm.s32 $0x18F60  }
0x6: {  	s20 =	simm.s32 $0x28;
	s21 =	simm.s32 $0x15F90;
	s22 =	simm.s32 $0x17390  }
0x7: {  	s23 =	simm.s32 $0x1;
	s24 =	simm.s32 $0x19730;
	[smem:$0x7FF] =	sst s2  }
0x8: {  	s4 =	smul.u32 $0x15F00, s25;
	s7 =	sand.u32 $0x1, s5;
	s5 =	sadd.s32 $0x4EE200, s0  }
0x9: {  	s6 =	sadd.s32 $0x4E4400, s0;
	s11 =	sadd.s32 $0x55600, s0;
	s29 =	sshll.u32 s25, $0x6  }
0xa: {  	s16 =	sadd.s32 $0x15F000, s3;
	p0 =	sne.s32 s25, $0x0;
	_ =	strace $0x8000004A  }
0xb: {  	s9 =	ssub.s32 $0x2, s7;
	s26 =	sshll.u32 s7, $0x4;
	s12 =	smul.u32 $0x15F900, s7  }
0xc: {  	s16 =	sshrl.u32 @!p0 s16, $0x3;
	s8 =	sshrl.u32 s4, $0x3;
	s10 =	sshrl.u32 s9, $0x1  }
0xd: {  	s28 =	sor.u32 s25, s26;
	s14 =	sadd.s32 s4, s3;
	s25 =	simm.s32 $0x2  }
0xe: {  	s26 =	simm.s32 $0x0;
	s8 =	sadd.s32 s8, s0;
	s13 =	ssub.s32 s9, s10  }
0xf: {  	s4 =	sadd.s32 s4, s12;
	s12 =	sshrl.u32 s12, $0x3;
	s9 =	sadd.s32 $0x55400, s0  }
0x10: {  	s10 =	smul.u32 $0xFA, s28;
	s14 =	sshrl.u32 s14, $0x3;
	s7 =	sadd.s32 $0x29600, s8  }
0x11: {  	s8 =	sor.u32 $0x1C03, s29;
	s30 =	sshrl.u32 s4, $0x3;
	s31 =	sadd.s32 s11, s12  }
0x12: {  	s13 =	smax.u32 s13, $0x1;
	s11 =	sadd.s32 s11, s30;
	s12 =	sadd.s32 $0x2BE00, s31  }
.LBB2_1:
0x13: {  	[spmem:s14], [sflag:s8] =	dma.local [hbm:s7], $0x2BE0  }
0x14: {  	_ =	swait.ge [sflag:s15], $0x2BE0  }
0x15: {  	[sflag:s15] =	ssyncset.done $0x0  }
0x16: {  	s0 =	simm.s32 @!p0 $0x3;
	[sflag:s15] =	ssyncadd.s32 $0xFFFFD420  }
0x17: {  	[spmem:s16], [sflag:s8] =	dma.local @!p0 [hbm:s9], $0x120  }
0x18: {  	_ =	swait.ge @!p0 [sflag:s0], $0x120  }
0x19: {  	[sflag:s0] =	ssyncset.done @!p0 $0x0  }
0x1a: {  	[sflag:s0] =	ssyncadd.s32 @!p0 $0xFFFFFEE0  }
0x1b: {  	s2 =	simm.s32 $0x0;
	s0 =	rddreg [dreg:$0x2]  }
0x1c: {  	[tilespmem:s17], [sflag:$0x3] =	stream.linear.gather [hbm4b:s0+s2], $0x80, $0x38;
	[tilespmem:$0x1AE30] =	vst v63  }
0x1d: {  	_ =	swait.ge [sflag:s15], $0x80  }
0x1e: {  	[sflag:s15] =	ssyncset.done $0x0  }
0x1f: {  	[sflag:s15] =	ssyncadd.s32 $0xFFFFFF80  }
0x20: {  	[bflag:$0x0] =	sbarrier.arrive $0xFFFF  }
0x21: {  	v0 =	vld [tilespmem:$0x1ADB0]  }
0x22: {  	v1 =	vld [tilespmem:$0x1ADC0]  }
0x23: {  	v2 =	vld [tilespmem:$0x1ADD0]  }
0x24: {  	v3 =	vld [tilespmem:$0x1ADE0]  }
0x25: {  	v4 =	vld [tilespmem:$0x1ADF0]  }
0x26: {  	v5 =	vld [tilespmem:$0x1AE00]  }
0x27: {  	v6 =	vld [tilespmem:$0x1AE10]  }
0x28: {  	s28 =	simm.s32 $0x0;
	v7 =	vld [tilespmem:$0x1AE20]  }
.LBB2_2:
0x29: {  	s0 =	smul.u32 $0x32, s28;
	_ =	sdelay $0x1  }
0x2a: {  	s0 =	sadd.s32 s10, s0  }
0x2b: {  	s0 =	smul.u32 $0x5, s0;
	_ =	sdelay $0x1  }
0x2c: {  	s30 =	simm.s32 $0x0;
	s2 =	sadd.s32 s5, s0  }
0x2d: {  	[tilespmem:s18], [sflag:$0x3] =	stream.linear.gather [hbm4b:s2+s30], $0x7D0, $0x38;
	[tilespmem:$0x1AE30] =	vst v63  }
0x2e: {  	_ =	swait.ge [sflag:s15], $0x7D0  }
0x2f: {  	[sflag:s15] =	ssyncset.done $0x0  }
0x30: {  	s0 =	sadd.s32 s6, s0;
	[sflag:s15] =	ssyncadd.s32 $0xFFFFF830  }
0x31: {  	[tilespmem:s19], [sflag:$0x3] =	stream.linear.gather [hbm4b:s0+s30], $0x7D0, $0x38;
	[tilespmem:$0x1AE30] =	vst v63  }
0x32: {  	_ =	swait.ge [sflag:s15], $0x7D0  }
0x33: {  	[sflag:s15] =	ssyncset.done $0x0  }
0x34: {  	[sflag:s15] =	ssyncadd.s32 $0xFFFFF830  }
0x35: {  	[tilespmem:s21], [sflag:$0x1] =	stream.indirect.gather [hbm4b:s1+s20], $0x80, s18, s20, $0xb8;
	[tilespmem:$0x1AE30] =	vst v63  }
.LBB2_3:
0x36: {  	s0 =	smul.u32 $0x50, s30;
	_ =	sdelay $0x1  }
0x37: {  	s2 =	sadd.s32 $0x187B8, s0  }
0x38: {  	[tilespmem:s22], [sflag:$0x2] =	stream.indirect.gather [hbm4b:s1+s20], $0x80, s2, s20, $0xb8;
	[tilespmem:$0x1AE30] =	vst v63  }
0x39: {  	_ =	swait.ge [sflag:s23], $0x1400  }
0x3a: {  	[sflag:s23] =	ssyncset.done $0x0  }
0x3b: {  	s4 =	simm.s32 $0x0;
	[sflag:s23] =	ssyncadd.s32 $0xFFFFEC00  }
0x3c: {  	v8 =	vld [tilespmem:s4+$0x15F90];
	_ =	sdelay $0x1  }
0x3d: {  	v9 =	vld [tilespmem:s4+$0x15FA0];
	_ =	sdelay $0x1  }
0x3e: {  	v10 =	vld [tilespmem:s4+$0x15FB0]  }
0x3f: {  	v11 =	vadd.f32 v8, v8  }
0x40: {  	v12 =	vld [tilespmem:s4+$0x15FC0]  }
0x41: {  	v14 =	vadd.f32 v9, v9;
	v13 =	vmul.f32 $2.000000030e-01, v11  }
0x42: {  	v15 =	vld [tilespmem:s4+$0x15FD0]  }
0x43: {  	v16 =	vadd.f32 v10, v10;
	v11 =	vmax.f32 v11, v13;
	v13 =	vmul.f32 $2.000000030e-01, v14  }
0x44: {  	v17 =	vld [tilespmem:s4+$0x15FE0];
	v11 =	vmul.f32 v11, v0  }
0x45: {  	v18 =	vadd.f32 v12, v12;
	v13 =	vmax.f32 v14, v13;
	v14 =	vmul.f32 $2.000000030e-01, v16  }
0x46: {  	v19 =	vld [tilespmem:s4+$0x15FF0];
	v11 =	vadd.f32 $0.0e+00, v11;
	v13 =	vmul.f32 v13, v1  }
0x47: {  	v20 =	vadd.f32 v15, v15;
	v14 =	vmax.f32 v16, v14;
	v16 =	vmul.f32 $2.000000030e-01, v18  }
0x48: {  	v11 =	vadd.f32 v13, v11;
	v13 =	vmul.f32 v14, v2;
	v14 =	vld [tilespmem:s4+$0x16000]  }
0x49: {  	v21 =	vadd.f32 v17, v17;
	v43 =	vmul.f32 $2.000000030e-01, v20;
	v16 =	vmax.f32 v18, v16  }
0x4a: {  	v11 =	vadd.f32 v13, v11;
	v13 =	vmul.f32 v16, v3  }
0x4b: {  	v45 =	vadd.f32 v19, v19;
	v44 =	vmul.f32 $2.000000030e-01, v21;
	v16 =	vmax.f32 v20, v43  }
0x4c: {  	v11 =	vadd.f32 v13, v11;
	v13 =	vmul.f32 v16, v4  }
0x4d: {  	v46 =	vmul.f32 $2.000000030e-01, v45;
	v16 =	vmax.f32 v21, v44;
	v47 =	vadd.f32 v14, v14  }
0x4e: {  	v11 =	vadd.f32 v13, v11;
	v13 =	vmul.f32 v16, v5  }
0x4f: {  	v16 =	vmax.f32 v45, v46;
	v48 =	vmul.f32 $2.000000030e-01, v47  }
0x50: {  	v11 =	vadd.f32 v13, v11;
	v13 =	vmul.f32 v16, v6  }
0x51: {  	v16 =	vmax.f32 v47, v48  }
0x52: {  	v11 =	vadd.f32 v13, v11;
	v13 =	vmul.f32 v16, v7;
	_ =	sdelay $0x1  }
0x53: {  	v11 =	vadd.f32 v13, v11;
	_ =	sdelay $0x1  }
0x54: {  	(xrf2) =	vadd.scan.msk.f32 $0xffff, v11;
	_ =	sdelay $0x9  }
0x55: {  	v11, _, _ =	vpop (xrf2)  }
0x56: {  	v11 =	vmul.f32 $1.442695020e+00, v11;
	_ =	sdelay $0x1  }
0x57: {  	v11 =	vbroadcast v11, $0xF;
	_ =	sdelay $0x1  }
0x58: {  	(erf) = vpow2.f32 v11;
	_ =	sdelay $0x8  }
0x59: {  	v11 =	vpop (erf)  }
0x5a: {  	s31 =	simm.s32 $0x197C0;
	v13 =	vmul.f32 v11, v14  }
0x5b: {  	[tilespmem:s31+$0xFFFFFFF0] =	vst v11;
	v8 =	vmul.f32 v11, v8  }
0x5c: {  	v10 =	vmul.f32 v11, v10;
	[tilespmem:s31+$0xFFFFFFE0] =	vst v13  }
0x5d: {  	v12 =	vmul.f32 v11, v12;
	[tilespmem:s31+$0xFFFFFF70] =	vst v8  }
0x5e: {  	v13 =	vmul.f32 v11, v15;
	[tilespmem:s31+$0xFFFFFF90] =	vst v10  }
0x5f: {  	v8 =	vmul.f32 v11, v17;
	[tilespmem:s31+$0xFFFFFFA0] =	vst v12  }
0x60: {  	v10 =	vmul.f32 v11, v19;
	[tilespmem:s31+$0xFFFFFFB0] =	vst v13  }
0x61: {  	[tilespmem:s31+$0xFFFFFFC0] =	vst v8;
	v8 =	vmul.f32 v11, v9  }
0x62: {  	[tilespmem:s31+$0xFFFFFFD0] =	vst v10  }
0x63: {  	[tilespmem:s31+$0xFFFFFF80] =	vst v8  }
0x64: {  	v9 =	vld [tilespmem:s4+$0x16010];
	_ =	sdelay $0x1  }
0x65: {  	v8 =	vld [tilespmem:s4+$0x16020];
	_ =	sdelay $0x1  }
0x66: {  	v10 =	vld [tilespmem:s4+$0x16030]  }
0x67: {  	v13 =	vadd.f32 v9, v9  }
0x68: {  	v11 =	vld [tilespmem:s4+$0x16040]  }
0x69: {  	v14 =	vadd.f32 v8, v8;
	v15 =	vmul.f32 $2.000000030e-01, v13  }
0x6a: {  	v12 =	vld [tilespmem:s4+$0x16050]  }
0x6b: {  	v16 =	vadd.f32 v10, v10;
	v17 =	vmul.f32 $2.000000030e-01, v14;
	v13 =	vmax.f32 v13, v15  }
0x6c: {  	v15 =	vmul.f32 v13, v0;
	v13 =	vld [tilespmem:s4+$0x16060]  }
0x6d: {  	v49 =	vadd.f32 v11, v11;
	v50 =	vmul.f32 $2.000000030e-01, v16;
	v14 =	vmax.f32 v14, v17  }
0x6e: {  	v17 =	vmul.f32 v14, v1;
	v14 =	vld [tilespmem:s4+$0x16070];
	v15 =	vadd.f32 $0.0e+00, v15  }
0x6f: {  	v52 =	vadd.f32 v12, v12;
	v51 =	vmul.f32 $2.000000030e-01, v49;
	v16 =	vmax.f32 v16, v50  }
0x70: {  	v16 =	vmul.f32 v16, v2;
	v17 =	vadd.f32 v17, v15;
	v15 =	vld [tilespmem:s4+$0x16080]  }
0x71: {  	v53 =	vmul.f32 $2.000000030e-01, v52;
	v18 =	vmax.f32 v49, v51;
	v54 =	vadd.f32 v13, v13  }
0x72: {  	v16 =	vadd.f32 v16, v17;
	v17 =	vmul.f32 v18, v3  }
0x73: {  	v55 =	vmax.f32 v52, v53;
	v57 =	vadd.f32 v14, v14;
	v56 =	vmul.f32 $2.000000030e-01, v54  }
0x74: {  	v16 =	vadd.f32 v17, v16;
	v17 =	vmul.f32 v55, v4  }
0x75: {  	v59 =	vmul.f32 $2.000000030e-01, v57;
	v58 =	vmax.f32 v54, v56;
	v60 =	vadd.f32 v15, v15  }
0x76: {  	v16 =	vadd.f32 v17, v16;
	v17 =	vmul.f32 v58, v5  }
0x77: {  	v61 =	vmax.f32 v57, v59;
	v62 =	vmul.f32 $2.000000030e-01, v60  }
0x78: {  	v16 =	vadd.f32 v17, v16;
	v17 =	vmul.f32 v61, v6  }
0x79: {  	v63 =	vmax.f32 v60, v62  }
0x7a: {  	v16 =	vadd.f32 v17, v16;
	v17 =	vmul.f32 v63, v7;
	_ =	sdelay $0x1  }
0x7b: {  	v16 =	vadd.f32 v17, v16;
	_ =	sdelay $0x1  }
0x7c: {  	(xrf2) =	vadd.scan.msk.f32 $0xffff, v16;
	_ =	sdelay $0x9  }
0x7d: {  	v16, _, _ =	vpop (xrf2)  }
0x7e: {  	v16 =	vmul.f32 $1.442695020e+00, v16;
	_ =	sdelay $0x1  }
0x7f: {  	v16 =	vbroadcast v16, $0xF;
	_ =	sdelay $0x1  }
0x80: {  	s29 =	sadd.s32 $0x28, s0;
	s0 =	simm.s32 $0x197C0;
	s2 =	simm.s32 $0x400;
	(erf) = vpow2.f32 v16  }
.LBB2_4:
0x81: {  	_ =	sdelay $0x2  }
0x82: {  	p1 =	sne.s32 s2, $0x4C00  }
0x83: {  	s31 =	sadd.s32 $0x120, s31;
	s4 =	smov.u32 s2;
	s2 =	sadd.s32 $0x400, s2  }
0x84: {  	_ =	sdelay $0x2  }
0x85: {  	v16 =	vpop (erf)  }
0x86: {  	[tilespmem:s0+$0x80] =	vst v16;
	v9 =	vmul.f32 v16, v9;
	v8 =	vmul.f32 v16, v8  }
0x87: {  	v10 =	vmul.f32 v16, v10;
	v11 =	vmul.f32 v16, v11  }
0x88: {  	[tilespmem:s0+$0x0] =	vst v9;
	v9 =	vmul.f32 v16, v12;
	v12 =	vmul.f32 v16, v13  }
0x89: {  	v13 =	vmul.f32 v16, v15;
	[tilespmem:s0+$0x20] =	vst v10;
	v10 =	vmul.f32 v16, v14  }
0x8a: {  	[tilespmem:s0+$0x30] =	vst v11  }
0x8b: {  	[tilespmem:s0+$0x50] =	vst v12  }
0x8c: {  	[tilespmem:s0+$0x70] =	vst v13  }
0x8d: {  	[tilespmem:s0+$0x10] =	vst v8  }
0x8e: {  	[tilespmem:s0+$0x60] =	vst v10  }
0x8f: {  	s4 =	sshra.s32 s4, $0x2;
	[tilespmem:s0+$0x40] =	vst v9;
	s0 =	smov.u32 s31  }
0x90: {  	v8 =	vld [tilespmem:s4+$0x15F90];
	_ =	sdelay $0x1  }
0x91: {  	v9 =	vld [tilespmem:s4+$0x15FA0];
	_ =	sdelay $0x1  }
0x92: {  	v10 =	vld [tilespmem:s4+$0x15FB0]  }
0x93: {  	v11 =	vadd.f32 v8, v8  }
0x94: {  	v12 =	vld [tilespmem:s4+$0x15FC0]  }
0x95: {  	v13 =	vmul.f32 $2.000000030e-01, v11;
	v14 =	vadd.f32 v9, v9  }
0x96: {  	v15 =	vld [tilespmem:s4+$0x15FD0]  }
0x97: {  	v11 =	vmax.f32 v11, v13;
	v13 =	vmul.f32 $2.000000030e-01, v14;
	v16 =	vadd.f32 v10, v10  }
0x98: {  	v11 =	vmul.f32 v11, v0;
	v17 =	vld [tilespmem:s4+$0x15FE0]  }
0x99: {  	v13 =	vmax.f32 v14, v13;
	v14 =	vmul.f32 $2.000000030e-01, v16;
	v18 =	vadd.f32 v12, v12  }
0x9a: {  	v11 =	vadd.f32 $0.0e+00, v11;
	v13 =	vmul.f32 v13, v1;
	v19 =	vld [tilespmem:s4+$0x15FF0]  }
0x9b: {  	v14 =	vmax.f32 v16, v14;
	v16 =	vmul.f32 $2.000000030e-01, v18;
	v20 =	vadd.f32 v15, v15  }
0x9c: {  	v11 =	vadd.f32 v13, v11;
	v13 =	vmul.f32 v14, v2;
	v14 =	vld [tilespmem:s4+$0x16000]  }
0x9d: {  	v16 =	vmax.f32 v18, v16;
	v18 =	vmul.f32 $2.000000030e-01, v20;
	v21 =	vadd.f32 v17, v17  }
0x9e: {  	v11 =	vadd.f32 v13, v11;
	v13 =	vmul.f32 v16, v3  }
0x9f: {  	v16 =	vmax.f32 v20, v18;
	v18 =	vmul.f32 $2.000000030e-01, v21;
	v20 =	vadd.f32 v19, v19  }
0xa0: {  	v11 =	vadd.f32 v13, v11;
	v13 =	vmul.f32 v16, v4  }
0xa1: {  	v16 =	vmax.f32 v21, v18;
	v18 =	vmul.f32 $2.000000030e-01, v20;
	v21 =	vadd.f32 v14, v14  }
0xa2: {  	v11 =	vadd.f32 v13, v11;
	v13 =	vmul.f32 v16, v5  }
0xa3: {  	v16 =	vmax.f32 v20, v18;
	v18 =	vmul.f32 $2.000000030e-01, v21  }
0xa4: {  	v11 =	vadd.f32 v13, v11;
	v13 =	vmul.f32 v16, v6  }
0xa5: {  	v16 =	vmax.f32 v21, v18  }
0xa6: {  	v11 =	vadd.f32 v13, v11;
	v13 =	vmul.f32 v16, v7;
	_ =	sdelay $0x1  }
0xa7: {  	v11 =	vadd.f32 v13, v11;
	_ =	sdelay $0x1  }
0xa8: {  	(xrf2) =	vadd.scan.msk.f32 $0xffff, v11;
	_ =	sdelay $0x9  }
0xa9: {  	v11, _, _ =	vpop (xrf2)  }
0xaa: {  	v11 =	vmul.f32 $1.442695020e+00, v11;
	_ =	sdelay $0x1  }
0xab: {  	v11 =	vbroadcast v11, $0xF;
	_ =	sdelay $0x1  }
0xac: {  	(erf) = vpow2.f32 v11;
	_ =	sdelay $0x8  }
0xad: {  	v11 =	vpop (erf)  }
0xae: {  	[tilespmem:s31+$0xFFFFFFF0] =	vst v11;
	v8 =	vmul.f32 v11, v8;
	v13 =	vmul.f32 v11, v14  }
0xaf: {  	v10 =	vmul.f32 v11, v10;
	v14 =	vmul.f32 v11, v19  }
0xb0: {  	v9 =	vmul.f32 v11, v9;
	v15 =	vmul.f32 v11, v15;
	[tilespmem:s31+$0xFFFFFFE0] =	vst v13  }
0xb1: {  	[tilespmem:s31+$0xFFFFFF70] =	vst v8;
	v8 =	vmul.f32 v11, v12;
	v11 =	vmul.f32 v11, v17  }
0xb2: {  	[tilespmem:s31+$0xFFFFFF90] =	vst v10  }
0xb3: {  	[tilespmem:s31+$0xFFFFFFB0] =	vst v15  }
0xb4: {  	[tilespmem:s31+$0xFFFFFFC0] =	vst v11  }
0xb5: {  	[tilespmem:s31+$0xFFFFFFD0] =	vst v14  }
0xb6: {  	[tilespmem:s31+$0xFFFFFFA0] =	vst v8  }
0xb7: {  	[tilespmem:s31+$0xFFFFFF80] =	vst v9  }
0xb8: {  	v9 =	vld [tilespmem:s4+$0x16010]  }
0xb9: {  	v8 =	vld [tilespmem:s4+$0x16020]  }
0xba: {  	v10 =	vld [tilespmem:s4+$0x16030]  }
0xbb: {  	v11 =	vld [tilespmem:s4+$0x16040];
	_ =	sdelay $0x1  }
0xbc: {  	v13 =	vadd.f32 v9, v9  }
0xbd: {  	v14 =	vadd.f32 v8, v8  }
0xbe: {  	v15 =	vmul.f32 $2.000000030e-01, v13;
	v16 =	vadd.f32 v10, v10  }
0xbf: {  	v17 =	vmul.f32 $2.000000030e-01, v14;
	v18 =	vadd.f32 v11, v11;
	v12 =	vld [tilespmem:s4+$0x16050]  }
0xc0: {  	v13 =	vmax.f32 v13, v15;
	v15 =	vmul.f32 $2.000000030e-01, v16  }
0xc1: {  	v19 =	vmul.f32 v13, v0;
	v14 =	vmax.f32 v14, v17;
	v17 =	vmul.f32 $2.000000030e-01, v18;
	v13 =	vld [tilespmem:s4+$0x16060]  }
0xc2: {  	v15 =	vmax.f32 v16, v15  }
0xc3: {  	v16 =	vadd.f32 $0.0e+00, v19;
	v19 =	vmul.f32 v14, v1;
	v17 =	vmax.f32 v18, v17;
	v14 =	vld [tilespmem:s4+$0x16070]  }
0xc4: {  	v18 =	vadd.f32 v12, v12  }
0xc5: {  	v16 =	vadd.f32 v19, v16;
	v19 =	vmul.f32 v15, v2;
	v15 =	vld [tilespmem:s4+$0x16080]  }
0xc6: {  	v20 =	vmul.f32 $2.000000030e-01, v18;
	v21 =	vadd.f32 v13, v13  }
0xc7: {  	v17 =	vmul.f32 v17, v3;
	v16 =	vadd.f32 v19, v16  }
0xc8: {  	v18 =	vmax.f32 v18, v20;
	v19 =	vmul.f32 $2.000000030e-01, v21;
	v20 =	vadd.f32 v14, v14  }
0xc9: {  	v16 =	vadd.f32 v17, v16;
	v17 =	vmul.f32 v18, v4  }
0xca: {  	v18 =	vmax.f32 v21, v19;
	v19 =	vmul.f32 $2.000000030e-01, v20;
	v21 =	vadd.f32 v15, v15  }
0xcb: {  	v16 =	vadd.f32 v17, v16;
	v17 =	vmul.f32 v18, v5  }
0xcc: {  	v18 =	vmax.f32 v20, v19;
	v19 =	vmul.f32 $2.000000030e-01, v21  }
0xcd: {  	v16 =	vadd.f32 v17, v16;
	v17 =	vmul.f32 v18, v6  }
0xce: {  	v18 =	vmax.f32 v21, v19  }
0xcf: {  	v16 =	vadd.f32 v17, v16;
	v17 =	vmul.f32 v18, v7;
	_ =	sdelay $0x1  }
0xd0: {  	v16 =	vadd.f32 v17, v16;
	_ =	sdelay $0x1  }
0xd1: {  	(xrf2) =	vadd.scan.msk.f32 $0xffff, v16;
	_ =	sdelay $0x9  }
0xd2: {  	v16, _, _ =	vpop (xrf2)  }
.Ltmp0:
0xd3: {  	v16 =	vmul.f32 $1.442695020e+00, v16;
	(pc) =	sbr.rel @p1 .LBB2_4-.Ltmp0, $3  }
0xd4: {  	_ = 	snop  }
0xd5: {  	v16 =	vbroadcast v16, $0xF;
	_ =	sdelay $0x1  }
0xd6: {  	(erf) = vpow2.f32 v16  }
0xd7: {  	_ =	sdelay $0x7  }
0xd8: {  	v16 =	vpop (erf)  }
0xd9: {  	v9 =	vmul.f32 v16, v9  }
0xda: {  	[tilespmem:s0+$0x80] =	vst v16;
	v10 =	vmul.f32 v16, v10  }
0xdb: {  	v11 =	vmul.f32 v16, v11;
	[tilespmem:s0+$0x0] =	vst v9  }
0xdc: {  	v8 =	vmul.f32 v16, v8;
	[tilespmem:s0+$0x20] =	vst v10  }
0xdd: {  	v9 =	vmul.f32 v16, v13;
	[tilespmem:s0+$0x30] =	vst v11  }
0xde: {  	v10 =	vmul.f32 v16, v15;
	[tilespmem:s0+$0x10] =	vst v8  }
0xdf: {  	s2 =	smul.u32 $0x140, s30;
	[tilespmem:s0+$0x50] =	vst v9;
	v9 =	vmul.f32 v16, v14  }
0xe0: {  	[tilespmem:s0+$0x70] =	vst v10;
	v10 =	vmul.f32 v16, v12  }
0xe1: {  	s4 =	sshra.s32 s2, $0x2;
	[tilespmem:s0+$0x60] =	vst v9  }
0xe2: {  	s4 =	sadd.s32 $0x18F60, s4;
	[tilespmem:s0+$0x40] =	vst v10  }
0xe3: {  	[spmem:s3] =	stream.indirect.scatter.add.f32 [tilespmem:s24], [sflag:$0x3], $0x90, s4, s20, $0xb8;
	[tilespmem:$0x1AE30] =	vst v63  }
0xe4: {  	p1 =	seq.s32 s30, $0x18;
	_ =	swait.ge [sflag:s15], $0x1680  }
0xe5: {  	s0 =	sshra.s32 @!p1 s2, $0x2;
	s2 =	simm.s32 @!p1 $0x28;
	[sflag:s15] =	ssyncset.done $0x0  }
0xe6: {  	s0 =	sadd.s32 @!p1 $0x187E0, s0;
	s4 =	simm.s32 @!p1 $0x15F90;
	[sflag:s15] =	ssyncadd.s32 $0xFFFFE980  }
0xe7: {  	[tilespmem:s4], [sflag:$0x1] =	stream.indirect.gather @!p1 [hbm4b:s1+s2], $0x80, s0, s2, $0xb8;
	[tilespmem:$0x1AE30] =	vst v63  }
0xe8: {  	_ =	swait.ge [sflag:s25], $0x1400  }
0xe9: {  	[sflag:s25] =	ssyncset.done $0x0  }
0xea: {  	s4 =	simm.s32 $0x0;
	[sflag:s25] =	ssyncadd.s32 $0xFFFFEC00  }
0xeb: {  	v8 =	vld [tilespmem:s4+$0x17390];
	_ =	sdelay $0x1  }
0xec: {  	v9 =	vld [tilespmem:s4+$0x173A0];
	_ =	sdelay $0x1  }
0xed: {  	v10 =	vld [tilespmem:s4+$0x173B0]  }
0xee: {  	v11 =	vadd.f32 v8, v8  }
0xef: {  	v12 =	vld [tilespmem:s4+$0x173C0]  }
0xf0: {  	v14 =	vadd.f32 v9, v9;
	v13 =	vmul.f32 $2.000000030e-01, v11  }
0xf1: {  	v15 =	vld [tilespmem:s4+$0x173D0]  }
0xf2: {  	v16 =	vadd.f32 v10, v10;
	v11 =	vmax.f32 v11, v13;
	v13 =	vmul.f32 $2.000000030e-01, v14  }
0xf3: {  	v17 =	vld [tilespmem:s4+$0x173E0];
	v11 =	vmul.f32 v11, v0  }
0xf4: {  	v18 =	vadd.f32 v12, v12;
	v13 =	vmax.f32 v14, v13;
	v14 =	vmul.f32 $2.000000030e-01, v16  }
0xf5: {  	v19 =	vld [tilespmem:s4+$0x173F0];
	v11 =	vadd.f32 $0.0e+00, v11;
	v13 =	vmul.f32 v13, v1  }
0xf6: {  	v20 =	vadd.f32 v15, v15;
	v14 =	vmax.f32 v16, v14;
	v16 =	vmul.f32 $2.000000030e-01, v18  }
0xf7: {  	v11 =	vadd.f32 v13, v11;
	v13 =	vmul.f32 v14, v2;
	v14 =	vld [tilespmem:s4+$0x17400]  }
0xf8: {  	v21 =	vadd.f32 v17, v17;
	v43 =	vmul.f32 $2.000000030e-01, v20;
	v16 =	vmax.f32 v18, v16  }
0xf9: {  	v11 =	vadd.f32 v13, v11;
	v13 =	vmul.f32 v16, v3  }
0xfa: {  	v45 =	vadd.f32 v19, v19;
	v44 =	vmul.f32 $2.000000030e-01, v21;
	v16 =	vmax.f32 v20, v43  }
0xfb: {  	v11 =	vadd.f32 v13, v11;
	v13 =	vmul.f32 v16, v4  }
0xfc: {  	v46 =	vmul.f32 $2.000000030e-01, v45;
	v16 =	vmax.f32 v21, v44;
	v47 =	vadd.f32 v14, v14  }
0xfd: {  	v11 =	vadd.f32 v13, v11;
	v13 =	vmul.f32 v16, v5  }
0xfe: {  	v16 =	vmax.f32 v45, v46;
	v48 =	vmul.f32 $2.000000030e-01, v47  }
0xff: {  	v11 =	vadd.f32 v13, v11;
	v13 =	vmul.f32 v16, v6  }
0x100: {  	v16 =	vmax.f32 v47, v48  }
0x101: {  	v11 =	vadd.f32 v13, v11;
	v13 =	vmul.f32 v16, v7;
	_ =	sdelay $0x1  }
0x102: {  	v11 =	vadd.f32 v13, v11;
	_ =	sdelay $0x1  }
0x103: {  	(xrf2) =	vadd.scan.msk.f32 $0xffff, v11;
	_ =	sdelay $0x9  }
0x104: {  	v11, _, _ =	vpop (xrf2)  }
0x105: {  	v11 =	vmul.f32 $1.442695020e+00, v11;
	_ =	sdelay $0x1  }
0x106: {  	v11 =	vbroadcast v11, $0xF;
	_ =	sdelay $0x1  }
0x107: {  	(erf) = vpow2.f32 v11;
	_ =	sdelay $0x8  }
0x108: {  	v11 =	vpop (erf)  }
0x109: {  	s31 =	simm.s32 $0x197C0;
	v13 =	vmul.f32 v11, v14  }
0x10a: {  	[tilespmem:s31+$0xFFFFFFF0] =	vst v11;
	v8 =	vmul.f32 v11, v8  }
0x10b: {  	v10 =	vmul.f32 v11, v10;
	[tilespmem:s31+$0xFFFFFFE0] =	vst v13  }
0x10c: {  	v12 =	vmul.f32 v11, v12;
	[tilespmem:s31+$0xFFFFFF70] =	vst v8  }
0x10d: {  	v13 =	vmul.f32 v11, v15;
	[tilespmem:s31+$0xFFFFFF90] =	vst v10  }
0x10e: {  	v8 =	vmul.f32 v11, v17;
	[tilespmem:s31+$0xFFFFFFA0] =	vst v12  }
0x10f: {  	v10 =	vmul.f32 v11, v19;
	[tilespmem:s31+$0xFFFFFFB0] =	vst v13  }
0x110: {  	[tilespmem:s31+$0xFFFFFFC0] =	vst v8;
	v8 =	vmul.f32 v11, v9  }
0x111: {  	[tilespmem:s31+$0xFFFFFFD0] =	vst v10  }
0x112: {  	[tilespmem:s31+$0xFFFFFF80] =	vst v8  }
0x113: {  	v9 =	vld [tilespmem:s4+$0x17410];
	_ =	sdelay $0x1  }
0x114: {  	v8 =	vld [tilespmem:s4+$0x17420];
	_ =	sdelay $0x1  }
0x115: {  	v10 =	vld [tilespmem:s4+$0x17430]  }
0x116: {  	v13 =	vadd.f32 v9, v9  }
0x117: {  	v11 =	vld [tilespmem:s4+$0x17440]  }
0x118: {  	v14 =	vadd.f32 v8, v8;
	v15 =	vmul.f32 $2.000000030e-01, v13  }
0x119: {  	v12 =	vld [tilespmem:s4+$0x17450]  }
0x11a: {  	v16 =	vadd.f32 v10, v10;
	v17 =	vmul.f32 $2.000000030e-01, v14;
	v13 =	vmax.f32 v13, v15  }
0x11b: {  	v15 =	vmul.f32 v13, v0;
	v13 =	vld [tilespmem:s4+$0x17460]  }
0x11c: {  	v49 =	vadd.f32 v11, v11;
	v50 =	vmul.f32 $2.000000030e-01, v16;
	v14 =	vmax.f32 v14, v17  }
0x11d: {  	v17 =	vmul.f32 v14, v1;
	v14 =	vld [tilespmem:s4+$0x17470];
	v15 =	vadd.f32 $0.0e+00, v15  }
0x11e: {  	v52 =	vadd.f32 v12, v12;
	v51 =	vmul.f32 $2.000000030e-01, v49;
	v16 =	vmax.f32 v16, v50  }
0x11f: {  	v16 =	vmul.f32 v16, v2;
	v17 =	vadd.f32 v17, v15;
	v15 =	vld [tilespmem:s4+$0x17480]  }
0x120: {  	v53 =	vmul.f32 $2.000000030e-01, v52;
	v18 =	vmax.f32 v49, v51;
	v54 =	vadd.f32 v13, v13  }
0x121: {  	v16 =	vadd.f32 v16, v17;
	v17 =	vmul.f32 v18, v3  }
0x122: {  	v55 =	vmax.f32 v52, v53;
	v57 =	vadd.f32 v14, v14;
	v56 =	vmul.f32 $2.000000030e-01, v54  }
0x123: {  	v16 =	vadd.f32 v17, v16;
	v17 =	vmul.f32 v55, v4  }
0x124: {  	v59 =	vmul.f32 $2.000000030e-01, v57;
	v58 =	vmax.f32 v54, v56;
	v60 =	vadd.f32 v15, v15  }
0x125: {  	v16 =	vadd.f32 v17, v16;
	v17 =	vmul.f32 v58, v5  }
0x126: {  	v61 =	vmax.f32 v57, v59;
	v62 =	vmul.f32 $2.000000030e-01, v60  }
0x127: {  	v16 =	vadd.f32 v17, v16;
	v17 =	vmul.f32 v61, v6  }
0x128: {  	v63 =	vmax.f32 v60, v62  }
0x129: {  	v16 =	vadd.f32 v17, v16;
	v17 =	vmul.f32 v63, v7;
	_ =	sdelay $0x1  }
0x12a: {  	v16 =	vadd.f32 v17, v16;
	_ =	sdelay $0x1  }
0x12b: {  	(xrf2) =	vadd.scan.msk.f32 $0xffff, v16;
	_ =	sdelay $0x9  }
0x12c: {  	v16, _, _ =	vpop (xrf2)  }
0x12d: {  	v16 =	vmul.f32 $1.442695020e+00, v16;
	_ =	sdelay $0x1  }
0x12e: {  	v16 =	vbroadcast v16, $0xF;
	_ =	sdelay $0x1  }
0x12f: {  	s30 =	sadd.s32 $0x1, s30;
	s2 =	simm.s32 $0x400;
	s0 =	simm.s32 $0x197C0;
	(erf) = vpow2.f32 v16  }
.LBB2_6:
0x130: {  	_ =	sdelay $0x2  }
0x131: {  	p1 =	sne.s32 s2, $0x4C00  }
0x132: {  	s31 =	sadd.s32 $0x120, s31;
	s4 =	smov.u32 s2;
	s2 =	sadd.s32 $0x400, s2  }
0x133: {  	_ =	sdelay $0x2  }
0x134: {  	v16 =	vpop (erf)  }
0x135: {  	[tilespmem:s0+$0x80] =	vst v16;
	v9 =	vmul.f32 v16, v9;
	v8 =	vmul.f32 v16, v8  }
0x136: {  	v10 =	vmul.f32 v16, v10;
	v11 =	vmul.f32 v16, v11  }
0x137: {  	[tilespmem:s0+$0x0] =	vst v9;
	v9 =	vmul.f32 v16, v12;
	v12 =	vmul.f32 v16, v13  }
0x138: {  	v13 =	vmul.f32 v16, v15;
	[tilespmem:s0+$0x20] =	vst v10;
	v10 =	vmul.f32 v16, v14  }
0x139: {  	[tilespmem:s0+$0x30] =	vst v11  }
0x13a: {  	[tilespmem:s0+$0x50] =	vst v12  }
0x13b: {  	[tilespmem:s0+$0x70] =	vst v13  }
0x13c: {  	[tilespmem:s0+$0x10] =	vst v8  }
0x13d: {  	[tilespmem:s0+$0x60] =	vst v10  }
0x13e: {  	s4 =	sshra.s32 s4, $0x2;
	[tilespmem:s0+$0x40] =	vst v9;
	s0 =	smov.u32 s31  }
0x13f: {  	v8 =	vld [tilespmem:s4+$0x17390];
	_ =	sdelay $0x1  }
0x140: {  	v9 =	vld [tilespmem:s4+$0x173A0];
	_ =	sdelay $0x1  }
0x141: {  	v10 =	vld [tilespmem:s4+$0x173B0]  }
0x142: {  	v11 =	vadd.f32 v8, v8  }
0x143: {  	v12 =	vld [tilespmem:s4+$0x173C0]  }
0x144: {  	v13 =	vmul.f32 $2.000000030e-01, v11;
	v14 =	vadd.f32 v9, v9  }
0x145: {  	v15 =	vld [tilespmem:s4+$0x173D0]  }
0x146: {  	v11 =	vmax.f32 v11, v13;
	v13 =	vmul.f32 $2.000000030e-01, v14;
	v16 =	vadd.f32 v10, v10  }
0x147: {  	v11 =	vmul.f32 v11, v0;
	v17 =	vld [tilespmem:s4+$0x173E0]  }
0x148: {  	v13 =	vmax.f32 v14, v13;
	v14 =	vmul.f32 $2.000000030e-01, v16;
	v18 =	vadd.f32 v12, v12  }
0x149: {  	v11 =	vadd.f32 $0.0e+00, v11;
	v13 =	vmul.f32 v13, v1;
	v19 =	vld [tilespmem:s4+$0x173F0]  }
0x14a: {  	v14 =	vmax.f32 v16, v14;
	v16 =	vmul.f32 $2.000000030e-01, v18;
	v20 =	vadd.f32 v15, v15  }
0x14b: {  	v11 =	vadd.f32 v13, v11;
	v13 =	vmul.f32 v14, v2;
	v14 =	vld [tilespmem:s4+$0x17400]  }
0x14c: {  	v16 =	vmax.f32 v18, v16;
	v18 =	vmul.f32 $2.000000030e-01, v20;
	v21 =	vadd.f32 v17, v17  }
0x14d: {  	v11 =	vadd.f32 v13, v11;
	v13 =	vmul.f32 v16, v3  }
0x14e: {  	v16 =	vmax.f32 v20, v18;
	v18 =	vmul.f32 $2.000000030e-01, v21;
	v20 =	vadd.f32 v19, v19  }
0x14f: {  	v11 =	vadd.f32 v13, v11;
	v13 =	vmul.f32 v16, v4  }
0x150: {  	v16 =	vmax.f32 v21, v18;
	v18 =	vmul.f32 $2.000000030e-01, v20;
	v21 =	vadd.f32 v14, v14  }
0x151: {  	v11 =	vadd.f32 v13, v11;
	v13 =	vmul.f32 v16, v5  }
0x152: {  	v16 =	vmax.f32 v20, v18;
	v18 =	vmul.f32 $2.000000030e-01, v21  }
0x153: {  	v11 =	vadd.f32 v13, v11;
	v13 =	vmul.f32 v16, v6  }
0x154: {  	v16 =	vmax.f32 v21, v18  }
0x155: {  	v11 =	vadd.f32 v13, v11;
	v13 =	vmul.f32 v16, v7;
	_ =	sdelay $0x1  }
0x156: {  	v11 =	vadd.f32 v13, v11;
	_ =	sdelay $0x1  }
0x157: {  	(xrf2) =	vadd.scan.msk.f32 $0xffff, v11;
	_ =	sdelay $0x9  }
0x158: {  	v11, _, _ =	vpop (xrf2)  }
0x159: {  	v11 =	vmul.f32 $1.442695020e+00, v11;
	_ =	sdelay $0x1  }
0x15a: {  	v11 =	vbroadcast v11, $0xF;
	_ =	sdelay $0x1  }
0x15b: {  	(erf) = vpow2.f32 v11;
	_ =	sdelay $0x8  }
0x15c: {  	v11 =	vpop (erf)  }
0x15d: {  	[tilespmem:s31+$0xFFFFFFF0] =	vst v11;
	v8 =	vmul.f32 v11, v8;
	v13 =	vmul.f32 v11, v14  }
0x15e: {  	v10 =	vmul.f32 v11, v10;
	v14 =	vmul.f32 v11, v19  }
0x15f: {  	v9 =	vmul.f32 v11, v9;
	v15 =	vmul.f32 v11, v15;
	[tilespmem:s31+$0xFFFFFFE0] =	vst v13  }
0x160: {  	[tilespmem:s31+$0xFFFFFF70] =	vst v8;
	v8 =	vmul.f32 v11, v12;
	v11 =	vmul.f32 v11, v17  }
0x161: {  	[tilespmem:s31+$0xFFFFFF90] =	vst v10  }
0x162: {  	[tilespmem:s31+$0xFFFFFFB0] =	vst v15  }
0x163: {  	[tilespmem:s31+$0xFFFFFFC0] =	vst v11  }
0x164: {  	[tilespmem:s31+$0xFFFFFFD0] =	vst v14  }
0x165: {  	[tilespmem:s31+$0xFFFFFFA0] =	vst v8  }
0x166: {  	[tilespmem:s31+$0xFFFFFF80] =	vst v9  }
0x167: {  	v9 =	vld [tilespmem:s4+$0x17410]  }
0x168: {  	v8 =	vld [tilespmem:s4+$0x17420]  }
0x169: {  	v10 =	vld [tilespmem:s4+$0x17430]  }
0x16a: {  	v11 =	vld [tilespmem:s4+$0x17440];
	_ =	sdelay $0x1  }
0x16b: {  	v13 =	vadd.f32 v9, v9  }
0x16c: {  	v14 =	vadd.f32 v8, v8  }
0x16d: {  	v15 =	vmul.f32 $2.000000030e-01, v13;
	v16 =	vadd.f32 v10, v10  }
0x16e: {  	v17 =	vmul.f32 $2.000000030e-01, v14;
	v18 =	vadd.f32 v11, v11;
	v12 =	vld [tilespmem:s4+$0x17450]  }
0x16f: {  	v13 =	vmax.f32 v13, v15;
	v15 =	vmul.f32 $2.000000030e-01, v16  }
0x170: {  	v19 =	vmul.f32 v13, v0;
	v14 =	vmax.f32 v14, v17;
	v17 =	vmul.f32 $2.000000030e-01, v18;
	v13 =	vld [tilespmem:s4+$0x17460]  }
0x171: {  	v15 =	vmax.f32 v16, v15  }
0x172: {  	v16 =	vadd.f32 $0.0e+00, v19;
	v19 =	vmul.f32 v14, v1;
	v17 =	vmax.f32 v18, v17;
	v14 =	vld [tilespmem:s4+$0x17470]  }
0x173: {  	v18 =	vadd.f32 v12, v12  }
0x174: {  	v16 =	vadd.f32 v19, v16;
	v19 =	vmul.f32 v15, v2;
	v15 =	vld [tilespmem:s4+$0x17480]  }
0x175: {  	v20 =	vmul.f32 $2.000000030e-01, v18;
	v21 =	vadd.f32 v13, v13  }
0x176: {  	v17 =	vmul.f32 v17, v3;
	v16 =	vadd.f32 v19, v16  }
0x177: {  	v18 =	vmax.f32 v18, v20;
	v19 =	vmul.f32 $2.000000030e-01, v21;
	v20 =	vadd.f32 v14, v14  }
0x178: {  	v16 =	vadd.f32 v17, v16;
	v17 =	vmul.f32 v18, v4  }
0x179: {  	v18 =	vmax.f32 v21, v19;
	v19 =	vmul.f32 $2.000000030e-01, v20;
	v21 =	vadd.f32 v15, v15  }
0x17a: {  	v16 =	vadd.f32 v17, v16;
	v17 =	vmul.f32 v18, v5  }
0x17b: {  	v18 =	vmax.f32 v20, v19;
	v19 =	vmul.f32 $2.000000030e-01, v21  }
0x17c: {  	v16 =	vadd.f32 v17, v16;
	v17 =	vmul.f32 v18, v6  }
0x17d: {  	v18 =	vmax.f32 v21, v19  }
0x17e: {  	v16 =	vadd.f32 v17, v16;
	v17 =	vmul.f32 v18, v7;
	_ =	sdelay $0x1  }
0x17f: {  	v16 =	vadd.f32 v17, v16;
	_ =	sdelay $0x1  }
0x180: {  	(xrf2) =	vadd.scan.msk.f32 $0xffff, v16;
	_ =	sdelay $0x9  }
0x181: {  	v16, _, _ =	vpop (xrf2)  }
.Ltmp1:
0x182: {  	v16 =	vmul.f32 $1.442695020e+00, v16;
	(pc) =	sbr.rel @p1 .LBB2_6-.Ltmp1, $3  }
0x183: {  	_ = 	snop  }
0x184: {  	v16 =	vbroadcast v16, $0xF;
	_ =	sdelay $0x1  }
0x185: {  	(erf) = vpow2.f32 v16  }
0x186: {  	_ =	sdelay $0x7  }
0x187: {  	v16 =	vpop (erf)  }
0x188: {  	v9 =	vmul.f32 v16, v9  }
0x189: {  	[tilespmem:s0+$0x80] =	vst v16;
	v10 =	vmul.f32 v16, v10  }
0x18a: {  	v11 =	vmul.f32 v16, v11;
	[tilespmem:s0+$0x0] =	vst v9  }
0x18b: {  	v60 =	vmul.f32 v16, v13;
	[tilespmem:s0+$0x20] =	vst v10  }
0x18c: {  	v61 =	vmul.f32 v16, v15;
	[tilespmem:s0+$0x30] =	vst v11  }
0x18d: {  	v8 =	vmul.f32 v16, v8;
	[tilespmem:s0+$0x50] =	vst v60  }
0x18e: {  	v62 =	vmul.f32 v16, v14;
	[tilespmem:s0+$0x70] =	vst v61  }
0x18f: {  	v63 =	vmul.f32 v16, v12;
	[tilespmem:s0+$0x10] =	vst v8  }
0x190: {  	p1 =	sne.s32 s30, $0x19;
	[tilespmem:s0+$0x60] =	vst v62  }
.Ltmp2:
0x191: {  	s31 =	sadd.s32 $0x18F60, s29;
	[tilespmem:s0+$0x40] =	vst v63;
	(pc) =	sbr.rel @p1 .LBB2_3-.Ltmp2, $4  }
0x192: {  	[spmem:s3] =	stream.indirect.scatter.add.f32 [tilespmem:s24], [sflag:$0x3], $0x90, s31, s20, $0xb8;
	[tilespmem:$0x1AE30] =	vst v63  }
0x193: {  	_ =	swait.ge [sflag:s15], $0x1680  }
0x194: {  	[sflag:s15] =	ssyncset.done $0x0  }
0x195: {  	[sflag:s15] =	ssyncadd.s32 $0xFFFFE980  }
0x196: {  	s28 =	sadd.s32 $0x1, s28  }
0x197: {  	p1 =	sne.s32 s28, $0x5  }
.Ltmp3:
0x198: {  	_ = 	snop;
	(pc) =	sbr.rel @p1 .LBB2_2-.Ltmp3, $1  }
0x199: {  	_ =	sdelay $0x3  }
0x19a: {  	[bflag:$0x0] =	sbarrier.arrive $0xFFFF  }
0x19b: {  	[hbm:s11], [sflag:s8] =	dma.local [spmem:s14], $0x2BE0  }
0x19c: {  	s26 =	sadd.s32 $0x1, s26;
	_ =	swait.ge [sflag:s15], $0x2BE0  }
0x19d: {  	p1 =	sne.s32 s26, s13;
	[sflag:s15] =	ssyncset.done $0x0  }
.Ltmp4:
0x19e: {  	s0 =	simm.s32 @!p0 $0x3;
	[sflag:s15] =	ssyncadd.s32 $0xFFFFD420;
	(pc) =	sbr.rel @p1 .LBB2_1-.Ltmp4, $4  }
0x19f: {  	[hbm:s12], [sflag:s8] =	dma.local @!p0 [spmem:s16], $0x120  }
0x1a0: {  	_ =	swait.ge @!p0 [sflag:s0], $0x120  }
0x1a1: {  	[sflag:s0] =	ssyncset.done @!p0 $0x0  }
0x1a2: {  	[sflag:s0] =	ssyncadd.s32 @!p0 $0xFFFFFEE0  }
0x1a3: {  	_ =	sfence.sel $0x180000  }
0x1a4: {  	[bflag:$0x0] =	sbarrier.arrive $0xFFFF  }
0x1a5: {  	_ =	strace $0x9000004A  }
0x1a6: {  	[bflag:$0x2] =	sbarrier.arrive $0xFFFF  }
0x1a7: {  	s0 =	rddreg [dreg:$0x4]  }
0x1a8: {  	s0 =	sadd.s32 @!p0 $0x100000, s0  }
0x1a9: {  	[sflag:s0] =	ssyncadd.tile.s32 @!p0 $0x1;
	_ =	shalt  }
.Lfunc_end2:
_tile_overlayer_lowered:
.L_overlay_start_2:
0x1aa: {  	(tag) =	ssettag $0x2  }
0x1ab: {  	s0 =	rddreg [dreg:$0x0];
	s2 =	stileid.u32  }
0x1ac: {  	s1 =	rddreg [dreg:$0x1];
	p0 =	sne.s32 s2, $0x0  }
0x1ad: {  	s3 =	rddreg [dreg:$0x2];
	[bflag:$0x3] =	sbarrier.arrive $0xFFFF;
	s2 =	simm.s32 @!p0 $0x1C03  }
0x1ae: {  	[timem:s3], [sflag:s2] =	dma.local @!p0 [hbm:s0], s1  }
0x1af: {  	s0 =	simm.s32 @!p0 $0x3  }
0x1b0: {  	_ =	swait.ge @!p0 [sflag:s0], s1  }
0x1b1: {  	s1 =	ssub.s32 @!p0 $0x0, s1;
	[sflag:s0] =	ssyncset.done @!p0 $0x0  }
0x1b2: {  	[sflag:s0] =	ssyncadd.s32 @!p0 s1  }
0x1b3: {  	[bflag:$0x3] =	sbarrier.arrive $0xFFFF  }
0x1b4: {  	_ =	shalt  }

// kernel: kernel.8.cloned.1.call-start
scs
__scs_entry_jumppad:
0x0: {  	(pc) =	sbr.rel $0x88, $3  }
0x1: {  	(tag) =	ssettag $0x0;
	lr =	simm.s32 $0x1  }
0x2: {  	[smem:$0x3F95] =	sst lr;
	_ =	strace $0xD0000000  }
0x3: {  	_ = 	snop  }
0x4: {  	_ = 	snop  }
0x5: {  	_ = 	snop  }
0x6: {  	_ = 	snop  }
0x7: {  	_ = 	snop  }
__scs_overlays_trampoline_lowered:
0x8: {  	[smem:$0x3FA4] =	sst s0  }
0x9: {  	[smem:$0x3FA5] =	sst s1  }
0xa: {  	[smem:$0x3FA6] =	sst s2  }
0xb: {  	[smem:$0x3FA7] =	sst s3  }
0xc: {  	[smem:$0x3FA8] =	sst s4  }
0xd: {  	[smem:$0x3FA9] =	sst s5  }
0xe: {  	[smem:$0x3FAA] =	sst s6  }
0xf: {  	[smem:$0x3FAB] =	sst s7  }
0x10: {  	[smem:$0x3FAC] =	sst s8  }
0x11: {  	[smem:$0x3FAD] =	sst s9;
	s0 =	simm.s32 @!p0 $0x0  }
0x12: {  	s1 =	sld [smem:$0x3F93];
	s0 =	simm.s32 @p0 $0x1  }
0x13: {  	[smem:$0x3FAE] =	sst s0;
	s0 =	simm.s32 @!p1 $0x0  }
0x14: {  	s2 =	sld [smem:$0x3F92];
	s0 =	simm.s32 @p1 $0x1  }
0x15: {  	[smem:$0x3FAF] =	sst s0;
	s0 =	simm.s32 @!p2 $0x0  }
0x16: {  	s3 =	sld [smem:$0x3FDB];
	s0 =	simm.s32 @p2 $0x1  }
0x17: {  	s4 =	simm.s32 $0x1BF5;
	[smem:$0x3FB1] =	sst s0  }
0x18: {  	s0 =	sld [smem:$0x3F94];
	_ =	swait.ge [sflag:s4], $0x0  }
0x19: {  	s7 =	sld [smem:$0x3F95]  }
0x1a: {  	s8 =	sadd.s32 $0xFFFFE003, lr  }
0x1b: {  	s9 =	sadd.s32 $0xFFFFFEF7, lr;
	s5 =	simm.s32 $0xFFFFFFFF;
	p2 =	slt.u32 s8, $0xFFFFF086  }
0x1c: {  	p1 =	slt.u32 s9, $0xF7A;
	s5 =	simm.s32 @!p2 $0x0  }
0x1d: {  	s5 =	simm.s32 @p1 $0x1;
	p0 =	seq.s32 s7, s2  }
0x1e: {  	s7 =	smul.u32 @!p0 $0xF7A, s2;
	p2 =	seq.s32 @!p0 s5, $0x0  }
0x1f: {  	s9 =	smul.u32 $0xF7A, s1;
	s8 =	simm.s32 @!p0 $0x1BF5;
	p2 =	por !p2, p0  }
0x20: {  	[sflag:s8] =	ssyncset.s32 @!p0 $0xFFFFF086;
	s6 =	sadd.s32 @!p0 s3, s7;
	s7 =	simm.s32 @!p0 $0x108  }
0x21: {  	s3 =	sadd.s32 s3, s9;
	s6 =	sadd.s32 @!p0 $0x88, s6;
	s7 =	simm.s32 @p2 $0x1082  }
0x22: {  	[simem:s7], [sflag:s8] =	dma.local @!p0 [hbm:s6], $0xF7A  }
0x23: {  	s9 =	sor.u32 $0xD0000000, s2;
	s6 =	simm.s32 $0x108;
	_ =	swait.ge @!p0 [sflag:s8], $0x0  }
0x24: {  	s3 =	sadd.s32 $0x88, s3;
	s6 =	simm.s32 @!p1 $0x1082;
	[sflag:s4] =	ssyncset.s32 $0xFFFFF086  }
0x25: {  	[simem:s6], [sflag:s4] =	dma.local [hbm:s3], $0xF7A  }
0x26: {  	[smem:$0x3F95] =	sst s1;
	(tag) =	ssettag s2;
	_ =	strace s9  }
0x27: {  	s1 =	sld [smem:$0x3FA5]  }
0x28: {  	s2 =	sld [smem:$0x3FA6]  }
0x29: {  	s4 =	sld [smem:$0x3FA8]  }
0x2a: {  	p0 =	seq.s32 s5, $0x0;
	s5 =	sld [smem:$0x3FA9]  }
0x2b: {  	s6 =	sld [smem:$0x3FAA]  }
0x2c: {  	s7 =	sld [smem:$0x3FAB]  }
0x2d: {  	s3 =	simm.s32 $0x108;
	s8 =	sld [smem:$0x3FAC]  }
0x2e: {  	s3 =	simm.s32 @!p0 $0x1082;
	s9 =	sld [smem:$0x3FAD]  }
0x2f: {  	lr =	sadd.s32 s0, s3;
	s0 =	sld [smem:$0x3FA4]  }
0x30: {  	s3 =	sld [smem:$0x3FA7]  }
0x31: {  	[smem:$0x3FB0] =	sst s10  }
0x32: {  	s10 =	sld [smem:$0x3FAE];
	_ =	sdelay $0x3  }
0x33: {  	p0 =	seq.s32 s10, $0x1;
	s10 =	sld [smem:$0x3FB0];
	_ =	sdelay $0x3  }
0x34: {  	[smem:$0x3FB0] =	sst s10  }
0x35: {  	s10 =	sld [smem:$0x3FAF];
	_ =	sdelay $0x3  }
0x36: {  	p1 =	seq.s32 s10, $0x1;
	s10 =	sld [smem:$0x3FB0];
	_ =	sdelay $0x3  }
0x37: {  	[smem:$0x3FB0] =	sst s10  }
0x38: {  	s10 =	sld [smem:$0x3FB1]  }
0x39: {  	_ = 	snop;
	(pc) =	sbr.ind lr, $3  }
0x3a: {  	_ = 	snop  }
0x3b: {  	_ = 	snop  }
0x3c: {  	p2 =	seq.s32 s10, $0x1;
	s10 =	sld [smem:$0x3FB0]  }
0x3d: {  	_ =	shalt  }
0x3e: {  	_ =	shalt  }
0x3f: {  	_ =	shalt  }
0x40: {  	_ =	shalt  }
0x41: {  	_ =	shalt  }
0x42: {  	_ =	shalt  }
0x43: {  	_ =	shalt  }
0x44: {  	_ =	shalt  }
0x45: {  	_ =	shalt  }
0x46: {  	_ =	shalt  }
0x47: {  	_ =	shalt  }
0x48: {  	_ =	shalt  }
0x49: {  	_ =	shalt  }
0x4a: {  	_ =	shalt  }
0x4b: {  	_ =	shalt  }
0x4c: {  	_ =	shalt  }
0x4d: {  	_ =	shalt  }
0x4e: {  	_ =	shalt  }
0x4f: {  	_ =	shalt  }
0x50: {  	_ =	shalt  }
0x51: {  	_ =	shalt  }
0x52: {  	_ =	shalt  }
0x53: {  	_ =	shalt  }
0x54: {  	_ =	shalt  }
0x55: {  	_ =	shalt  }
0x56: {  	_ =	shalt  }
0x57: {  	_ =	shalt  }
0x58: {  	_ =	shalt  }
0x59: {  	_ =	shalt  }
0x5a: {  	_ =	shalt  }
0x5b: {  	_ =	shalt  }
0x5c: {  	_ =	shalt  }
0x5d: {  	_ =	shalt  }
0x5e: {  	_ =	shalt  }
0x5f: {  	_ =	shalt  }
0x60: {  	_ =	shalt  }
0x61: {  	_ =	shalt  }
0x62: {  	_ =	shalt  }
0x63: {  	_ =	shalt  }
0x64: {  	_ =	shalt  }
0x65: {  	_ =	shalt  }
0x66: {  	_ =	shalt  }
0x67: {  	_ =	shalt  }
0x68: {  	_ =	shalt  }
0x69: {  	_ =	shalt  }
0x6a: {  	_ =	shalt  }
0x6b: {  	_ =	shalt  }
0x6c: {  	_ =	shalt  }
0x6d: {  	_ =	shalt  }
0x6e: {  	_ =	shalt  }
0x6f: {  	_ =	shalt  }
0x70: {  	_ =	shalt  }
0x71: {  	_ =	shalt  }
0x72: {  	_ =	shalt  }
0x73: {  	_ =	shalt  }
0x74: {  	_ =	shalt  }
0x75: {  	_ =	shalt  }
0x76: {  	_ =	shalt  }
0x77: {  	_ =	shalt  }
0x78: {  	_ =	shalt  }
0x79: {  	_ =	shalt  }
0x7a: {  	_ =	shalt  }
0x7b: {  	_ =	shalt  }
0x7c: {  	_ =	shalt  }
0x7d: {  	_ =	shalt  }
0x7e: {  	_ =	shalt  }
0x7f: {  	_ =	shalt  }
0x80: {  	_ =	shalt  }
0x81: {  	_ =	shalt  }
0x82: {  	_ =	shalt  }
0x83: {  	_ =	shalt  }
0x84: {  	_ =	shalt  }
0x85: {  	_ =	shalt  }
0x86: {  	_ =	shalt  }
0x87: {  	_ =	shalt  }
.Lfunc_end0:
.L_simem_size_0:
called_computation_lowered:
.L_overlay_start_0:
0x88: {  	s2 =	sld [smem:$0x3FD9]  }
0x89: {  	s3 =	sld [smem:$0x3FFE];
	_ =	sdelay $0x1  }
0x8a: {  	s1 =	srdreg.scid  }
0x8b: {  	s0 =	sand.u32 $0x1, s1  }
0x8c: {  	s17 =	sshll.u32 s0, $0xA;
	s2 =	sadd.s32 s3, s2  }
0x8d: {  	s2 =	sadd.s32 s2, s17  }
0x8e: {  	[smem:$0x3FBC] =	sst s2  }
0x8f: {  	_ = 	snop  }
0x90: {  	s2 =	sld [smem:$0x3FC3]  }
0x91: {  	s18 =	sld [smem:$0x3FD0];
	(tm) =	ssettm $0x1  }
0x92: {  	s4 =	sld [smem:$0x3FFB];
	_ =	sdelay $0x3  }
0x93: {  	_ =	strace s4  }
0x94: {  	s4 =	sld [smem:$0x3FFC];
	_ =	sdelay $0x3  }
0x95: {  	_ =	strace s4  }
0x96: {  	s4 =	sld [smem:$0x3FFD];
	_ =	sdelay $0x3  }
0x97: {  	_ =	strace s4  }
0x98: {  	_ =	strace $0x8FFFFFFF  }
0x99: {  	s19 =	sld [smem:$0x3FDB];
	_ =	sdelay $0x1  }
0x9a: {  	s5 =	simm.s32 $_scs_section_size  }
0x9b: {  	s6 =	simm.s32 $_size__tile_overlayer_lowered;
	s7 =	simm.s32 $_tile_overlayer_lowered  }
0x9c: {  	s22 =	simm.s32 $0x1BFF;
	s21 =	sshll.u32 s7, $0x1;
	s4 =	sadd.s32 s5, s19  }
0x9d: {  	s8 =	simm.s32 $0x0;
	s20 =	sshll.u32 s6, $0x1;
	s6 =	sadd.s32 s21, s4  }
0x9e: {  	[timem:s8], [sflag:s22] =	dma.local [hbm:s6], s20  }
0x9f: {  	_ =	swait.ge [sflag:s22], s20  }
0xa0: {  	s5 =	ssub.s32 $0x0, s20;
	[sflag:s22] =	ssyncset.done $0x0  }
0xa1: {  	[sflag:s22] =	ssyncadd.s32 s5;
	_ =	sdelay $0x1  }
0xa2: {  	s23 =	simm.s32 $0x1B8B  }
0xa3: {  	_ =	swait.ge [sflag:s23], $0x1  }
0xa4: {  	[sflag:s23] =	ssyncset.done $0x0  }
0xa5: {  	s25 =	simm.s32 $0x1B8E;
	s24 =	sld [smem:$0x3FFE];
	[sflag:s23] =	ssyncadd.s32 $0xFFFFFFFF  }
0xa6: {  	s26 =	simm.s32 $execute0_lowered;
	[smem:$0x3FD2] =	sst s25  }
0xa7: {  	s6 =	sshll.u32 s26, $0x1;
	_ =	strace $0x80000046;
	[dreg:$0x1] =	wrdreg $0xFFFFFFFF  }
0xa8: {  	s28 =	simm.s32 $_size_execute0_lowered;
	s4 =	sadd.s32 s4, s6;
	[dreg:$0x0] =	wrdreg $0x0  }
0xa9: {  	s6 =	sshll.u32 s28, $0x1;
	[dreg:$0x2] =	wrdreg s4  }
0xaa: {  	[dreg:$0x3] =	wrdreg s6  }
0xab: {  	[dreg:$0x4] =	wrdreg $0xC0  }
0xac: {  	_ =	task [dreg:s8], $0x5FFFF  }
0xad: {  	[dreg:$0x1] =	wrdreg $0xFFFFFFFF  }
0xae: {  	[dreg:$0x0] =	wrdreg $0x60  }
0xaf: {  	[dreg:$0x2] =	wrdreg s18  }
0xb0: {  	[dreg:$0x3] =	wrdreg s24  }
0xb1: {  	[dreg:$0x4] =	wrdreg s2  }
0xb2: {  	[dreg:$0x5] =	wrdreg $0x0  }
0xb3: {  	[dreg:$0x6] =	wrdreg $0x9  }
0xb4: {  	_ =	task.clear_ibuf [dreg:s8], $0x7FFFF;
	_ =	strace $0x90000046  }
0xb5: {  	s29 =	simm.s32 $0x9;
	_ =	strace $0x80000048  }
0xb6: {  	_ =	swait.ge [sflag:s29], $0x1  }
0xb7: {  	[sflag:s29] =	ssyncadd.s32 $0xFFFFFFFF  }
0xb8: {  	_ =	strace $0x90000048  }
0xb9: {  	_ =	sfence  }
0xba: {  	s30 =	sld [smem:$0x0];
	_ =	sdelay $0x2  }
0xbb: {  	s31 =	sshll.u32 s1, $0xD;
	s1 =	sshrl.u32 s1, $0x2  }
0xbc: {  	s3 =	sand.u32 $0x4000, s31;
	s1 =	sadd.s32 s1, s30  }
0xbd: {  	s0 =	sor.u32 s3, s0;
	s1 =	sshll.u32 s1, $0x11  }
0xbe: {  	s0 =	sor.u32 s1, s0  }
0xbf: {  	s0 =	sadd.s32 $0x8F2B, s0  }
0xc0: {  	[sflag:s0] =	ssyncadd.remote.s32 $0x1  }
0xc1: {  	_ =	sfence.sel $0xFFFF  }
0xc2: {  	[dreg:$0x0] =	wrdreg $0xFFFFFFFF;
	(pc) =	sbr.abs _section_cstart, $3  }
0xc3: {  	[dreg:$0x1] =	wrdreg $0xFFFFFFFF  }
0xc4: {  	_ =	task.clear_ibuf [dreg:s8], $0x2FFFF;
	_ =	strace $0x9FFFFFFF  }
0xc5: {  	(tm) =	ssettm $0x7FFFFFFF  }
tec
execute0_lowered:
.L_overlay_start_1:
0x0: {  	(tag) =	ssettag $0x1  }
0x1: {  	s1 =	rddreg [dreg:$0x0]  }
0x2: {  	s0 =	rddreg [dreg:$0x1]  }
0x3: {  	s3 =	rddreg [dreg:$0x3];
	s4 =	simm.s32 $0x0;
	s2 =	stileid.u32  }
0x4: {  	s7 =	srdreg.scid;
	s16 =	simm.s32 $0x3;
	s19 =	simm.s32 $0x1AF90  }
0x5: {  	s28 =	simm.s32 $0x1BF30;
	s29 =	simm.s32 $0x2;
	s30 =	simm.s32 $0x0  }
0x6: {  	[smem:$0x7FF] =	sst s4;
	s20 =	smul.u32 $0x15F00, s2;
	s5 =	sadd.s32 $0x4F8000, s0  }
0x7: {  	s6 =	sadd.s32 $0x4EE200, s0;
	s9 =	sand.u32 $0x1, s7;
	s7 =	sadd.s32 $0x4E4400, s0  }
0x8: {  	s12 =	sadd.s32 $0x55600, s0;
	s23 =	sshll.u32 s2, $0x6;
	p0 =	sne.s32 s2, $0x0  }
0x9: {  	_ =	strace $0x80000047;
	s10 =	ssub.s32 $0x2, s9;
	s13 =	sshll.u32 s9, $0x4  }
0xa: {  	s22 =	smul.u32 $0x15F900, s9;
	s9 =	sor.u32 $0x1C03, s23;
	s23 =	simm.s32 $0x17390  }
0xb: {  	s8 =	sshrl.u32 s20, $0x3;
	s11 =	sshrl.u32 s10, $0x1;
	s21 =	sor.u32 s2, s13  }
0xc: {  	s14 =	sadd.s32 s20, s3;
	s8 =	sadd.s32 s8, s0;
	s10 =	ssub.s32 s10, s11  }
0xd: {  	s4 =	sadd.s32 s20, s22;
	s0 =	sadd.s32 $0x55400, s0;
	s25 =	sshrl.u32 s22, $0x3  }
0xe: {  	s11 =	smul.u32 $0xFA, s21;
	s15 =	sshrl.u32 s14, $0x3;
	s20 =	simm.s32 $0x1B760  }
0xf: {  	s21 =	simm.s32 $0x28;
	s22 =	simm.s32 $0x15F90;
	s8 =	sadd.s32 $0x29600, s8  }
0x10: {  	[dreg:$0x6] =	wrdreg s0;
	s24 =	sshrl.u32 s4, $0x3;
	s26 =	sadd.s32 s12, s25  }
0x11: {  	s31 =	smax.u32 s10, $0x1;
	s25 =	simm.s32 $0x19B90;
	[dreg:$0x5] =	wrdreg s8  }
0x12: {  	s8 =	sadd.s32 $0x15F000, s3;
	s0 =	sadd.s32 s12, s24;
	[dreg:$0x9] =	wrdreg s31  }
0x13: {  	s24 =	simm.s32 $0x18790;
	[dreg:$0x7] =	wrdreg s0;
	s0 =	sadd.s32 $0x2BE00, s26  }
0x14: {  	s17 =	sshrl.u32 @!p0 s8, $0x3;
	s26 =	simm.s32 $0x1;
	[dreg:$0x8] =	wrdreg s0  }
.LBB2_1:
0x15: {  	s0 =	rddreg [dreg:$0x5]  }
0x16: {  	[spmem:s15], [sflag:s9] =	dma.local [hbm:s0], $0x2BE0  }
0x17: {  	_ =	swait.ge [sflag:s16], $0x2BE0  }
0x18: {  	[sflag:s16] =	ssyncset.done $0x0  }
0x19: {  	s0 =	rddreg [dreg:$0x6];
	[sflag:s16] =	ssyncadd.s32 $0xFFFFD420  }
0x1a: {  	[spmem:s17], [sflag:s9] =	dma.local @!p0 [hbm:s0], $0x120  }
0x1b: {  	s0 =	simm.s32 @!p0 $0x3  }
0x1c: {  	_ =	swait.ge @!p0 [sflag:s0], $0x120  }
0x1d: {  	[sflag:s0] =	ssyncset.done @!p0 $0x0  }
0x1e: {  	[sflag:s0] =	ssyncadd.s32 @!p0 $0xFFFFFEE0  }
0x1f: {  	s2 =	simm.s32 $0x0;
	s4 =	simm.s32 $0x1D5B0;
	s0 =	rddreg [dreg:$0x2]  }
0x20: {  	[tilespmem:s4], [sflag:$0x3] =	stream.linear.gather [hbm4b:s0+s2], $0x80, $0x38;
	[tilespmem:$0x1D630] =	vst v63  }
0x21: {  	_ =	swait.ge [sflag:s16], $0x80  }
0x22: {  	[sflag:s16] =	ssyncset.done $0x0  }
0x23: {  	[sflag:s16] =	ssyncadd.s32 $0xFFFFFF80  }
0x24: {  	[bflag:$0x0] =	sbarrier.arrive $0xFFFF  }
0x25: {  	v0 =	vld [tilespmem:$0x1D5B0]  }
0x26: {  	v1 =	vld [tilespmem:$0x1D5C0]  }
0x27: {  	v2 =	vld [tilespmem:$0x1D5D0]  }
0x28: {  	v3 =	vld [tilespmem:$0x1D5E0]  }
0x29: {  	v4 =	vld [tilespmem:$0x1D5F0]  }
0x2a: {  	v5 =	vld [tilespmem:$0x1D600]  }
0x2b: {  	v6 =	vld [tilespmem:$0x1D610]  }
0x2c: {  	s31 =	simm.s32 $0x0;
	v7 =	vld [tilespmem:$0x1D620]  }
.LBB2_2:
0x2d: {  	s0 =	smul.u32 $0x32, s31;
	_ =	sdelay $0x1  }
0x2e: {  	s4 =	sadd.s32 s11, s0  }
0x2f: {  	s0 =	smul.u32 $0x28, s4;
	_ =	sdelay $0x1  }
0x30: {  	s8 =	sshrl.u32 s0, $0x3  }
0x31: {  	s2 =	simm.s32 $0x0;
	s10 =	sadd.s32 s6, s8  }
0x32: {  	[tilespmem:s19], [sflag:$0x3] =	stream.linear.gather [hbm4b:s10+s2], $0x7D0, $0x38;
	[tilespmem:$0x1D630] =	vst v63  }
0x33: {  	_ =	swait.ge [sflag:s16], $0x7D0  }
0x34: {  	[sflag:s16] =	ssyncset.done $0x0  }
0x35: {  	s8 =	sadd.s32 s7, s8;
	[sflag:s16] =	ssyncadd.s32 $0xFFFFF830  }
0x36: {  	[tilespmem:s20], [sflag:$0x3] =	stream.linear.gather [hbm4b:s8+s2], $0x7D0, $0x38;
	[tilespmem:$0x1D630] =	vst v63  }
0x37: {  	_ =	swait.ge [sflag:s16], $0x7D0  }
0x38: {  	[sflag:s16] =	ssyncset.done $0x0  }
0x39: {  	s4 =	smul.u32 $0x280, s4;
	[sflag:s16] =	ssyncadd.s32 $0xFFFFF830  }
0x3a: {  	[tilespmem:s22], [sflag:$0x1] =	stream.indirect.gather [hbm4b:s1+s21], $0x80, s19, s21, $0xb8;
	[tilespmem:$0x1D630] =	vst v63  }
0x3b: {  	s18 =	simm.s32 $0x0;
	s4 =	sadd.s32 s5, s4  }
0x3c: {  	[tilespmem:s23], [sflag:$0x1] =	stream.linear.gather [hbm4b:s4+s2], $0x1400, $0x38;
	[tilespmem:$0x1D630] =	vst v63  }
.LBB2_3:
0x3d: {  	s8 =	smul.u32 $0x50, s18;
	_ =	sdelay $0x1  }
0x3e: {  	s4 =	sadd.s32 $0x28, s8;
	s10 =	sadd.s32 $0x1AFB8, s8  }
0x3f: {  	[tilespmem:s24], [sflag:$0x2] =	stream.indirect.gather [hbm4b:s1+s21], $0x80, s10, s21, $0xb8;
	[tilespmem:$0x1D630] =	vst v63  }
0x40: {  	s14 =	sadd.s32 s0, s4  }
0x41: {  	s10 =	sshll.u32 s14, $0x4  }
0x42: {  	s10 =	sand.u32 $0x1FFFFF80, s10  }
0x43: {  	s10 =	sadd.s32 s5, s10  }
0x44: {  	[tilespmem:s25], [sflag:$0x2] =	stream.linear.gather [hbm4b:s10+s2], $0x1400, $0x38;
	[tilespmem:$0x1D630] =	vst v63  }
0x45: {  	_ =	swait.ge [sflag:s26], $0x1400  }
0x46: {  	[sflag:s26] =	ssyncset.done $0x0  }
0x47: {  	[sflag:s26] =	ssyncadd.s32 $0xFFFFEC00  }
0x48: {  	_ =	swait.ge [sflag:s26], $0x1400  }
0x49: {  	[sflag:s26] =	ssyncset.done $0x0  }
0x4a: {  	s12 =	simm.s32 $0x0;
	[sflag:s26] =	ssyncadd.s32 $0xFFFFEC00  }
0x4b: {  	v8 =	vld [tilespmem:s12+$0x15F90]  }
0x4c: {  	v9 =	vld [tilespmem:s12+$0x15FA0]  }
0x4d: {  	v10 =	vld [tilespmem:s12+$0x17390]  }
0x4e: {  	v11 =	vld [tilespmem:s12+$0x173A0]  }
0x4f: {  	v12 =	vld [tilespmem:s12+$0x15FB0]  }
0x50: {  	v14 =	vld [tilespmem:s12+$0x15FC0];
	v13 =	vadd.f32 v8, v8  }
0x51: {  	v15 =	vld [tilespmem:s12+$0x173B0]  }
0x52: {  	v17 =	vld [tilespmem:s12+$0x15FD0];
	v16 =	vadd.f32 v9, v9;
	v10 =	vadd.f32 v10, v13  }
0x53: {  	v13 =	vld [tilespmem:s12+$0x173C0]  }
0x54: {  	v19 =	vld [tilespmem:s12+$0x15FE0];
	v18 =	vadd.f32 v12, v12;
	v11 =	vadd.f32 v11, v16;
	v16 =	vmul.f32 $2.000000030e-01, v10  }
0x55: {  	v21 =	vld [tilespmem:s12+$0x173D0];
	v20 =	vadd.f32 v14, v14  }
0x56: {  	v15 =	vadd.f32 v15, v18;
	v18 =	vld [tilespmem:s12+$0x173E0];
	v22 =	vmul.f32 $2.000000030e-01, v11;
	v10 =	vmax.f32 v10, v16  }
0x57: {  	v45 =	vadd.f32 v17, v17;
	v16 =	vld [tilespmem:s12+$0x15FF0];
	v10 =	vmul.f32 v10, v0  }
0x58: {  	v23 =	vld [tilespmem:s12+$0x16000];
	v44 =	vmul.f32 $2.000000030e-01, v15;
	v11 =	vmax.f32 v11, v22;
	v13 =	vadd.f32 v13, v20  }
0x59: {  	v25 =	vld [tilespmem:s12+$0x173F0];
	v47 =	vadd.f32 v19, v19;
	v11 =	vmul.f32 v11, v1;
	v10 =	vadd.f32 $0.0e+00, v10  }
0x5a: {  	v46 =	vadd.f32 v21, v45;
	v15 =	vmax.f32 v15, v44;
	v24 =	vmul.f32 $2.000000030e-01, v13  }
0x5b: {  	v48 =	vld [tilespmem:s12+$0x17400];
	v18 =	vadd.f32 v18, v47;
	v10 =	vadd.f32 v11, v10;
	v11 =	vmul.f32 v15, v2  }
0x5c: {  	v13 =	vmax.f32 v13, v24;
	v15 =	vmul.f32 $2.000000030e-01, v46;
	v49 =	vadd.f32 v16, v16  }
0x5d: {  	v50 =	vmul.f32 $2.000000030e-01, v18;
	v10 =	vadd.f32 v11, v10;
	v11 =	vmul.f32 v13, v3  }
0x5e: {  	v13 =	vadd.f32 v23, v23;
	v15 =	vmax.f32 v46, v15;
	v21 =	vadd.f32 v25, v49  }
0x5f: {  	v10 =	vadd.f32 v11, v10;
	v11 =	vmul.f32 v15, v4  }
0x60: {  	v13 =	vadd.f32 v48, v13;
	v15 =	vmax.f32 v18, v50;
	v18 =	vmul.f32 $2.000000030e-01, v21  }
0x61: {  	v10 =	vadd.f32 v11, v10;
	v11 =	vmul.f32 v15, v5  }
0x62: {  	v15 =	vmul.f32 $2.000000030e-01, v13;
	v18 =	vmax.f32 v21, v18  }
0x63: {  	v10 =	vadd.f32 v11, v10;
	v11 =	vmul.f32 v18, v6  }
0x64: {  	v13 =	vmax.f32 v13, v15  }
0x65: {  	v10 =	vadd.f32 v11, v10;
	v11 =	vmul.f32 v13, v7;
	_ =	sdelay $0x1  }
0x66: {  	v10 =	vadd.f32 v11, v10;
	_ =	sdelay $0x1  }
0x67: {  	(xrf2) =	vadd.scan.msk.f32 $0xffff, v10;
	_ =	sdelay $0x9  }
0x68: {  	v10, _, _ =	vpop (xrf2)  }
0x69: {  	v10 =	vmul.f32 $1.442695020e+00, v10;
	_ =	sdelay $0x1  }
0x6a: {  	v10 =	vbroadcast v10, $0xF;
	_ =	sdelay $0x1  }
0x6b: {  	(erf) = vpow2.f32 v10;
	_ =	sdelay $0x8  }
0x6c: {  	v10 =	vpop (erf)  }
0x6d: {  	s10 =	simm.s32 $0x1BFC0;
	v11 =	vmul.f32 v10, v23  }
0x6e: {  	[tilespmem:s10+$0xFFFFFFF0] =	vst v10;
	v8 =	vmul.f32 v10, v8  }
0x6f: {  	v12 =	vmul.f32 v10, v12;
	[tilespmem:s10+$0xFFFFFFE0] =	vst v11  }
0x70: {  	v11 =	vmul.f32 v10, v17;
	[tilespmem:s10+$0xFFFFFF70] =	vst v8  }
0x71: {  	v8 =	vmul.f32 v10, v19;
	[tilespmem:s10+$0xFFFFFF90] =	vst v12  }
0x72: {  	v12 =	vmul.f32 v10, v16;
	[tilespmem:s10+$0xFFFFFFB0] =	vst v11  }
0x73: {  	v11 =	vmul.f32 v10, v14;
	[tilespmem:s10+$0xFFFFFFC0] =	vst v8  }
0x74: {  	v8 =	vmul.f32 v10, v9;
	[tilespmem:s10+$0xFFFFFFD0] =	vst v12  }
0x75: {  	[tilespmem:s10+$0xFFFFFFA0] =	vst v11  }
0x76: {  	[tilespmem:s10+$0xFFFFFF80] =	vst v8  }
0x77: {  	v11 =	vld [tilespmem:s12+$0x16010]  }
0x78: {  	v8 =	vld [tilespmem:s12+$0x16020]  }
0x79: {  	v13 =	vld [tilespmem:s12+$0x17410]  }
0x7a: {  	v14 =	vld [tilespmem:s12+$0x17420]  }
0x7b: {  	v9 =	vld [tilespmem:s12+$0x16030]  }
0x7c: {  	v10 =	vld [tilespmem:s12+$0x16040];
	v15 =	vadd.f32 v11, v11  }
0x7d: {  	v16 =	vld [tilespmem:s12+$0x17430]  }
0x7e: {  	v12 =	vld [tilespmem:s12+$0x16050];
	v17 =	vadd.f32 v8, v8;
	v15 =	vadd.f32 v13, v15  }
0x7f: {  	v18 =	vld [tilespmem:s12+$0x17440]  }
0x80: {  	v51 =	vld [tilespmem:s12+$0x17450];
	v19 =	vadd.f32 v9, v9;
	v17 =	vadd.f32 v14, v17;
	v14 =	vmul.f32 $2.000000030e-01, v15  }
0x81: {  	v52 =	vadd.f32 v10, v10;
	v13 =	vld [tilespmem:s12+$0x16060]  }
0x82: {  	v54 =	vld [tilespmem:s12+$0x17460];
	v16 =	vadd.f32 v16, v19;
	v19 =	vmul.f32 $2.000000030e-01, v17;
	v15 =	vmax.f32 v15, v14  }
0x83: {  	v53 =	vadd.f32 v12, v12;
	v14 =	vld [tilespmem:s12+$0x16070];
	v15 =	vmul.f32 v15, v0  }
0x84: {  	v18 =	vadd.f32 v18, v52;
	v55 =	vmul.f32 $2.000000030e-01, v16;
	v17 =	vmax.f32 v17, v19;
	v19 =	vld [tilespmem:s12+$0x17470]  }
0x85: {  	v20 =	vadd.f32 v51, v53;
	v17 =	vmul.f32 v17, v1;
	v56 =	vadd.f32 $0.0e+00, v15;
	v15 =	vld [tilespmem:s12+$0x16080]  }
0x86: {  	v57 =	vmul.f32 $2.000000030e-01, v18;
	v16 =	vmax.f32 v16, v55;
	v58 =	vadd.f32 v13, v13  }
0x87: {  	v60 =	vld [tilespmem:s12+$0x17480];
	v59 =	vmul.f32 $2.000000030e-01, v20;
	v16 =	vmul.f32 v16, v2;
	v17 =	vadd.f32 v17, v56  }
0x88: {  	v18 =	vmax.f32 v18, v57;
	v21 =	vadd.f32 v54, v58;
	v61 =	vadd.f32 v14, v14  }
0x89: {  	v20 =	vmax.f32 v20, v59;
	v18 =	vmul.f32 v18, v3;
	v16 =	vadd.f32 v16, v17  }
0x8a: {  	v17 =	vadd.f32 v19, v61;
	v19 =	vmul.f32 $2.000000030e-01, v21;
	v62 =	vadd.f32 v15, v15  }
0x8b: {  	v20 =	vmul.f32 v20, v4;
	v16 =	vadd.f32 v18, v16  }
0x8c: {  	v18 =	vmul.f32 $2.000000030e-01, v17;
	v19 =	vmax.f32 v21, v19;
	v63 =	vadd.f32 v60, v62  }
0x8d: {  	v19 =	vmul.f32 v19, v5;
	v16 =	vadd.f32 v20, v16  }
0x8e: {  	v17 =	vmax.f32 v17, v18;
	v18 =	vmul.f32 $2.000000030e-01, v63  }
0x8f: {  	v17 =	vmul.f32 v17, v6;
	v16 =	vadd.f32 v19, v16  }
0x90: {  	v18 =	vmax.f32 v63, v18  }
0x91: {  	v16 =	vadd.f32 v17, v16;
	v17 =	vmul.f32 v18, v7;
	_ =	sdelay $0x1  }
0x92: {  	v16 =	vadd.f32 v17, v16;
	_ =	sdelay $0x1  }
0x93: {  	(xrf2) =	vadd.scan.msk.f32 $0xffff, v16;
	_ =	sdelay $0x9  }
0x94: {  	v16, _, _ =	vpop (xrf2)  }
0x95: {  	v16 =	vmul.f32 $1.442695020e+00, v16;
	_ =	sdelay $0x1  }
0x96: {  	s13 =	simm.s32 $0x400;
	s12 =	simm.s32 $0x1BFC0;
	v16 =	vbroadcast v16, $0xF  }
.LBB2_4:
0x97: {  	p1 =	sne.s32 s13, $0x4C00  }
0x98: {  	s10 =	sadd.s32 $0x120, s10;
	s14 =	smov.u32 s13;
	s13 =	sadd.s32 $0x400, s13  }
0x99: {  	(erf) = vpow2.f32 v16;
	_ =	sdelay $0x8  }
0x9a: {  	v16 =	vpop (erf)  }
0x9b: {  	[tilespmem:s12+$0x80] =	vst v16;
	v11 =	vmul.f32 v16, v11;
	v8 =	vmul.f32 v16, v8  }
0x9c: {  	v9 =	vmul.f32 v16, v9;
	v10 =	vmul.f32 v16, v10  }
0x9d: {  	[tilespmem:s12+$0x0] =	vst v11;
	v11 =	vmul.f32 v16, v12;
	v12 =	vmul.f32 v16, v13  }
0x9e: {  	v13 =	vmul.f32 v16, v15;
	[tilespmem:s12+$0x30] =	vst v10;
	v10 =	vmul.f32 v16, v14  }
0x9f: {  	[tilespmem:s12+$0x40] =	vst v11  }
0xa0: {  	[tilespmem:s12+$0x70] =	vst v13  }
0xa1: {  	[tilespmem:s12+$0x60] =	vst v10  }
0xa2: {  	[tilespmem:s12+$0x10] =	vst v8  }
0xa3: {  	[tilespmem:s12+$0x20] =	vst v9  }
0xa4: {  	s14 =	sshra.s32 s14, $0x2;
	[tilespmem:s12+$0x50] =	vst v12;
	s12 =	smov.u32 s10  }
0xa5: {  	v9 =	vld [tilespmem:s14+$0x15F90]  }
0xa6: {  	v8 =	vld [tilespmem:s14+$0x15FA0]  }
0xa7: {  	v10 =	vld [tilespmem:s14+$0x17390]  }
0xa8: {  	v11 =	vld [tilespmem:s14+$0x173A0]  }
0xa9: {  	v12 =	vld [tilespmem:s14+$0x15FB0]  }
0xaa: {  	v13 =	vadd.f32 v9, v9;
	v14 =	vld [tilespmem:s14+$0x15FC0]  }
0xab: {  	v15 =	vadd.f32 v8, v8;
	v16 =	vld [tilespmem:s14+$0x173B0]  }
0xac: {  	v10 =	vadd.f32 v10, v13;
	v13 =	vld [tilespmem:s14+$0x173C0]  }
0xad: {  	v11 =	vadd.f32 v11, v15;
	v15 =	vld [tilespmem:s14+$0x15FD0]  }
0xae: {  	v17 =	vmul.f32 $2.000000030e-01, v10;
	v18 =	vadd.f32 v12, v12;
	v19 =	vld [tilespmem:s14+$0x15FE0]  }
0xaf: {  	v20 =	vmul.f32 $2.000000030e-01, v11;
	v21 =	vadd.f32 v14, v14;
	v22 =	vld [tilespmem:s14+$0x173D0]  }
0xb0: {  	v10 =	vmax.f32 v10, v17;
	v16 =	vadd.f32 v16, v18;
	v17 =	vld [tilespmem:s14+$0x15FF0]  }
0xb1: {  	v10 =	vmul.f32 v10, v0;
	v11 =	vmax.f32 v11, v20;
	v13 =	vadd.f32 v13, v21;
	v18 =	vld [tilespmem:s14+$0x173E0]  }
0xb2: {  	v20 =	vmul.f32 $2.000000030e-01, v16;
	v21 =	vadd.f32 v15, v15;
	v23 =	vld [tilespmem:s14+$0x16000]  }
0xb3: {  	v11 =	vmul.f32 v11, v1;
	v10 =	vadd.f32 $0.0e+00, v10;
	v24 =	vmul.f32 $2.000000030e-01, v13;
	v25 =	vld [tilespmem:s14+$0x173F0]  }
0xb4: {  	v16 =	vmax.f32 v16, v20;
	v20 =	vadd.f32 v22, v21;
	v21 =	vadd.f32 v19, v19;
	v22 =	vld [tilespmem:s14+$0x17400]  }
0xb5: {  	v10 =	vadd.f32 v11, v10;
	v11 =	vmul.f32 v16, v2;
	v13 =	vmax.f32 v13, v24  }
0xb6: {  	v16 =	vmul.f32 $2.000000030e-01, v20;
	v18 =	vadd.f32 v18, v21;
	v21 =	vadd.f32 v17, v17  }
0xb7: {  	v10 =	vadd.f32 v11, v10;
	v11 =	vmul.f32 v13, v3;
	v13 =	vadd.f32 v23, v23  }
0xb8: {  	v16 =	vmax.f32 v20, v16;
	v20 =	vmul.f32 $2.000000030e-01, v18;
	v21 =	vadd.f32 v25, v21  }
0xb9: {  	v10 =	vadd.f32 v11, v10;
	v11 =	vmul.f32 v16, v4;
	v13 =	vadd.f32 v22, v13  }
0xba: {  	v16 =	vmax.f32 v18, v20;
	v18 =	vmul.f32 $2.000000030e-01, v21  }
0xbb: {  	v10 =	vadd.f32 v11, v10;
	v11 =	vmul.f32 v16, v5;
	v16 =	vmul.f32 $2.000000030e-01, v13  }
0xbc: {  	v18 =	vmax.f32 v21, v18  }
0xbd: {  	v10 =	vadd.f32 v11, v10;
	v11 =	vmul.f32 v18, v6;
	v13 =	vmax.f32 v13, v16;
	_ =	sdelay $0x1  }
0xbe: {  	v10 =	vadd.f32 v11, v10;
	v11 =	vmul.f32 v13, v7;
	_ =	sdelay $0x1  }
0xbf: {  	v10 =	vadd.f32 v11, v10;
	_ =	sdelay $0x1  }
0xc0: {  	(xrf2) =	vadd.scan.msk.f32 $0xffff, v10;
	_ =	sdelay $0x9  }
0xc1: {  	v10, _, _ =	vpop (xrf2)  }
0xc2: {  	v10 =	vmul.f32 $1.442695020e+00, v10;
	_ =	sdelay $0x1  }
0xc3: {  	v10 =	vbroadcast v10, $0xF;
	_ =	sdelay $0x1  }
0xc4: {  	(erf) = vpow2.f32 v10;
	_ =	sdelay $0x8  }
0xc5: {  	v10 =	vpop (erf)  }
0xc6: {  	[tilespmem:s10+$0xFFFFFFF0] =	vst v10;
	v9 =	vmul.f32 v10, v9;
	v11 =	vmul.f32 v10, v23  }
0xc7: {  	v12 =	vmul.f32 v10, v12;
	v13 =	vmul.f32 v10, v17  }
0xc8: {  	v8 =	vmul.f32 v10, v8;
	v15 =	vmul.f32 v10, v15;
	[tilespmem:s10+$0xFFFFFFE0] =	vst v11  }
0xc9: {  	[tilespmem:s10+$0xFFFFFF70] =	vst v9;
	v9 =	vmul.f32 v10, v14;
	v10 =	vmul.f32 v10, v19  }
0xca: {  	[tilespmem:s10+$0xFFFFFF90] =	vst v12  }
0xcb: {  	[tilespmem:s10+$0xFFFFFFB0] =	vst v15  }
0xcc: {  	[tilespmem:s10+$0xFFFFFFC0] =	vst v10  }
0xcd: {  	[tilespmem:s10+$0xFFFFFFD0] =	vst v13  }
0xce: {  	[tilespmem:s10+$0xFFFFFFA0] =	vst v9  }
0xcf: {  	[tilespmem:s10+$0xFFFFFF80] =	vst v8  }
0xd0: {  	v10 =	vld [tilespmem:s14+$0x16040]  }
0xd1: {  	v13 =	vld [tilespmem:s14+$0x17430]  }
0xd2: {  	v14 =	vld [tilespmem:s14+$0x17420]  }
0xd3: {  	v8 =	vld [tilespmem:s14+$0x16020]  }
0xd4: {  	v9 =	vld [tilespmem:s14+$0x16030]  }
0xd5: {  	v11 =	vld [tilespmem:s14+$0x16010]  }
0xd6: {  	v15 =	vld [tilespmem:s14+$0x17440]  }
0xd7: {  	v16 =	vld [tilespmem:s14+$0x17410]  }
0xd8: {  	v17 =	vadd.f32 v8, v8;
	v12 =	vld [tilespmem:s14+$0x16050]  }
0xd9: {  	v18 =	vadd.f32 v9, v9  }
0xda: {  	v14 =	vadd.f32 v14, v17;
	v17 =	vadd.f32 v10, v10;
	v19 =	vld [tilespmem:s14+$0x17450]  }
0xdb: {  	v20 =	vadd.f32 v11, v11;
	v13 =	vadd.f32 v13, v18  }
0xdc: {  	v18 =	vmul.f32 $2.000000030e-01, v14;
	v15 =	vadd.f32 v15, v17  }
0xdd: {  	v16 =	vadd.f32 v16, v20;
	v17 =	vmul.f32 $2.000000030e-01, v13;
	v20 =	vadd.f32 v12, v12  }
0xde: {  	v18 =	vmax.f32 v14, v18;
	v14 =	vmul.f32 $2.000000030e-01, v15  }
0xdf: {  	v21 =	vmul.f32 $2.000000030e-01, v16;
	v17 =	vmax.f32 v13, v17;
	v19 =	vadd.f32 v19, v20  }
0xe0: {  	v15 =	vmax.f32 v15, v14;
	v13 =	vld [tilespmem:s14+$0x16060]  }
0xe1: {  	v16 =	vmax.f32 v16, v21;
	v20 =	vmul.f32 $2.000000030e-01, v19;
	v14 =	vld [tilespmem:s14+$0x16070]  }
0xe2: {  	v16 =	vmul.f32 v16, v0;
	v21 =	vmul.f32 v15, v3;
	v22 =	vld [tilespmem:s14+$0x17460]  }
0xe3: {  	v15 =	vmax.f32 v19, v20;
	v19 =	vld [tilespmem:s14+$0x17470]  }
0xe4: {  	v18 =	vmul.f32 v18, v1;
	v16 =	vadd.f32 $0.0e+00, v16;
	v20 =	vmul.f32 v15, v4;
	v15 =	vld [tilespmem:s14+$0x16080]  }
0xe5: {  	v23 =	vadd.f32 v13, v13  }
0xe6: {  	v17 =	vmul.f32 v17, v2;
	v16 =	vadd.f32 v18, v16;
	v18 =	vadd.f32 v14, v14;
	v24 =	vld [tilespmem:s14+$0x17480]  }
0xe7: {  	v22 =	vadd.f32 v22, v23  }
0xe8: {  	v16 =	vadd.f32 v17, v16;
	v17 =	vadd.f32 v19, v18  }
0xe9: {  	v18 =	vmul.f32 $2.000000030e-01, v22;
	v19 =	vadd.f32 v15, v15  }
0xea: {  	v16 =	vadd.f32 v21, v16;
	v21 =	vmul.f32 $2.000000030e-01, v17  }
0xeb: {  	v18 =	vmax.f32 v22, v18;
	v19 =	vadd.f32 v24, v19  }
0xec: {  	v16 =	vadd.f32 v20, v16;
	v18 =	vmul.f32 v18, v5;
	v17 =	vmax.f32 v17, v21  }
0xed: {  	v20 =	vmul.f32 $2.000000030e-01, v19  }
0xee: {  	v17 =	vmul.f32 v17, v6;
	v16 =	vadd.f32 v18, v16  }
0xef: {  	v18 =	vmax.f32 v19, v20  }
0xf0: {  	v16 =	vadd.f32 v17, v16;
	v17 =	vmul.f32 v18, v7;
	_ =	sdelay $0x1  }
0xf1: {  	v16 =	vadd.f32 v17, v16;
	_ =	sdelay $0x1  }
0xf2: {  	(xrf2) =	vadd.scan.msk.f32 $0xffff, v16;
	_ =	sdelay $0x8  }
.Ltmp0:
0xf3: {  	(pc) =	sbr.rel @p1 .LBB2_4-.Ltmp0, $3  }
0xf4: {  	v16, _, _ =	vpop (xrf2)  }
0xf5: {  	v16 =	vmul.f32 $1.442695020e+00, v16;
	_ =	sdelay $0x1  }
0xf6: {  	v16 =	vbroadcast v16, $0xF  }
0xf7: {  	_ = 	snop  }
0xf8: {  	(erf) = vpow2.f32 v16;
	_ =	sdelay $0x8  }
0xf9: {  	v16 =	vpop (erf)  }
0xfa: {  	v11 =	vmul.f32 v16, v11  }
0xfb: {  	[tilespmem:s12+$0x80] =	vst v16;
	v10 =	vmul.f32 v16, v10  }
0xfc: {  	v8 =	vmul.f32 v16, v8;
	[tilespmem:s12+$0x0] =	vst v11  }
0xfd: {  	v9 =	vmul.f32 v16, v9;
	[tilespmem:s12+$0x30] =	vst v10  }
0xfe: {  	v11 =	vmul.f32 v16, v12;
	[tilespmem:s12+$0x10] =	vst v8  }
0xff: {  	v10 =	vmul.f32 v16, v15;
	[tilespmem:s12+$0x20] =	vst v9  }
0x100: {  	s10 =	smul.u32 $0x140, s18;
	v12 =	vmul.f32 v16, v14;
	[tilespmem:s12+$0x40] =	vst v11  }
0x101: {  	[tilespmem:s12+$0x70] =	vst v10;
	v10 =	vmul.f32 v16, v13  }
0x102: {  	s10 =	sshra.s32 s10, $0x2;
	[tilespmem:s12+$0x60] =	vst v12  }
0x103: {  	s10 =	sadd.s32 $0x1B760, s10;
	[tilespmem:s12+$0x50] =	vst v10  }
0x104: {  	[spmem:s3] =	stream.indirect.scatter.add.f32 [tilespmem:s28], [sflag:$0x3], $0x90, s10, s21, $0xb8;
	[tilespmem:$0x1D630] =	vst v63  }
0x105: {  	p1 =	seq.s32 s18, $0x18;
	_ =	swait.ge [sflag:s16], $0x1680  }
0x106: {  	s13 =	simm.s32 @!p1 $0x15F90;
	s12 =	simm.s32 @!p1 $0x28;
	[sflag:s16] =	ssyncset.done $0x0  }
0x107: {  	s10 =	sadd.s32 @!p1 s0, s8;
	s8 =	sadd.s32 @!p1 $0x1AFE0, s8;
	[sflag:s16] =	ssyncadd.s32 $0xFFFFE980  }
0x108: {  	[tilespmem:s13], [sflag:$0x1] =	stream.indirect.gather @!p1 [hbm4b:s1+s12], $0x80, s8, s12, $0xb8;
	[tilespmem:$0x1D630] =	vst v63  }
0x109: {  	s8 =	sshll.u32 @!p1 s10, $0x4  }
0x10a: {  	s8 =	sadd.s32 @!p1 $0x500, s8  }
0x10b: {  	s8 =	sand.u32 @!p1 $0x1FFFFF00, s8  }
0x10c: {  	s10 =	simm.s32 @!p1 $0x0;
	s12 =	simm.s32 @!p1 $0x17390;
	s8 =	sadd.s32 @!p1 s5, s8  }
0x10d: {  	[tilespmem:s12], [sflag:$0x1] =	stream.linear.gather @!p1 [hbm4b:s8+s10], $0x1400, $0x38;
	[tilespmem:$0x1D630] =	vst v63  }
0x10e: {  	_ =	swait.ge [sflag:s29], $0x1400  }
0x10f: {  	[sflag:s29] =	ssyncset.done $0x0  }
0x110: {  	[sflag:s29] =	ssyncadd.s32 $0xFFFFEC00  }
0x111: {  	_ =	swait.ge [sflag:s29], $0x1400  }
0x112: {  	[sflag:s29] =	ssyncset.done $0x0  }
0x113: {  	s14 =	simm.s32 $0x0;
	[sflag:s29] =	ssyncadd.s32 $0xFFFFEC00  }
0x114: {  	v8 =	vld [tilespmem:s14+$0x18790]  }
0x115: {  	v9 =	vld [tilespmem:s14+$0x187A0]  }
0x116: {  	v10 =	vld [tilespmem:s14+$0x19B90]  }
0x117: {  	v11 =	vld [tilespmem:s14+$0x19BA0]  }
0x118: {  	v12 =	vld [tilespmem:s14+$0x187B0]  }
0x119: {  	v14 =	vld [tilespmem:s14+$0x187C0];
	v13 =	vadd.f32 v8, v8  }
0x11a: {  	v15 =	vld [tilespmem:s14+$0x19BB0]  }
0x11b: {  	v17 =	vld [tilespmem:s14+$0x187D0];
	v16 =	vadd.f32 v9, v9;
	v10 =	vadd.f32 v10, v13  }
0x11c: {  	v13 =	vld [tilespmem:s14+$0x19BC0]  }
0x11d: {  	v19 =	vld [tilespmem:s14+$0x187E0];
	v18 =	vadd.f32 v12, v12;
	v11 =	vadd.f32 v11, v16;
	v16 =	vmul.f32 $2.000000030e-01, v10  }
0x11e: {  	v21 =	vld [tilespmem:s14+$0x19BD0];
	v20 =	vadd.f32 v14, v14  }
0x11f: {  	v15 =	vadd.f32 v15, v18;
	v18 =	vld [tilespmem:s14+$0x19BE0];
	v22 =	vmul.f32 $2.000000030e-01, v11;
	v10 =	vmax.f32 v10, v16  }
0x120: {  	v45 =	vadd.f32 v17, v17;
	v16 =	vld [tilespmem:s14+$0x187F0];
	v10 =	vmul.f32 v10, v0  }
0x121: {  	v23 =	vld [tilespmem:s14+$0x18800];
	v44 =	vmul.f32 $2.000000030e-01, v15;
	v11 =	vmax.f32 v11, v22;
	v13 =	vadd.f32 v13, v20  }
0x122: {  	v25 =	vld [tilespmem:s14+$0x19BF0];
	v47 =	vadd.f32 v19, v19;
	v11 =	vmul.f32 v11, v1;
	v10 =	vadd.f32 $0.0e+00, v10  }
0x123: {  	v46 =	vadd.f32 v21, v45;
	v15 =	vmax.f32 v15, v44;
	v24 =	vmul.f32 $2.000000030e-01, v13  }
0x124: {  	v48 =	vld [tilespmem:s14+$0x19C00];
	v18 =	vadd.f32 v18, v47;
	v10 =	vadd.f32 v11, v10;
	v11 =	vmul.f32 v15, v2  }
0x125: {  	v13 =	vmax.f32 v13, v24;
	v15 =	vmul.f32 $2.000000030e-01, v46;
	v49 =	vadd.f32 v16, v16  }
0x126: {  	v50 =	vmul.f32 $2.000000030e-01, v18;
	v10 =	vadd.f32 v11, v10;
	v11 =	vmul.f32 v13, v3  }
0x127: {  	v13 =	vadd.f32 v23, v23;
	v15 =	vmax.f32 v46, v15;
	v21 =	vadd.f32 v25, v49  }
0x128: {  	v10 =	vadd.f32 v11, v10;
	v11 =	vmul.f32 v15, v4  }
0x129: {  	v13 =	vadd.f32 v48, v13;
	v15 =	vmax.f32 v18, v50;
	v18 =	vmul.f32 $2.000000030e-01, v21  }
0x12a: {  	v10 =	vadd.f32 v11, v10;
	v11 =	vmul.f32 v15, v5  }
0x12b: {  	v15 =	vmul.f32 $2.000000030e-01, v13;
	v18 =	vmax.f32 v21, v18  }
0x12c: {  	v10 =	vadd.f32 v11, v10;
	v11 =	vmul.f32 v18, v6  }
0x12d: {  	v13 =	vmax.f32 v13, v15  }
0x12e: {  	v10 =	vadd.f32 v11, v10;
	v11 =	vmul.f32 v13, v7;
	_ =	sdelay $0x1  }
0x12f: {  	v10 =	vadd.f32 v11, v10;
	_ =	sdelay $0x1  }
0x130: {  	(xrf2) =	vadd.scan.msk.f32 $0xffff, v10;
	_ =	sdelay $0x9  }
0x131: {  	v10, _, _ =	vpop (xrf2)  }
0x132: {  	v10 =	vmul.f32 $1.442695020e+00, v10;
	_ =	sdelay $0x1  }
0x133: {  	v10 =	vbroadcast v10, $0xF;
	_ =	sdelay $0x1  }
0x134: {  	(erf) = vpow2.f32 v10;
	_ =	sdelay $0x8  }
0x135: {  	v10 =	vpop (erf)  }
0x136: {  	s8 =	simm.s32 $0x1BFC0;
	v11 =	vmul.f32 v10, v23  }
0x137: {  	[tilespmem:s8+$0xFFFFFFF0] =	vst v10;
	v8 =	vmul.f32 v10, v8  }
0x138: {  	v12 =	vmul.f32 v10, v12;
	[tilespmem:s8+$0xFFFFFFE0] =	vst v11  }
0x139: {  	v11 =	vmul.f32 v10, v17;
	[tilespmem:s8+$0xFFFFFF70] =	vst v8  }
0x13a: {  	v8 =	vmul.f32 v10, v19;
	[tilespmem:s8+$0xFFFFFF90] =	vst v12  }
0x13b: {  	v12 =	vmul.f32 v10, v16;
	[tilespmem:s8+$0xFFFFFFB0] =	vst v11  }
0x13c: {  	v11 =	vmul.f32 v10, v14;
	[tilespmem:s8+$0xFFFFFFC0] =	vst v8  }
0x13d: {  	v8 =	vmul.f32 v10, v9;
	[tilespmem:s8+$0xFFFFFFD0] =	vst v12  }
0x13e: {  	[tilespmem:s8+$0xFFFFFFA0] =	vst v11  }
0x13f: {  	[tilespmem:s8+$0xFFFFFF80] =	vst v8  }
0x140: {  	v11 =	vld [tilespmem:s14+$0x18810]  }
0x141: {  	v8 =	vld [tilespmem:s14+$0x18820]  }
0x142: {  	v13 =	vld [tilespmem:s14+$0x19C10]  }
0x143: {  	v14 =	vld [tilespmem:s14+$0x19C20]  }
0x144: {  	v9 =	vld [tilespmem:s14+$0x18830]  }
0x145: {  	v10 =	vld [tilespmem:s14+$0x18840];
	v15 =	vadd.f32 v11, v11  }
0x146: {  	v16 =	vld [tilespmem:s14+$0x19C30]  }
0x147: {  	v12 =	vld [tilespmem:s14+$0x18850];
	v17 =	vadd.f32 v8, v8;
	v15 =	vadd.f32 v13, v15  }
0x148: {  	v18 =	vld [tilespmem:s14+$0x19C40]  }
0x149: {  	v51 =	vld [tilespmem:s14+$0x19C50];
	v19 =	vadd.f32 v9, v9;
	v17 =	vadd.f32 v14, v17;
	v14 =	vmul.f32 $2.000000030e-01, v15  }
0x14a: {  	v52 =	vadd.f32 v10, v10;
	v13 =	vld [tilespmem:s14+$0x18860]  }
0x14b: {  	v54 =	vld [tilespmem:s14+$0x19C60];
	v16 =	vadd.f32 v16, v19;
	v19 =	vmul.f32 $2.000000030e-01, v17;
	v15 =	vmax.f32 v15, v14  }
0x14c: {  	v53 =	vadd.f32 v12, v12;
	v14 =	vld [tilespmem:s14+$0x18870];
	v15 =	vmul.f32 v15, v0  }
0x14d: {  	v18 =	vadd.f32 v18, v52;
	v55 =	vmul.f32 $2.000000030e-01, v16;
	v17 =	vmax.f32 v17, v19;
	v19 =	vld [tilespmem:s14+$0x19C70]  }
0x14e: {  	v20 =	vadd.f32 v51, v53;
	v17 =	vmul.f32 v17, v1;
	v56 =	vadd.f32 $0.0e+00, v15;
	v15 =	vld [tilespmem:s14+$0x18880]  }
0x14f: {  	v57 =	vmul.f32 $2.000000030e-01, v18;
	v16 =	vmax.f32 v16, v55;
	v58 =	vadd.f32 v13, v13  }
0x150: {  	v60 =	vld [tilespmem:s14+$0x19C80];
	v59 =	vmul.f32 $2.000000030e-01, v20;
	v16 =	vmul.f32 v16, v2;
	v17 =	vadd.f32 v17, v56  }
0x151: {  	v18 =	vmax.f32 v18, v57;
	v21 =	vadd.f32 v54, v58;
	v61 =	vadd.f32 v14, v14  }
0x152: {  	v20 =	vmax.f32 v20, v59;
	v18 =	vmul.f32 v18, v3;
	v16 =	vadd.f32 v16, v17  }
0x153: {  	v17 =	vadd.f32 v19, v61;
	v19 =	vmul.f32 $2.000000030e-01, v21;
	v62 =	vadd.f32 v15, v15  }
0x154: {  	v20 =	vmul.f32 v20, v4;
	v16 =	vadd.f32 v18, v16  }
0x155: {  	v18 =	vmul.f32 $2.000000030e-01, v17;
	v19 =	vmax.f32 v21, v19;
	v63 =	vadd.f32 v60, v62  }
0x156: {  	v19 =	vmul.f32 v19, v5;
	v16 =	vadd.f32 v20, v16  }
0x157: {  	v17 =	vmax.f32 v17, v18;
	v18 =	vmul.f32 $2.000000030e-01, v63  }
0x158: {  	v17 =	vmul.f32 v17, v6;
	v16 =	vadd.f32 v19, v16  }
0x159: {  	v18 =	vmax.f32 v63, v18  }
0x15a: {  	v16 =	vadd.f32 v17, v16;
	v17 =	vmul.f32 v18, v7;
	_ =	sdelay $0x1  }
0x15b: {  	v16 =	vadd.f32 v17, v16;
	_ =	sdelay $0x1  }
0x15c: {  	(xrf2) =	vadd.scan.msk.f32 $0xffff, v16;
	_ =	sdelay $0x9  }
0x15d: {  	v16, _, _ =	vpop (xrf2)  }
0x15e: {  	v16 =	vmul.f32 $1.442695020e+00, v16;
	_ =	sdelay $0x1  }
0x15f: {  	s18 =	sadd.s32 $0x1, s18;
	s12 =	simm.s32 $0x400;
	s10 =	simm.s32 $0x1BFC0;
	v16 =	vbroadcast v16, $0xF  }
.LBB2_6:
0x160: {  	p1 =	sne.s32 s12, $0x4C00  }
0x161: {  	s8 =	sadd.s32 $0x120, s8;
	s13 =	smov.u32 s12;
	s12 =	sadd.s32 $0x400, s12  }
0x162: {  	(erf) = vpow2.f32 v16;
	_ =	sdelay $0x8  }
0x163: {  	v16 =	vpop (erf)  }
0x164: {  	[tilespmem:s10+$0x80] =	vst v16;
	v11 =	vmul.f32 v16, v11;
	v8 =	vmul.f32 v16, v8  }
0x165: {  	v9 =	vmul.f32 v16, v9;
	v10 =	vmul.f32 v16, v10  }
0x166: {  	[tilespmem:s10+$0x0] =	vst v11;
	v11 =	vmul.f32 v16, v12;
	v12 =	vmul.f32 v16, v13  }
0x167: {  	v13 =	vmul.f32 v16, v15;
	[tilespmem:s10+$0x30] =	vst v10;
	v10 =	vmul.f32 v16, v14  }
0x168: {  	[tilespmem:s10+$0x40] =	vst v11  }
0x169: {  	[tilespmem:s10+$0x70] =	vst v13  }
0x16a: {  	[tilespmem:s10+$0x60] =	vst v10  }
0x16b: {  	[tilespmem:s10+$0x10] =	vst v8  }
0x16c: {  	[tilespmem:s10+$0x20] =	vst v9  }
0x16d: {  	s13 =	sshra.s32 s13, $0x2;
	[tilespmem:s10+$0x50] =	vst v12;
	s10 =	smov.u32 s8  }
0x16e: {  	v9 =	vld [tilespmem:s13+$0x18790]  }
0x16f: {  	v8 =	vld [tilespmem:s13+$0x187A0]  }
0x170: {  	v10 =	vld [tilespmem:s13+$0x19B90]  }
0x171: {  	v11 =	vld [tilespmem:s13+$0x19BA0]  }
0x172: {  	v12 =	vld [tilespmem:s13+$0x187B0]  }
0x173: {  	v13 =	vadd.f32 v9, v9;
	v14 =	vld [tilespmem:s13+$0x187C0]  }
0x174: {  	v15 =	vadd.f32 v8, v8;
	v16 =	vld [tilespmem:s13+$0x19BB0]  }
0x175: {  	v10 =	vadd.f32 v10, v13;
	v13 =	vld [tilespmem:s13+$0x19BC0]  }
0x176: {  	v11 =	vadd.f32 v11, v15;
	v15 =	vld [tilespmem:s13+$0x187D0]  }
0x177: {  	v17 =	vmul.f32 $2.000000030e-01, v10;
	v18 =	vadd.f32 v12, v12;
	v19 =	vld [tilespmem:s13+$0x187E0]  }
0x178: {  	v20 =	vmul.f32 $2.000000030e-01, v11;
	v21 =	vadd.f32 v14, v14;
	v22 =	vld [tilespmem:s13+$0x19BD0]  }
0x179: {  	v10 =	vmax.f32 v10, v17;
	v16 =	vadd.f32 v16, v18;
	v17 =	vld [tilespmem:s13+$0x187F0]  }
0x17a: {  	v10 =	vmul.f32 v10, v0;
	v11 =	vmax.f32 v11, v20;
	v13 =	vadd.f32 v13, v21;
	v18 =	vld [tilespmem:s13+$0x19BE0]  }
0x17b: {  	v20 =	vmul.f32 $2.000000030e-01, v16;
	v21 =	vadd.f32 v15, v15;
	v23 =	vld [tilespmem:s13+$0x18800]  }
0x17c: {  	v11 =	vmul.f32 v11, v1;
	v10 =	vadd.f32 $0.0e+00, v10;
	v24 =	vmul.f32 $2.000000030e-01, v13;
	v25 =	vld [tilespmem:s13+$0x19BF0]  }
0x17d: {  	v16 =	vmax.f32 v16, v20;
	v20 =	vadd.f32 v22, v21;
	v21 =	vadd.f32 v19, v19;
	v22 =	vld [tilespmem:s13+$0x19C00]  }
0x17e: {  	v10 =	vadd.f32 v11, v10;
	v11 =	vmul.f32 v16, v2;
	v13 =	vmax.f32 v13, v24  }
0x17f: {  	v16 =	vmul.f32 $2.000000030e-01, v20;
	v18 =	vadd.f32 v18, v21;
	v21 =	vadd.f32 v17, v17  }
0x180: {  	v10 =	vadd.f32 v11, v10;
	v11 =	vmul.f32 v13, v3;
	v13 =	vadd.f32 v23, v23  }
0x181: {  	v16 =	vmax.f32 v20, v16;
	v20 =	vmul.f32 $2.000000030e-01, v18;
	v21 =	vadd.f32 v25, v21  }
0x182: {  	v10 =	vadd.f32 v11, v10;
	v11 =	vmul.f32 v16, v4;
	v13 =	vadd.f32 v22, v13  }
0x183: {  	v16 =	vmax.f32 v18, v20;
	v18 =	vmul.f32 $2.000000030e-01, v21  }
0x184: {  	v10 =	vadd.f32 v11, v10;
	v11 =	vmul.f32 v16, v5;
	v16 =	vmul.f32 $2.000000030e-01, v13  }
0x185: {  	v18 =	vmax.f32 v21, v18  }
0x186: {  	v10 =	vadd.f32 v11, v10;
	v11 =	vmul.f32 v18, v6;
	v13 =	vmax.f32 v13, v16;
	_ =	sdelay $0x1  }
0x187: {  	v10 =	vadd.f32 v11, v10;
	v11 =	vmul.f32 v13, v7;
	_ =	sdelay $0x1  }
0x188: {  	v10 =	vadd.f32 v11, v10;
	_ =	sdelay $0x1  }
0x189: {  	(xrf2) =	vadd.scan.msk.f32 $0xffff, v10;
	_ =	sdelay $0x9  }
0x18a: {  	v10, _, _ =	vpop (xrf2)  }
0x18b: {  	v10 =	vmul.f32 $1.442695020e+00, v10;
	_ =	sdelay $0x1  }
0x18c: {  	v10 =	vbroadcast v10, $0xF;
	_ =	sdelay $0x1  }
0x18d: {  	(erf) = vpow2.f32 v10;
	_ =	sdelay $0x8  }
0x18e: {  	v10 =	vpop (erf)  }
0x18f: {  	[tilespmem:s8+$0xFFFFFFF0] =	vst v10;
	v9 =	vmul.f32 v10, v9;
	v11 =	vmul.f32 v10, v23  }
0x190: {  	v12 =	vmul.f32 v10, v12;
	v13 =	vmul.f32 v10, v17  }
0x191: {  	v8 =	vmul.f32 v10, v8;
	v15 =	vmul.f32 v10, v15;
	[tilespmem:s8+$0xFFFFFFE0] =	vst v11  }
0x192: {  	[tilespmem:s8+$0xFFFFFF70] =	vst v9;
	v9 =	vmul.f32 v10, v14;
	v10 =	vmul.f32 v10, v19  }
0x193: {  	[tilespmem:s8+$0xFFFFFF90] =	vst v12  }
0x194: {  	[tilespmem:s8+$0xFFFFFFB0] =	vst v15  }
0x195: {  	[tilespmem:s8+$0xFFFFFFC0] =	vst v10  }
0x196: {  	[tilespmem:s8+$0xFFFFFFD0] =	vst v13  }
0x197: {  	[tilespmem:s8+$0xFFFFFFA0] =	vst v9  }
0x198: {  	[tilespmem:s8+$0xFFFFFF80] =	vst v8  }
0x199: {  	v10 =	vld [tilespmem:s13+$0x18840]  }
0x19a: {  	v13 =	vld [tilespmem:s13+$0x19C30]  }
0x19b: {  	v14 =	vld [tilespmem:s13+$0x19C20]  }
0x19c: {  	v8 =	vld [tilespmem:s13+$0x18820]  }
0x19d: {  	v9 =	vld [tilespmem:s13+$0x18830]  }
0x19e: {  	v11 =	vld [tilespmem:s13+$0x18810]  }
0x19f: {  	v15 =	vld [tilespmem:s13+$0x19C40]  }
0x1a0: {  	v16 =	vld [tilespmem:s13+$0x19C10]  }
0x1a1: {  	v17 =	vadd.f32 v8, v8;
	v12 =	vld [tilespmem:s13+$0x18850]  }
0x1a2: {  	v18 =	vadd.f32 v9, v9  }
0x1a3: {  	v14 =	vadd.f32 v14, v17;
	v17 =	vadd.f32 v10, v10;
	v19 =	vld [tilespmem:s13+$0x19C50]  }
0x1a4: {  	v20 =	vadd.f32 v11, v11;
	v13 =	vadd.f32 v13, v18  }
0x1a5: {  	v18 =	vmul.f32 $2.000000030e-01, v14;
	v15 =	vadd.f32 v15, v17  }
0x1a6: {  	v16 =	vadd.f32 v16, v20;
	v17 =	vmul.f32 $2.000000030e-01, v13;
	v20 =	vadd.f32 v12, v12  }
0x1a7: {  	v18 =	vmax.f32 v14, v18;
	v14 =	vmul.f32 $2.000000030e-01, v15  }
0x1a8: {  	v21 =	vmul.f32 $2.000000030e-01, v16;
	v17 =	vmax.f32 v13, v17;
	v19 =	vadd.f32 v19, v20  }
0x1a9: {  	v15 =	vmax.f32 v15, v14;
	v13 =	vld [tilespmem:s13+$0x18860]  }
0x1aa: {  	v16 =	vmax.f32 v16, v21;
	v20 =	vmul.f32 $2.000000030e-01, v19;
	v14 =	vld [tilespmem:s13+$0x18870]  }
0x1ab: {  	v16 =	vmul.f32 v16, v0;
	v21 =	vmul.f32 v15, v3;
	v22 =	vld [tilespmem:s13+$0x19C60]  }
0x1ac: {  	v15 =	vmax.f32 v19, v20;
	v19 =	vld [tilespmem:s13+$0x19C70]  }
0x1ad: {  	v18 =	vmul.f32 v18, v1;
	v16 =	vadd.f32 $0.0e+00, v16;
	v20 =	vmul.f32 v15, v4;
	v15 =	vld [tilespmem:s13+$0x18880]  }
0x1ae: {  	v23 =	vadd.f32 v13, v13  }
0x1af: {  	v17 =	vmul.f32 v17, v2;
	v16 =	vadd.f32 v18, v16;
	v18 =	vadd.f32 v14, v14;
	v24 =	vld [tilespmem:s13+$0x19C80]  }
0x1b0: {  	v22 =	vadd.f32 v22, v23  }
0x1b1: {  	v16 =	vadd.f32 v17, v16;
	v17 =	vadd.f32 v19, v18  }
0x1b2: {  	v18 =	vmul.f32 $2.000000030e-01, v22;
	v19 =	vadd.f32 v15, v15  }
0x1b3: {  	v16 =	vadd.f32 v21, v16;
	v21 =	vmul.f32 $2.000000030e-01, v17  }
0x1b4: {  	v18 =	vmax.f32 v22, v18;
	v19 =	vadd.f32 v24, v19  }
0x1b5: {  	v16 =	vadd.f32 v20, v16;
	v18 =	vmul.f32 v18, v5;
	v17 =	vmax.f32 v17, v21  }
0x1b6: {  	v20 =	vmul.f32 $2.000000030e-01, v19  }
0x1b7: {  	v17 =	vmul.f32 v17, v6;
	v16 =	vadd.f32 v18, v16  }
0x1b8: {  	v18 =	vmax.f32 v19, v20  }
0x1b9: {  	v16 =	vadd.f32 v17, v16;
	v17 =	vmul.f32 v18, v7;
	_ =	sdelay $0x1  }
0x1ba: {  	v16 =	vadd.f32 v17, v16;
	_ =	sdelay $0x1  }
0x1bb: {  	(xrf2) =	vadd.scan.msk.f32 $0xffff, v16;
	_ =	sdelay $0x8  }
.Ltmp1:
0x1bc: {  	(pc) =	sbr.rel @p1 .LBB2_6-.Ltmp1, $3  }
0x1bd: {  	v16, _, _ =	vpop (xrf2)  }
0x1be: {  	v16 =	vmul.f32 $1.442695020e+00, v16;
	_ =	sdelay $0x1  }
0x1bf: {  	v16 =	vbroadcast v16, $0xF  }
0x1c0: {  	_ = 	snop  }
0x1c1: {  	(erf) = vpow2.f32 v16;
	_ =	sdelay $0x8  }
0x1c2: {  	v16 =	vpop (erf)  }
0x1c3: {  	v11 =	vmul.f32 v16, v11  }
0x1c4: {  	[tilespmem:s10+$0x80] =	vst v16;
	v10 =	vmul.f32 v16, v10  }
0x1c5: {  	v60 =	vmul.f32 v16, v12;
	[tilespmem:s10+$0x0] =	vst v11  }
0x1c6: {  	v61 =	vmul.f32 v16, v15;
	[tilespmem:s10+$0x30] =	vst v10  }
0x1c7: {  	v62 =	vmul.f32 v16, v14;
	[tilespmem:s10+$0x40] =	vst v60  }
0x1c8: {  	v8 =	vmul.f32 v16, v8;
	[tilespmem:s10+$0x70] =	vst v61  }
0x1c9: {  	v9 =	vmul.f32 v16, v9;
	[tilespmem:s10+$0x60] =	vst v62  }
0x1ca: {  	v63 =	vmul.f32 v16, v13;
	[tilespmem:s10+$0x10] =	vst v8  }
0x1cb: {  	p1 =	sne.s32 s18, $0x19;
	[tilespmem:s10+$0x20] =	vst v9  }
.Ltmp2:
0x1cc: {  	s4 =	sadd.s32 $0x1B760, s4;
	[tilespmem:s10+$0x50] =	vst v63;
	(pc) =	sbr.rel @p1 .LBB2_3-.Ltmp2, $4  }
0x1cd: {  	[spmem:s3] =	stream.indirect.scatter.add.f32 [tilespmem:s28], [sflag:$0x3], $0x90, s4, s21, $0xb8;
	[tilespmem:$0x1D630] =	vst v63  }
0x1ce: {  	_ =	swait.ge [sflag:s16], $0x1680  }
0x1cf: {  	[sflag:s16] =	ssyncset.done $0x0  }
0x1d0: {  	[sflag:s16] =	ssyncadd.s32 $0xFFFFE980  }
0x1d1: {  	s31 =	sadd.s32 $0x1, s31  }
0x1d2: {  	p1 =	sne.s32 s31, $0x5  }
.Ltmp3:
0x1d3: {  	_ = 	snop;
	(pc) =	sbr.rel @p1 .LBB2_2-.Ltmp3, $1  }
0x1d4: {  	_ =	sdelay $0x3  }
0x1d5: {  	[bflag:$0x0] =	sbarrier.arrive $0xFFFF  }
0x1d6: {  	s0 =	rddreg [dreg:$0x7]  }
0x1d7: {  	[hbm:s0], [sflag:s9] =	dma.local [spmem:s15], $0x2BE0  }
0x1d8: {  	_ =	swait.ge [sflag:s16], $0x2BE0  }
0x1d9: {  	[sflag:s16] =	ssyncset.done $0x0  }
0x1da: {  	s0 =	rddreg [dreg:$0x8];
	[sflag:s16] =	ssyncadd.s32 $0xFFFFD420  }
0x1db: {  	[hbm:s0], [sflag:s9] =	dma.local @!p0 [spmem:s17], $0x120  }
0x1dc: {  	s0 =	simm.s32 @!p0 $0x3  }
0x1dd: {  	_ =	swait.ge @!p0 [sflag:s0], $0x120  }
0x1de: {  	s30 =	sadd.s32 $0x1, s30;
	s2 =	rddreg [dreg:$0x9]  }
0x1df: {  	p1 =	sne.s32 s30, s2  }
.Ltmp4:
0x1e0: {  	_ = 	snop;
	(pc) =	sbr.rel @p1 .LBB2_1-.Ltmp4, $3  }
0x1e1: {  	_ =	sdelay $0x1  }
0x1e2: {  	[sflag:s0] =	ssyncset.done @!p0 $0x0  }
0x1e3: {  	[sflag:s0] =	ssyncadd.s32 @!p0 $0xFFFFFEE0  }
0x1e4: {  	_ =	sfence.sel $0x180000  }
0x1e5: {  	[bflag:$0x0] =	sbarrier.arrive $0xFFFF  }
0x1e6: {  	_ =	strace $0x90000047  }
0x1e7: {  	[bflag:$0x2] =	sbarrier.arrive $0xFFFF  }
0x1e8: {  	s0 =	rddreg [dreg:$0x4]  }
0x1e9: {  	s0 =	sadd.s32 @!p0 $0x100000, s0  }
0x1ea: {  	[sflag:s0] =	ssyncadd.tile.s32 @!p0 $0x1;
	_ =	shalt  }
.Lfunc_end2:
_tile_overlayer_lowered:
.L_overlay_start_2:
0x1eb: {  	(tag) =	ssettag $0x2  }
0x1ec: {  	s0 =	rddreg [dreg:$0x0];
	s2 =	stileid.u32  }
0x1ed: {  	s1 =	rddreg [dreg:$0x1];
	p0 =	sne.s32 s2, $0x0  }
0x1ee: {  	s3 =	rddreg [dreg:$0x2];
	[bflag:$0x3] =	sbarrier.arrive $0xFFFF;
	s2 =	simm.s32 @!p0 $0x1C03  }
0x1ef: {  	[timem:s3], [sflag:s2] =	dma.local @!p0 [hbm:s0], s1  }
0x1f0: {  	s0 =	simm.s32 @!p0 $0x3  }
0x1f1: {  	_ =	swait.ge @!p0 [sflag:s0], s1  }
0x1f2: {  	s1 =	ssub.s32 @!p0 $0x0, s1;
	[sflag:s0] =	ssyncset.done @!p0 $0x0  }
0x1f3: {  	[sflag:s0] =	ssyncadd.s32 @!p0 s1  }
0x1f4: {  	[bflag:$0x3] =	sbarrier.arrive $0xFFFF  }
0x1f5: {  	_ =	shalt  }

</sc_bundles>
